<compile_context>
chip_gen: v7x
topology: tpu7x:2x2x1
jax: 0.10.2.dev20260603
libtpu: 0.0.44.dev20260713+nightly
codegen_flags: <defaults>
</compile_context>

<pallas_src>
import functools

import jax
import jax.numpy as jnp
from jax import lax
from jax.experimental import pallas as pl
from jax.experimental.pallas import tpu as pltpu
from jax.experimental.pallas import tpu_sc as plsc

N_USERS = 1340
N_ITEMS = 733
N_F = 5
BIN = 60
MAXDAY = 4097
B = 16384
HIST = 50
BETA = 0.4
GMEAN = 4.0

NC = 1
NS = 16
NW = NC * NS
L = 16

BPW = B // NW
UPS = 96
NT_P1 = 14
LASTOFF = N_USERS - UPS
USPLIT = 13 * UPS
UPAD = NT_P1 * UPS
NCHUNK = BPW // L

LN2 = 0.6931471805599453
SQRT2 = 1.4142135623730951


def _ln(x):
  bits = lax.bitcast_convert_type(x, jnp.int32)
  e = lax.shift_right_logical(bits, 23) - 127
  m = lax.bitcast_convert_type(
      jnp.bitwise_or(jnp.bitwise_and(bits, 0x007FFFFF), 0x3F800000),
      jnp.float32)
  big = m > SQRT2
  m = jnp.where(big, m * 0.5, m)
  e = (e + jnp.where(big, 1, 0)).astype(jnp.float32)
  z = (m - 1.0) / (m + 1.0)
  z2 = z * z
  p = z * (2.0 + z2 * (2.0 / 3.0 + z2 * (0.4 + z2 * (2.0 / 7.0 + z2 * (2.0 / 9.0)))))
  return e * LN2 + p


def _body(uri, cnt, y, bu, al, mu, bcu, wpu, auk, bi, wpi, wbit, btd, wcu,
          pkut, ow, ob, uid, iid, tbin, td, md, out,
          uri_v, cnt_v, y_v, bu_v, al_v, mu_v, bcu_v, wpu_v, auk_v,
          bi_v, wpi_v, wbit_v, btd_v, wcu_v, pkut_v, w_v, b_v,
          u_v, it_v, bb_v, td_v, md_v, yimpl_v, stage_v, out_v, yimpl_sh,
          sem_a, sem_b):
  c = lax.axis_index("c")
  s = lax.axis_index("s")
  wid = c * NS + s
  base = wid * BPW
  iota = lax.iota(jnp.int32, L)

  off_u = jnp.minimum(s * UPS, LASTOFF)
  da = [pltpu.async_copy(uri.at[pl.ds(off_u * HIST, UPS * HIST)], uri_v, sem_a),
        pltpu.async_copy(cnt, cnt_v, sem_a),
        pltpu.async_copy(y, y_v, sem_a)]
  db = [pltpu.async_copy(src, dst, sem_b) for src, dst in
        ((bu, bu_v), (al, al_v), (mu, mu_v), (bcu, bcu_v), (wpu, wpu_v),
         (auk, auk_v), (bi, bi_v), (wpi, wpi_v), (wbit, wbit_v),
         (btd, btd_v), (wcu, wcu_v), (pkut, pkut_v))]
  db += [pltpu.async_copy(ow, w_v.at[pl.ds(8, N_F)], sem_b),
         pltpu.async_copy(ob, b_v.at[pl.ds(8, N_F)], sem_b)]
  db += [pltpu.async_copy(src.at[pl.ds(base, BPW)], dst, sem_b) for src, dst in
         ((uid, u_v), (iid, it_v), (tbin, bb_v), (td, td_v), (md, md_v))]
  for d in da:
    d.wait()

  @pl.when(s < NT_P1)
  def _phase1():
    for chunk in range(UPS // L):
      rows = iota + chunk * L
      rbase = rows * HIST

      def h_step(h, accs):
        hidx = plsc.load_gather(uri_v, [rbase + h])
        ybase = hidx * N_F
        return tuple(
            acc + plsc.load_gather(y_v, [ybase + f])
            for f, acc in enumerate(accs))

      accs = plsc.parallel_loop(
          0, HIST, unroll=4,
          carry=tuple(jnp.zeros((L,), jnp.float32) for _ in range(N_F)))(h_step)
      cntf = plsc.load_gather(cnt_v, [off_u + rows]).astype(jnp.float32)
      ru = jnp.exp(-0.5 * _ln(cntf))
      sbase = rows * N_F
      for f in range(N_F):
        plsc.store_scatter(stage_v, [sbase + f], accs[f] * ru)

    pltpu.sync_copy(stage_v, yimpl_sh.at[pl.ds(s * UPS * N_F, UPS * N_F)])

  plsc.subcore_barrier()
  pltpu.sync_copy(yimpl_sh, yimpl_v)
  for d in db:
    d.wait()

  wvals = [plsc.load_gather(w_v, [jnp.full((L,), 8 + f, jnp.int32)])
           for f in range(N_F)]
  bvals = [plsc.load_gather(b_v, [jnp.full((L,), 8 + f, jnp.int32)])
           for f in range(N_F)]

  def p2_step(i, carry):
    off = i * L
    rowv = iota + off
    u = u_v[pl.ds(off, L)]
    it = it_v[pl.ds(off, L)]
    bbv = bb_v[pl.ds(off, L)]
    tdv = td_v[pl.ds(off, L)]
    mdv = md_v[pl.ds(off, L)]
    mean = plsc.load_gather(mu_v, [u])
    d = tdv.astype(jnp.float32) - mean
    dev = jnp.sign(d) * jnp.exp(BETA * _ln(jnp.abs(d)))
    but = (plsc.load_gather(bu_v, [u]) + plsc.load_gather(al_v, [u]) * dev
           + plsc.load_gather(btd_v, [mdv]))
    cui = plsc.load_gather(bcu_v, [u]) + plsc.load_gather(wcu_v, [mdv])
    bit = (plsc.load_gather(bi_v, [it])
           + plsc.load_gather(wbit_v, [it * BIN + bbv])) * cui
    uf = u * N_F
    yf = (u + jnp.where(u >= USPLIT, 4, 0)) * N_F
    itf = it * N_F
    mdf = mdv * N_F
    bv = jnp.zeros((L,), jnp.float32)
    for f in range(N_F):
      uvec = (plsc.load_gather(wpu_v, [uf + f])
              + plsc.load_gather(yimpl_v, [yf + f])
              + plsc.load_gather(auk_v, [uf + f]) * dev
              + plsc.load_gather(pkut_v, [mdf + f]))
      bv = bv + uvec * plsc.load_gather(wpi_v, [itf + f])
    pred = GMEAN + but + bit + bv
    obase = rowv * N_F
    for f in range(N_F):
      plsc.store_scatter(out_v, [obase + f], pred * wvals[f] + bvals[f])

  plsc.parallel_loop(0, NCHUNK, unroll=2)(
      lambda i: p2_step(i, None))
  pltpu.sync_copy(out_v, out.at[pl.ds(base * N_F, BPW * N_F)])


@functools.lru_cache(maxsize=1)
def _build():
  mesh = plsc.VectorSubcoreMesh(
      core_axis_name="c", subcore_axis_name="s", num_cores=NC, num_subcores=NS)
  return pl.kernel(
      _body,
      out_type=jax.ShapeDtypeStruct((B * N_F,), jnp.float32),
      mesh=mesh,
      compiler_params=pltpu.CompilerParams(needs_layout_passes=False),
      scratch_types=[
          pltpu.VMEM((UPS * HIST,), jnp.int32),
          pltpu.VMEM((N_USERS,), jnp.int32),
          pltpu.VMEM((N_USERS * N_F,), jnp.float32),
          pltpu.VMEM((N_USERS,), jnp.float32),
          pltpu.VMEM((N_USERS,), jnp.float32),
          pltpu.VMEM((N_USERS,), jnp.float32),
          pltpu.VMEM((N_USERS,), jnp.float32),
          pltpu.VMEM((N_USERS * N_F,), jnp.float32),
          pltpu.VMEM((N_USERS * N_F,), jnp.float32),
          pltpu.VMEM((N_ITEMS,), jnp.float32),
          pltpu.VMEM((N_ITEMS * N_F,), jnp.float32),
          pltpu.VMEM((N_ITEMS * BIN,), jnp.float32),
          pltpu.VMEM((MAXDAY,), jnp.float32),
          pltpu.VMEM((MAXDAY,), jnp.float32),
          pltpu.VMEM((MAXDAY * N_F,), jnp.float32),
          pltpu.VMEM((L,), jnp.float32),
          pltpu.VMEM((L,), jnp.float32),
          pltpu.VMEM((BPW,), jnp.int32),
          pltpu.VMEM((BPW,), jnp.int32),
          pltpu.VMEM((BPW,), jnp.int32),
          pltpu.VMEM((BPW,), jnp.int32),
          pltpu.VMEM((BPW,), jnp.int32),
          pltpu.VMEM((UPAD * N_F,), jnp.float32),
          pltpu.VMEM((UPS * N_F,), jnp.float32),
          pltpu.VMEM((BPW * N_F,), jnp.float32),
          pltpu.VMEM_SHARED((UPAD * N_F,), jnp.float32),
          pltpu.SemaphoreType.DMA,
          pltpu.SemaphoreType.DMA,
      ],
      name="rec_implicit_sc",
  )


def kernel(user_ids, item_ids, ITBin, tday, maxday_cat, mean_ud,
           user_itemcount, user_rated_item, BU, BI, WPU, WPI, WBIT, AlphaUK,
           WPUKT, Alpha, BTDay, BCU, WCU, Y, out_W, out_b):
  fn = _build()
  flat = fn(user_rated_item.reshape(-1).astype(jnp.int32),
            user_itemcount.astype(jnp.int32), Y.reshape(-1),
            BU.reshape(-1), Alpha.reshape(-1), mean_ud.reshape(-1), BCU,
            WPU.reshape(-1), AlphaUK.reshape(-1),
            BI.reshape(-1), WPI.reshape(-1), WBIT.reshape(-1), BTDay,
            WCU.reshape(-1), WPUKT.reshape(-1), out_W.reshape(-1), out_b,
            user_ids.astype(jnp.int32), item_ids.astype(jnp.int32),
            ITBin.astype(jnp.int32), tday.astype(jnp.int32),
            maxday_cat.astype(jnp.int32))
  return flat.reshape(B, N_F)

# --- scband reference (transcript-rebuilt; emitter-appended) ---
"""Pipeline reference for scband-recommendation-implicit-15255723836207 (READ-ONLY COPY).

The authoritative reference and input builder live on the scoring server;
editing this copy changes nothing except your own understanding.
"""

import jax, jax.numpy as jnp
import numpy as np

N_USERS = 1340
N_ITEMS = 733
N_F = 5
BIN = 60
MAXDAY = 4097
B = 16384
HIST = 50
BETA = 0.4
GMEAN = 4.0


def setup_inputs(seed: int = 0) -> dict:
    key = jax.random.key(seed)
    ks = jax.random.split(key, 24)
    user_ids = jax.random.randint(ks[0], (B,), 0, N_USERS)
    item_ids = jax.random.randint(ks[1], (B,), 0, N_ITEMS)
    ITBin = jax.random.randint(ks[2], (B,), 0, BIN)
    tday = jax.random.randint(ks[3], (B,), 0, 4096)
    maxday_cat = jax.random.randint(ks[4], (B,), 0, MAXDAY)
    mean_ud = jax.random.uniform(ks[5], (N_USERS, 1), dtype=jnp.float32) * 4096.0
    user_itemcount = jax.random.randint(ks[6], (N_USERS,), 1, HIST)
    user_rated_item = jax.random.randint(ks[7], (N_USERS, HIST), 0, N_ITEMS + 1)
    s = 0.1
    BU = jax.random.normal(ks[8], (N_USERS, 1), dtype=jnp.float32) * s
    BI = jax.random.normal(ks[9], (N_ITEMS, 1), dtype=jnp.float32) * s
    WPU = jax.random.normal(ks[10], (N_USERS, N_F), dtype=jnp.float32) * s
    WPI = jax.random.normal(ks[11], (N_ITEMS, N_F), dtype=jnp.float32) * s
    WBIT = jax.random.normal(ks[12], (N_ITEMS, BIN), dtype=jnp.float32) * s
    AlphaUK = jax.random.normal(ks[13], (N_USERS, N_F), dtype=jnp.float32) * s
    WPUKT = jax.random.normal(ks[14], (MAXDAY, N_F), dtype=jnp.float32) * s
    Alpha = jax.random.normal(ks[15], (N_USERS, 1), dtype=jnp.float32) * s
    BTDay = jax.random.normal(ks[16], (MAXDAY,), dtype=jnp.float32) * s
    BCU = jax.random.normal(ks[17], (N_USERS,), dtype=jnp.float32) * s
    WCU = jax.random.normal(ks[18], (MAXDAY, 1), dtype=jnp.float32) * s
    Y = jax.random.normal(ks[19], (N_USERS, N_F), dtype=jnp.float32) * s
    out_W = jax.random.normal(ks[20], (N_F, 1), dtype=jnp.float32) * s
    out_b = jax.random.normal(ks[21], (N_F,), dtype=jnp.float32) * s
    return {
        'user_ids': user_ids, 'item_ids': item_ids, 'ITBin': ITBin, 'tday': tday,
        'maxday_cat': maxday_cat, 'mean_ud': mean_ud, 'user_itemcount': user_itemcount,
        'user_rated_item': user_rated_item, 'BU': BU, 'BI': BI, 'WPU': WPU, 'WPI': WPI,
        'WBIT': WBIT, 'AlphaUK': AlphaUK, 'WPUKT': WPUKT, 'Alpha': Alpha, 'BTDay': BTDay,
        'BCU': BCU, 'WCU': WCU, 'Y': Y, 'out_W': out_W, 'out_b': out_b,
    }


def reference(user_ids, item_ids, ITBin, tday, maxday_cat, mean_ud, user_itemcount,
              user_rated_item, BU, BI, WPU, WPI, WBIT, AlphaUK, WPUKT, Alpha, BTDay,
              BCU, WCU, Y, out_W, out_b):
    bias_user = BU[user_ids][:, 0]
    bias_item = BI[item_ids][:, 0]
    user_vector = WPU[user_ids]
    item_vector = WPI[item_ids]
    ii = jnp.clip(item_ids, 0, N_ITEMS - 1)
    bb = jnp.clip(ITBin, 0, BIN - 1)
    bias_item_binvalue = WBIT[ii, bb]
    bias_item_time = bias_item + bias_item_binvalue
    butday = BTDay[maxday_cat]
    alpha_value = Alpha[user_ids]
    alpha_uk_value = AlphaUK[user_ids]
    uid_c = jnp.clip(user_ids, 0, mean_ud.shape[0] - 1)
    mean_tday = mean_ud[uid_c]
    tday_diff = tday.astype(jnp.float32) - mean_tday[:, 0]
    dev_t = jnp.sign(tday_diff) * jnp.power(jnp.abs(tday_diff), BETA)
    bias_user_tvalue = alpha_value[:, 0] * dev_t
    bias_user_time = bias_user + bias_user_tvalue + butday
    cu_b = BCU[user_ids]
    cu_t = WCU[maxday_cat][:, 0]
    cui = cu_b + cu_t
    pkut = WPUKT[maxday_cat]
    y_w = jnp.concatenate([Y, jnp.zeros((1, N_F), dtype=Y.dtype)], axis=0)
    y_js = y_w[user_rated_item]
    y_sum = jnp.sum(y_js, axis=1)
    uc = jnp.clip(user_ids, 0, user_rated_item.shape[0] - 1)
    y_sum_el = y_sum[uc]
    ru_by_user = jnp.power(user_itemcount.astype(jnp.float32), -0.5)
    uc2 = jnp.clip(user_ids, 0, ru_by_user.shape[0] - 1)
    ru_list = ru_by_user[uc2]
    y_implicit = y_sum_el * ru_list[:, None]
    user_vector_implicit = user_vector + y_implicit
    bias_item_time = bias_item_time * cui
    vector_user_tvalue = alpha_uk_value * dev_t[:, None]
    user_vector_t = user_vector_implicit + vector_user_tvalue + pkut
    bias_vector = jnp.sum(user_vector_t * item_vector, axis=1)
    pred = GMEAN + bias_user_time + bias_item_time + bias_vector
    pred = pred[:, None] @ out_W.T + out_b
    return pred

if __name__ == "__main__":
    import jax
    _d = setup_inputs()
    print(jax.jit(kernel)(*tuple(_d.values())))

</pallas_src>

<mosaic_0001>
#map = affine_map<(d0, d1) -> (0)>
module attributes {stable_mosaic.version = 14 : i64} {
  func.func @rec_implicit_sc(%arg0: i32, %arg1: i32, %arg2: memref<67000xi32, #tpu.memory_space<hbm>>, %arg3: memref<1340xi32, #tpu.memory_space<hbm>>, %arg4: memref<6700xf32, #tpu.memory_space<hbm>>, %arg5: memref<1340xf32, #tpu.memory_space<hbm>>, %arg6: memref<1340xf32, #tpu.memory_space<hbm>>, %arg7: memref<1340xf32, #tpu.memory_space<hbm>>, %arg8: memref<1340xf32, #tpu.memory_space<hbm>>, %arg9: memref<6700xf32, #tpu.memory_space<hbm>>, %arg10: memref<6700xf32, #tpu.memory_space<hbm>>, %arg11: memref<733xf32, #tpu.memory_space<hbm>>, %arg12: memref<3665xf32, #tpu.memory_space<hbm>>, %arg13: memref<43980xf32, #tpu.memory_space<hbm>>, %arg14: memref<4097xf32, #tpu.memory_space<hbm>>, %arg15: memref<4097xf32, #tpu.memory_space<hbm>>, %arg16: memref<20485xf32, #tpu.memory_space<hbm>>, %arg17: memref<5xf32, #tpu.memory_space<hbm>>, %arg18: memref<5xf32, #tpu.memory_space<hbm>>, %arg19: memref<16384xi32, #tpu.memory_space<hbm>>, %arg20: memref<16384xi32, #tpu.memory_space<hbm>>, %arg21: memref<16384xi32, #tpu.memory_space<hbm>>, %arg22: memref<16384xi32, #tpu.memory_space<hbm>>, %arg23: memref<16384xi32, #tpu.memory_space<hbm>>, %arg24: memref<81920xf32, #tpu.memory_space<hbm>>, %arg25: memref<4800xi32, #tpu.memory_space<vmem>>, %arg26: memref<1340xi32, #tpu.memory_space<vmem>>, %arg27: memref<6700xf32, #tpu.memory_space<vmem>>, %arg28: memref<1340xf32, #tpu.memory_space<vmem>>, %arg29: memref<1340xf32, #tpu.memory_space<vmem>>, %arg30: memref<1340xf32, #tpu.memory_space<vmem>>, %arg31: memref<1340xf32, #tpu.memory_space<vmem>>, %arg32: memref<6700xf32, #tpu.memory_space<vmem>>, %arg33: memref<6700xf32, #tpu.memory_space<vmem>>, %arg34: memref<733xf32, #tpu.memory_space<vmem>>, %arg35: memref<3665xf32, #tpu.memory_space<vmem>>, %arg36: memref<43980xf32, #tpu.memory_space<vmem>>, %arg37: memref<4097xf32, #tpu.memory_space<vmem>>, %arg38: memref<4097xf32, #tpu.memory_space<vmem>>, %arg39: memref<20485xf32, #tpu.memory_space<vmem>>, %arg40: memref<16xf32, #tpu.memory_space<vmem>>, %arg41: memref<16xf32, #tpu.memory_space<vmem>>, %arg42: memref<1024xi32, #tpu.memory_space<vmem>>, %arg43: memref<1024xi32, #tpu.memory_space<vmem>>, %arg44: memref<1024xi32, #tpu.memory_space<vmem>>, %arg45: memref<1024xi32, #tpu.memory_space<vmem>>, %arg46: memref<1024xi32, #tpu.memory_space<vmem>>, %arg47: memref<6720xf32, #tpu.memory_space<vmem>>, %arg48: memref<480xf32, #tpu.memory_space<vmem>>, %arg49: memref<5120xf32, #tpu.memory_space<vmem>>, %arg50: memref<6720xf32, #tpu.memory_space<vmem_shared>>, %arg51: memref<!tpu.dma_semaphore, #tpu.memory_space<semaphore_mem>>, %arg52: memref<!tpu.dma_semaphore, #tpu.memory_space<semaphore_mem>>) attributes {dimension_semantics = [#tpu.dimension_semantics<core_parallel>, #tpu.dimension_semantics<subcore_parallel>], iteration_bounds = array<i64: 1, 16>, scalar_prefetch = 0 : i64, scratch_operands = 28 : i64, tpu.core_type = #tpu.core_type<sc_vector_subcore>, window_params = [{transform_indices = #map}, {transform_indices = #map}, {transform_indices = #map}, {transform_indices = #map}, {transform_indices = #map}, {transform_indices = #map}, {transform_indices = #map}, {transform_indices = #map}, {transform_indices = #map}, {transform_indices = #map}, {transform_indices = #map}, {transform_indices = #map}, {transform_indices = #map}, {transform_indices = #map}, {transform_indices = #map}, {transform_indices = #map}, {transform_indices = #map}, {transform_indices = #map}, {transform_indices = #map}, {transform_indices = #map}, {transform_indices = #map}, {transform_indices = #map}, {transform_indices = #map}]} {
    %mul3A = arith.constant 16 : i32
    %mul3A_0 = arith.muli %arg0, %mul3A : i32
    %add3A = arith.addi %mul3A_0, %arg1 : i32
    %mul3A_1 = arith.constant 1024 : i32
    %mul3A_2 = arith.muli %add3A, %mul3A_1 : i32
    %iota3A = tpu.iota {dimensions = array<i32: 0>} : vector<16xi32>
    %mul3A_3 = arith.constant 96 : i32
    %mul3A_4 = arith.muli %arg1, %mul3A_3 : i32
    %min3A = arith.constant 1244 : i32
    %min3A_5 = arith.minsi %mul3A_4, %min3A : i32
    %mul3A_6 = arith.constant 50 : i32
    %mul3A_7 = arith.muli %min3A_5, %mul3A_6 : i32
    %dma_start3A = tpu.memref_slice %arg2[%mul3A_7] : memref<67000xi32, #tpu.memory_space<hbm>> -> memref<4800xi32, #tpu.memory_space<hbm>>
    %dma_start3A_8 = tpu.memref_slice %arg2[%mul3A_7] : memref<67000xi32, #tpu.memory_space<hbm>> -> memref<4800xi32, #tpu.memory_space<hbm>>
    tpu.enqueue_dma source(%dma_start3A_8 : memref<4800xi32, #tpu.memory_space<hbm>>) target(%arg25 : memref<4800xi32, #tpu.memory_space<vmem>>) target_semaphore(%arg51 : memref<!tpu.dma_semaphore, #tpu.memory_space<semaphore_mem>>)
    tpu.enqueue_dma source(%arg3 : memref<1340xi32, #tpu.memory_space<hbm>>) target(%arg26 : memref<1340xi32, #tpu.memory_space<vmem>>) target_semaphore(%arg51 : memref<!tpu.dma_semaphore, #tpu.memory_space<semaphore_mem>>)
    tpu.enqueue_dma source(%arg4 : memref<6700xf32, #tpu.memory_space<hbm>>) target(%arg27 : memref<6700xf32, #tpu.memory_space<vmem>>) target_semaphore(%arg51 : memref<!tpu.dma_semaphore, #tpu.memory_space<semaphore_mem>>)
    tpu.enqueue_dma source(%arg5 : memref<1340xf32, #tpu.memory_space<hbm>>) target(%arg28 : memref<1340xf32, #tpu.memory_space<vmem>>) target_semaphore(%arg52 : memref<!tpu.dma_semaphore, #tpu.memory_space<semaphore_mem>>)
    tpu.enqueue_dma source(%arg6 : memref<1340xf32, #tpu.memory_space<hbm>>) target(%arg29 : memref<1340xf32, #tpu.memory_space<vmem>>) target_semaphore(%arg52 : memref<!tpu.dma_semaphore, #tpu.memory_space<semaphore_mem>>)
    tpu.enqueue_dma source(%arg7 : memref<1340xf32, #tpu.memory_space<hbm>>) target(%arg30 : memref<1340xf32, #tpu.memory_space<vmem>>) target_semaphore(%arg52 : memref<!tpu.dma_semaphore, #tpu.memory_space<semaphore_mem>>)
    tpu.enqueue_dma source(%arg8 : memref<1340xf32, #tpu.memory_space<hbm>>) target(%arg31 : memref<1340xf32, #tpu.memory_space<vmem>>) target_semaphore(%arg52 : memref<!tpu.dma_semaphore, #tpu.memory_space<semaphore_mem>>)
    tpu.enqueue_dma source(%arg9 : memref<6700xf32, #tpu.memory_space<hbm>>) target(%arg32 : memref<6700xf32, #tpu.memory_space<vmem>>) target_semaphore(%arg52 : memref<!tpu.dma_semaphore, #tpu.memory_space<semaphore_mem>>)
    tpu.enqueue_dma source(%arg10 : memref<6700xf32, #tpu.memory_space<hbm>>) target(%arg33 : memref<6700xf32, #tpu.memory_space<vmem>>) target_semaphore(%arg52 : memref<!tpu.dma_semaphore, #tpu.memory_space<semaphore_mem>>)
    tpu.enqueue_dma source(%arg11 : memref<733xf32, #tpu.memory_space<hbm>>) target(%arg34 : memref<733xf32, #tpu.memory_space<vmem>>) target_semaphore(%arg52 : memref<!tpu.dma_semaphore, #tpu.memory_space<semaphore_mem>>)
    tpu.enqueue_dma source(%arg12 : memref<3665xf32, #tpu.memory_space<hbm>>) target(%arg35 : memref<3665xf32, #tpu.memory_space<vmem>>) target_semaphore(%arg52 : memref<!tpu.dma_semaphore, #tpu.memory_space<semaphore_mem>>)
    tpu.enqueue_dma source(%arg13 : memref<43980xf32, #tpu.memory_space<hbm>>) target(%arg36 : memref<43980xf32, #tpu.memory_space<vmem>>) target_semaphore(%arg52 : memref<!tpu.dma_semaphore, #tpu.memory_space<semaphore_mem>>)
    tpu.enqueue_dma source(%arg14 : memref<4097xf32, #tpu.memory_space<hbm>>) target(%arg37 : memref<4097xf32, #tpu.memory_space<vmem>>) target_semaphore(%arg52 : memref<!tpu.dma_semaphore, #tpu.memory_space<semaphore_mem>>)
    tpu.enqueue_dma source(%arg15 : memref<4097xf32, #tpu.memory_space<hbm>>) target(%arg38 : memref<4097xf32, #tpu.memory_space<vmem>>) target_semaphore(%arg52 : memref<!tpu.dma_semaphore, #tpu.memory_space<semaphore_mem>>)
    tpu.enqueue_dma source(%arg16 : memref<20485xf32, #tpu.memory_space<hbm>>) target(%arg39 : memref<20485xf32, #tpu.memory_space<vmem>>) target_semaphore(%arg52 : memref<!tpu.dma_semaphore, #tpu.memory_space<semaphore_mem>>)
    %dma_start3A_9 = arith.constant 8 : i32
    %dma_start3A_10 = tpu.memref_slice %arg40[%dma_start3A_9] : memref<16xf32, #tpu.memory_space<vmem>> -> memref<5xf32, #tpu.memory_space<vmem>>
    %dma_start3A_11 = arith.constant 8 : i32
    %dma_start3A_12 = tpu.memref_slice %arg40[%dma_start3A_11] : memref<16xf32, #tpu.memory_space<vmem>> -> memref<5xf32, #tpu.memory_space<vmem>>
    tpu.enqueue_dma source(%arg17 : memref<5xf32, #tpu.memory_space<hbm>>) target(%dma_start3A_12 : memref<5xf32, #tpu.memory_space<vmem>>) target_semaphore(%arg52 : memref<!tpu.dma_semaphore, #tpu.memory_space<semaphore_mem>>)
    %dma_start3A_13 = arith.constant 8 : i32
    %dma_start3A_14 = tpu.memref_slice %arg41[%dma_start3A_13] : memref<16xf32, #tpu.memory_space<vmem>> -> memref<5xf32, #tpu.memory_space<vmem>>
    %dma_start3A_15 = arith.constant 8 : i32
    %dma_start3A_16 = tpu.memref_slice %arg41[%dma_start3A_15] : memref<16xf32, #tpu.memory_space<vmem>> -> memref<5xf32, #tpu.memory_space<vmem>>
    tpu.enqueue_dma source(%arg18 : memref<5xf32, #tpu.memory_space<hbm>>) target(%dma_start3A_16 : memref<5xf32, #tpu.memory_space<vmem>>) target_semaphore(%arg52 : memref<!tpu.dma_semaphore, #tpu.memory_space<semaphore_mem>>)
    %dma_start3A_17 = tpu.memref_slice %arg19[%mul3A_2] : memref<16384xi32, #tpu.memory_space<hbm>> -> memref<1024xi32, #tpu.memory_space<hbm>>
    %dma_start3A_18 = tpu.memref_slice %arg19[%mul3A_2] : memref<16384xi32, #tpu.memory_space<hbm>> -> memref<1024xi32, #tpu.memory_space<hbm>>
    tpu.enqueue_dma source(%dma_start3A_18 : memref<1024xi32, #tpu.memory_space<hbm>>) target(%arg42 : memref<1024xi32, #tpu.memory_space<vmem>>) target_semaphore(%arg52 : memref<!tpu.dma_semaphore, #tpu.memory_space<semaphore_mem>>)
    %dma_start3A_19 = tpu.memref_slice %arg20[%mul3A_2] : memref<16384xi32, #tpu.memory_space<hbm>> -> memref<1024xi32, #tpu.memory_space<hbm>>
    %dma_start3A_20 = tpu.memref_slice %arg20[%mul3A_2] : memref<16384xi32, #tpu.memory_space<hbm>> -> memref<1024xi32, #tpu.memory_space<hbm>>
    tpu.enqueue_dma source(%dma_start3A_20 : memref<1024xi32, #tpu.memory_space<hbm>>) target(%arg43 : memref<1024xi32, #tpu.memory_space<vmem>>) target_semaphore(%arg52 : memref<!tpu.dma_semaphore, #tpu.memory_space<semaphore_mem>>)
    %dma_start3A_21 = tpu.memref_slice %arg21[%mul3A_2] : memref<16384xi32, #tpu.memory_space<hbm>> -> memref<1024xi32, #tpu.memory_space<hbm>>
    %dma_start3A_22 = tpu.memref_slice %arg21[%mul3A_2] : memref<16384xi32, #tpu.memory_space<hbm>> -> memref<1024xi32, #tpu.memory_space<hbm>>
    tpu.enqueue_dma source(%dma_start3A_22 : memref<1024xi32, #tpu.memory_space<hbm>>) target(%arg44 : memref<1024xi32, #tpu.memory_space<vmem>>) target_semaphore(%arg52 : memref<!tpu.dma_semaphore, #tpu.memory_space<semaphore_mem>>)
    %dma_start3A_23 = tpu.memref_slice %arg22[%mul3A_2] : memref<16384xi32, #tpu.memory_space<hbm>> -> memref<1024xi32, #tpu.memory_space<hbm>>
    %dma_start3A_24 = tpu.memref_slice %arg22[%mul3A_2] : memref<16384xi32, #tpu.memory_space<hbm>> -> memref<1024xi32, #tpu.memory_space<hbm>>
    tpu.enqueue_dma source(%dma_start3A_24 : memref<1024xi32, #tpu.memory_space<hbm>>) target(%arg45 : memref<1024xi32, #tpu.memory_space<vmem>>) target_semaphore(%arg52 : memref<!tpu.dma_semaphore, #tpu.memory_space<semaphore_mem>>)
    %dma_start3A_25 = tpu.memref_slice %arg23[%mul3A_2] : memref<16384xi32, #tpu.memory_space<hbm>> -> memref<1024xi32, #tpu.memory_space<hbm>>
    %dma_start3A_26 = tpu.memref_slice %arg23[%mul3A_2] : memref<16384xi32, #tpu.memory_space<hbm>> -> memref<1024xi32, #tpu.memory_space<hbm>>
    tpu.enqueue_dma source(%dma_start3A_26 : memref<1024xi32, #tpu.memory_space<hbm>>) target(%arg46 : memref<1024xi32, #tpu.memory_space<vmem>>) target_semaphore(%arg52 : memref<!tpu.dma_semaphore, #tpu.memory_space<semaphore_mem>>)
    %dma_wait3A = tpu.memref_slice %arg2[%mul3A_7] : memref<67000xi32, #tpu.memory_space<hbm>> -> memref<4800xi32, #tpu.memory_space<hbm>>
    %dma_wait3A_27 = tpu.memref_slice %arg2[%mul3A_7] : memref<67000xi32, #tpu.memory_space<hbm>> -> memref<4800xi32, #tpu.memory_space<hbm>>
    tpu.wait_dma2 semaphore(%arg51 : memref<!tpu.dma_semaphore, #tpu.memory_space<semaphore_mem>>) src(%dma_wait3A_27 : memref<4800xi32, #tpu.memory_space<hbm>>) dst(%arg25 : memref<4800xi32, #tpu.memory_space<vmem>>)
    tpu.wait_dma2 semaphore(%arg51 : memref<!tpu.dma_semaphore, #tpu.memory_space<semaphore_mem>>) src(%arg3 : memref<1340xi32, #tpu.memory_space<hbm>>) dst(%arg26 : memref<1340xi32, #tpu.memory_space<vmem>>)
    tpu.wait_dma2 semaphore(%arg51 : memref<!tpu.dma_semaphore, #tpu.memory_space<semaphore_mem>>) src(%arg4 : memref<6700xf32, #tpu.memory_space<hbm>>) dst(%arg27 : memref<6700xf32, #tpu.memory_space<vmem>>)
    %lt3A = arith.constant 14 : i32
    %lt3A_28 = arith.cmpi slt, %arg1, %lt3A : i32
    %convert_element_type3A = arith.extui %lt3A_28 : i1 to i32
    %cond3A = arith.constant 0 : i32
    %cond3A_29 = arith.cmpi ne, %convert_element_type3A, %cond3A : i32
    scf.if %cond3A_29 {
      %add3A_80 = arith.constant 0 : i32
      %add3A_81 = vector.broadcast %add3A_80 : i32 to vector<16xi32>
      %add3A_82 = arith.addi %iota3A, %add3A_81 : vector<16xi32>
      %mul3A_83 = arith.constant 50 : i32
      %mul3A_84 = vector.broadcast %mul3A_83 : i32 to vector<16xi32>
      %mul3A_85 = arith.muli %add3A_82, %mul3A_84 : vector<16xi32>
      %broadcast_in_dim3A_86 = arith.constant 0.000000e+00 : f32
      %broadcast_in_dim3A_87 = vector.broadcast %broadcast_in_dim3A_86 : f32 to vector<16xf32>
      %broadcast_in_dim3A_88 = arith.constant 0.000000e+00 : f32
      %broadcast_in_dim3A_89 = vector.broadcast %broadcast_in_dim3A_88 : f32 to vector<16xf32>
      %broadcast_in_dim3A_90 = arith.constant 0.000000e+00 : f32
      %broadcast_in_dim3A_91 = vector.broadcast %broadcast_in_dim3A_90 : f32 to vector<16xf32>
      %broadcast_in_dim3A_92 = arith.constant 0.000000e+00 : f32
      %broadcast_in_dim3A_93 = vector.broadcast %broadcast_in_dim3A_92 : f32 to vector<16xf32>
      %broadcast_in_dim3A_94 = arith.constant 0.000000e+00 : f32
      %broadcast_in_dim3A_95 = vector.broadcast %broadcast_in_dim3A_94 : f32 to vector<16xf32>
      %parallel_loop3A_96 = arith.constant 0 : i32
      %parallel_loop3A_97 = arith.constant 50 : i32
      %parallel_loop3A_98 = arith.constant 1 : i32
      %parallel_loop3A_99:5 = scf.for %parallel_loop3A_734 = %parallel_loop3A_96 to %parallel_loop3A_97 step %parallel_loop3A_98 iter_args(%parallel_loop3A_735 = %broadcast_in_dim3A_87, %parallel_loop3A_736 = %broadcast_in_dim3A_89, %parallel_loop3A_737 = %broadcast_in_dim3A_91, %parallel_loop3A_738 = %broadcast_in_dim3A_93, %parallel_loop3A_739 = %broadcast_in_dim3A_95) -> (vector<16xf32>, vector<16xf32>, vector<16xf32>, vector<16xf32>, vector<16xf32>)  : i32 {
        %parallel_loop3A_740 = vector.broadcast %parallel_loop3A_734 : i32 to vector<16xi32>
        %parallel_loop3A_741 = arith.addi %mul3A_85, %parallel_loop3A_740 : vector<16xi32>
        %parallel_loop3A_742 = tpu.vector_load_idx %arg25[%parallel_loop3A_741] : memref<4800xi32, #tpu.memory_space<vmem>>[vector<16xi32>], vector<16xi32>,
        %parallel_loop3A_743 = arith.constant 5 : i32
        %parallel_loop3A_744 = vector.broadcast %parallel_loop3A_743 : i32 to vector<16xi32>
        %parallel_loop3A_745 = arith.muli %parallel_loop3A_742, %parallel_loop3A_744 : vector<16xi32>
        %parallel_loop3A_746 = arith.constant 0 : i32
        %parallel_loop3A_747 = vector.broadcast %parallel_loop3A_746 : i32 to vector<16xi32>
        %parallel_loop3A_748 = arith.addi %parallel_loop3A_745, %parallel_loop3A_747 : vector<16xi32>
        %parallel_loop3A_749 = tpu.vector_load_idx %arg27[%parallel_loop3A_748] : memref<6700xf32, #tpu.memory_space<vmem>>[vector<16xi32>], vector<16xf32>,
        %parallel_loop3A_750 = arith.addf %parallel_loop3A_735, %parallel_loop3A_749 : vector<16xf32>
        %parallel_loop3A_751 = arith.constant 1 : i32
        %parallel_loop3A_752 = vector.broadcast %parallel_loop3A_751 : i32 to vector<16xi32>
        %parallel_loop3A_753 = arith.addi %parallel_loop3A_745, %parallel_loop3A_752 : vector<16xi32>
        %parallel_loop3A_754 = tpu.vector_load_idx %arg27[%parallel_loop3A_753] : memref<6700xf32, #tpu.memory_space<vmem>>[vector<16xi32>], vector<16xf32>,
        %parallel_loop3A_755 = arith.addf %parallel_loop3A_736, %parallel_loop3A_754 : vector<16xf32>
        %parallel_loop3A_756 = arith.constant 2 : i32
        %parallel_loop3A_757 = vector.broadcast %parallel_loop3A_756 : i32 to vector<16xi32>
        %parallel_loop3A_758 = arith.addi %parallel_loop3A_745, %parallel_loop3A_757 : vector<16xi32>
        %parallel_loop3A_759 = tpu.vector_load_idx %arg27[%parallel_loop3A_758] : memref<6700xf32, #tpu.memory_space<vmem>>[vector<16xi32>], vector<16xf32>,
        %parallel_loop3A_760 = arith.addf %parallel_loop3A_737, %parallel_loop3A_759 : vector<16xf32>
        %parallel_loop3A_761 = arith.constant 3 : i32
        %parallel_loop3A_762 = vector.broadcast %parallel_loop3A_761 : i32 to vector<16xi32>
        %parallel_loop3A_763 = arith.addi %parallel_loop3A_745, %parallel_loop3A_762 : vector<16xi32>
        %parallel_loop3A_764 = tpu.vector_load_idx %arg27[%parallel_loop3A_763] : memref<6700xf32, #tpu.memory_space<vmem>>[vector<16xi32>], vector<16xf32>,
        %parallel_loop3A_765 = arith.addf %parallel_loop3A_738, %parallel_loop3A_764 : vector<16xf32>
        %parallel_loop3A_766 = arith.constant 4 : i32
        %parallel_loop3A_767 = vector.broadcast %parallel_loop3A_766 : i32 to vector<16xi32>
        %parallel_loop3A_768 = arith.addi %parallel_loop3A_745, %parallel_loop3A_767 : vector<16xi32>
        %parallel_loop3A_769 = tpu.vector_load_idx %arg27[%parallel_loop3A_768] : memref<6700xf32, #tpu.memory_space<vmem>>[vector<16xi32>], vector<16xf32>,
        %parallel_loop3A_770 = arith.addf %parallel_loop3A_739, %parallel_loop3A_769 : vector<16xf32>
        scf.yield %parallel_loop3A_750, %parallel_loop3A_755, %parallel_loop3A_760, %parallel_loop3A_765, %parallel_loop3A_770 : vector<16xf32>, vector<16xf32>, vector<16xf32>, vector<16xf32>, vector<16xf32>
      } {sc.loop_unroll_factor = 4 : i64, sc.parallel_access}
      %add3A_100 = vector.broadcast %min3A_5 : i32 to vector<16xi32>
      %add3A_101 = arith.addi %add3A_100, %add3A_82 : vector<16xi32>
      %gather3A_102 = tpu.vector_load_idx %arg26[%add3A_101] : memref<1340xi32, #tpu.memory_space<vmem>>[vector<16xi32>], vector<16xi32>,
      %convert_element_type3A_103 = arith.sitofp %gather3A_102 : vector<16xi32> to vector<16xf32>
      %bitcast_convert_type3A = tpu.bitcast %convert_element_type3A_103 : vector<16xf32> -> vector<16xi32>
      %shift_right_logical3A = arith.constant 23 : i32
      %shift_right_logical3A_104 = vector.broadcast %shift_right_logical3A : i32 to vector<16xi32>
      %shift_right_logical3A_105 = arith.shrui %bitcast_convert_type3A, %shift_right_logical3A_104 : vector<16xi32>
      %sub3A = arith.constant 127 : i32
      %sub3A_106 = vector.broadcast %sub3A : i32 to vector<16xi32>
      %sub3A_107 = arith.subi %shift_right_logical3A_105, %sub3A_106 : vector<16xi32>
      %and3A = arith.constant 8388607 : i32
      %and3A_108 = vector.broadcast %and3A : i32 to vector<16xi32>
      %and3A_109 = arith.andi %bitcast_convert_type3A, %and3A_108 : vector<16xi32>
      %or3A = arith.constant 1065353216 : i32
      %or3A_110 = vector.broadcast %or3A : i32 to vector<16xi32>
      %or3A_111 = arith.ori %and3A_109, %or3A_110 : vector<16xi32>
      %bitcast_convert_type3A_112 = tpu.bitcast %or3A_111 : vector<16xi32> -> vector<16xf32>
      %gt3A = arith.constant 1.41421354 : f32
      %gt3A_113 = vector.broadcast %gt3A : f32 to vector<16xf32>
      %gt3A_114 = arith.cmpf ogt, %bitcast_convert_type3A_112, %gt3A_113 : vector<16xf32>
      %mul3A_115 = arith.constant 5.000000e-01 : f32
      %mul3A_116 = vector.broadcast %mul3A_115 : f32 to vector<16xf32>
      %mul3A_117 = arith.mulf %bitcast_convert_type3A_112, %mul3A_116 : vector<16xf32>
      %select_n3A = arith.select %gt3A_114, %mul3A_117, %bitcast_convert_type3A_112 : vector<16xi1>, vector<16xf32>
      %jit3A = arith.constant 1 : i32
      %jit3A_118 = arith.constant 0 : i32
      %broadcast_in_dim3A_119 = vector.broadcast %jit3A : i32 to vector<16xi32>
      %broadcast_in_dim3A_120 = vector.broadcast %jit3A_118 : i32 to vector<16xi32>
      %select_n3A_121 = arith.select %gt3A_114, %broadcast_in_dim3A_119, %broadcast_in_dim3A_120 : vector<16xi1>, vector<16xi32>
      %add3A_122 = arith.addi %sub3A_107, %select_n3A_121 : vector<16xi32>
      %convert_element_type3A_123 = arith.sitofp %add3A_122 : vector<16xi32> to vector<16xf32>
      %sub3A_124 = arith.constant 1.000000e+00 : f32
      %sub3A_125 = vector.broadcast %sub3A_124 : f32 to vector<16xf32>
      %sub3A_126 = arith.subf %select_n3A, %sub3A_125 : vector<16xf32>
      %add3A_127 = arith.constant 1.000000e+00 : f32
      %add3A_128 = vector.broadcast %add3A_127 : f32 to vector<16xf32>
      %add3A_129 = arith.addf %select_n3A, %add3A_128 : vector<16xf32>
      %div3A = arith.divf %sub3A_126, %add3A_129 : vector<16xf32>
      %mul3A_130 = arith.mulf %div3A, %div3A : vector<16xf32>
      %mul3A_131 = arith.constant 0.222222224 : f32
      %mul3A_132 = vector.broadcast %mul3A_131 : f32 to vector<16xf32>
      %mul3A_133 = arith.mulf %mul3A_130, %mul3A_132 : vector<16xf32>
      %add3A_134 = arith.constant 0.285714298 : f32
      %add3A_135 = vector.broadcast %add3A_134 : f32 to vector<16xf32>
      %add3A_136 = arith.addf %add3A_135, %mul3A_133 : vector<16xf32>
      %mul3A_137 = arith.mulf %mul3A_130, %add3A_136 : vector<16xf32>
      %add3A_138 = arith.constant 4.000000e-01 : f32
      %add3A_139 = vector.broadcast %add3A_138 : f32 to vector<16xf32>
      %add3A_140 = arith.addf %add3A_139, %mul3A_137 : vector<16xf32>
      %mul3A_141 = arith.mulf %mul3A_130, %add3A_140 : vector<16xf32>
      %add3A_142 = arith.constant 0.666666686 : f32
      %add3A_143 = vector.broadcast %add3A_142 : f32 to vector<16xf32>
      %add3A_144 = arith.addf %add3A_143, %mul3A_141 : vector<16xf32>
      %mul3A_145 = arith.mulf %mul3A_130, %add3A_144 : vector<16xf32>
      %add3A_146 = arith.constant 2.000000e+00 : f32
      %add3A_147 = vector.broadcast %add3A_146 : f32 to vector<16xf32>
      %add3A_148 = arith.addf %add3A_147, %mul3A_145 : vector<16xf32>
      %mul3A_149 = arith.mulf %div3A, %add3A_148 : vector<16xf32>
      %mul3A_150 = arith.constant 0.693147182 : f32
      %mul3A_151 = vector.broadcast %mul3A_150 : f32 to vector<16xf32>
      %mul3A_152 = arith.mulf %convert_element_type3A_123, %mul3A_151 : vector<16xf32>
      %add3A_153 = arith.addf %mul3A_152, %mul3A_149 : vector<16xf32>
      %mul3A_154 = arith.constant -5.000000e-01 : f32
      %mul3A_155 = vector.broadcast %mul3A_154 : f32 to vector<16xf32>
      %mul3A_156 = arith.mulf %mul3A_155, %add3A_153 : vector<16xf32>
      %exp3A = math.exp %mul3A_156 : vector<16xf32>
      %mul3A_157 = arith.constant 5 : i32
      %mul3A_158 = vector.broadcast %mul3A_157 : i32 to vector<16xi32>
      %mul3A_159 = arith.muli %add3A_82, %mul3A_158 : vector<16xi32>
      %add3A_160 = arith.constant 0 : i32
      %add3A_161 = vector.broadcast %add3A_160 : i32 to vector<16xi32>
      %add3A_162 = arith.addi %mul3A_159, %add3A_161 : vector<16xi32>
      %mul3A_163 = arith.mulf %parallel_loop3A_99#0, %exp3A : vector<16xf32>
      tpu.vector_store_idx %arg48[%add3A_162], %mul3A_163 : memref<480xf32, #tpu.memory_space<vmem>>[vector<16xi32>], vector<16xf32>,
      %add3A_164 = arith.constant 1 : i32
      %add3A_165 = vector.broadcast %add3A_164 : i32 to vector<16xi32>
      %add3A_166 = arith.addi %mul3A_159, %add3A_165 : vector<16xi32>
      %mul3A_167 = arith.mulf %parallel_loop3A_99#1, %exp3A : vector<16xf32>
      tpu.vector_store_idx %arg48[%add3A_166], %mul3A_167 : memref<480xf32, #tpu.memory_space<vmem>>[vector<16xi32>], vector<16xf32>,
      %add3A_168 = arith.constant 2 : i32
      %add3A_169 = vector.broadcast %add3A_168 : i32 to vector<16xi32>
      %add3A_170 = arith.addi %mul3A_159, %add3A_169 : vector<16xi32>
      %mul3A_171 = arith.mulf %parallel_loop3A_99#2, %exp3A : vector<16xf32>
      tpu.vector_store_idx %arg48[%add3A_170], %mul3A_171 : memref<480xf32, #tpu.memory_space<vmem>>[vector<16xi32>], vector<16xf32>,
      %add3A_172 = arith.constant 3 : i32
      %add3A_173 = vector.broadcast %add3A_172 : i32 to vector<16xi32>
      %add3A_174 = arith.addi %mul3A_159, %add3A_173 : vector<16xi32>
      %mul3A_175 = arith.mulf %parallel_loop3A_99#3, %exp3A : vector<16xf32>
      tpu.vector_store_idx %arg48[%add3A_174], %mul3A_175 : memref<480xf32, #tpu.memory_space<vmem>>[vector<16xi32>], vector<16xf32>,
      %add3A_176 = arith.constant 4 : i32
      %add3A_177 = vector.broadcast %add3A_176 : i32 to vector<16xi32>
      %add3A_178 = arith.addi %mul3A_159, %add3A_177 : vector<16xi32>
      %mul3A_179 = arith.mulf %parallel_loop3A_99#4, %exp3A : vector<16xf32>
      tpu.vector_store_idx %arg48[%add3A_178], %mul3A_179 : memref<480xf32, #tpu.memory_space<vmem>>[vector<16xi32>], vector<16xf32>,
      %add3A_180 = arith.constant 16 : i32
      %add3A_181 = vector.broadcast %add3A_180 : i32 to vector<16xi32>
      %add3A_182 = arith.addi %iota3A, %add3A_181 : vector<16xi32>
      %mul3A_183 = arith.constant 50 : i32
      %mul3A_184 = vector.broadcast %mul3A_183 : i32 to vector<16xi32>
      %mul3A_185 = arith.muli %add3A_182, %mul3A_184 : vector<16xi32>
      %broadcast_in_dim3A_186 = arith.constant 0.000000e+00 : f32
      %broadcast_in_dim3A_187 = vector.broadcast %broadcast_in_dim3A_186 : f32 to vector<16xf32>
      %broadcast_in_dim3A_188 = arith.constant 0.000000e+00 : f32
      %broadcast_in_dim3A_189 = vector.broadcast %broadcast_in_dim3A_188 : f32 to vector<16xf32>
      %broadcast_in_dim3A_190 = arith.constant 0.000000e+00 : f32
      %broadcast_in_dim3A_191 = vector.broadcast %broadcast_in_dim3A_190 : f32 to vector<16xf32>
      %broadcast_in_dim3A_192 = arith.constant 0.000000e+00 : f32
      %broadcast_in_dim3A_193 = vector.broadcast %broadcast_in_dim3A_192 : f32 to vector<16xf32>
      %broadcast_in_dim3A_194 = arith.constant 0.000000e+00 : f32
      %broadcast_in_dim3A_195 = vector.broadcast %broadcast_in_dim3A_194 : f32 to vector<16xf32>
      %parallel_loop3A_196 = arith.constant 0 : i32
      %parallel_loop3A_197 = arith.constant 50 : i32
      %parallel_loop3A_198 = arith.constant 1 : i32
      %parallel_loop3A_199:5 = scf.for %parallel_loop3A_734 = %parallel_loop3A_196 to %parallel_loop3A_197 step %parallel_loop3A_198 iter_args(%parallel_loop3A_735 = %broadcast_in_dim3A_187, %parallel_loop3A_736 = %broadcast_in_dim3A_189, %parallel_loop3A_737 = %broadcast_in_dim3A_191, %parallel_loop3A_738 = %broadcast_in_dim3A_193, %parallel_loop3A_739 = %broadcast_in_dim3A_195) -> (vector<16xf32>, vector<16xf32>, vector<16xf32>, vector<16xf32>, vector<16xf32>)  : i32 {
        %parallel_loop3A_740 = vector.broadcast %parallel_loop3A_734 : i32 to vector<16xi32>
        %parallel_loop3A_741 = arith.addi %mul3A_185, %parallel_loop3A_740 : vector<16xi32>
        %parallel_loop3A_742 = tpu.vector_load_idx %arg25[%parallel_loop3A_741] : memref<4800xi32, #tpu.memory_space<vmem>>[vector<16xi32>], vector<16xi32>,
        %parallel_loop3A_743 = arith.constant 5 : i32
        %parallel_loop3A_744 = vector.broadcast %parallel_loop3A_743 : i32 to vector<16xi32>
        %parallel_loop3A_745 = arith.muli %parallel_loop3A_742, %parallel_loop3A_744 : vector<16xi32>
        %parallel_loop3A_746 = arith.constant 0 : i32
        %parallel_loop3A_747 = vector.broadcast %parallel_loop3A_746 : i32 to vector<16xi32>
        %parallel_loop3A_748 = arith.addi %parallel_loop3A_745, %parallel_loop3A_747 : vector<16xi32>
        %parallel_loop3A_749 = tpu.vector_load_idx %arg27[%parallel_loop3A_748] : memref<6700xf32, #tpu.memory_space<vmem>>[vector<16xi32>], vector<16xf32>,
        %parallel_loop3A_750 = arith.addf %parallel_loop3A_735, %parallel_loop3A_749 : vector<16xf32>
        %parallel_loop3A_751 = arith.constant 1 : i32
        %parallel_loop3A_752 = vector.broadcast %parallel_loop3A_751 : i32 to vector<16xi32>
        %parallel_loop3A_753 = arith.addi %parallel_loop3A_745, %parallel_loop3A_752 : vector<16xi32>
        %parallel_loop3A_754 = tpu.vector_load_idx %arg27[%parallel_loop3A_753] : memref<6700xf32, #tpu.memory_space<vmem>>[vector<16xi32>], vector<16xf32>,
        %parallel_loop3A_755 = arith.addf %parallel_loop3A_736, %parallel_loop3A_754 : vector<16xf32>
        %parallel_loop3A_756 = arith.constant 2 : i32
        %parallel_loop3A_757 = vector.broadcast %parallel_loop3A_756 : i32 to vector<16xi32>
        %parallel_loop3A_758 = arith.addi %parallel_loop3A_745, %parallel_loop3A_757 : vector<16xi32>
        %parallel_loop3A_759 = tpu.vector_load_idx %arg27[%parallel_loop3A_758] : memref<6700xf32, #tpu.memory_space<vmem>>[vector<16xi32>], vector<16xf32>,
        %parallel_loop3A_760 = arith.addf %parallel_loop3A_737, %parallel_loop3A_759 : vector<16xf32>
        %parallel_loop3A_761 = arith.constant 3 : i32
        %parallel_loop3A_762 = vector.broadcast %parallel_loop3A_761 : i32 to vector<16xi32>
        %parallel_loop3A_763 = arith.addi %parallel_loop3A_745, %parallel_loop3A_762 : vector<16xi32>
        %parallel_loop3A_764 = tpu.vector_load_idx %arg27[%parallel_loop3A_763] : memref<6700xf32, #tpu.memory_space<vmem>>[vector<16xi32>], vector<16xf32>,
        %parallel_loop3A_765 = arith.addf %parallel_loop3A_738, %parallel_loop3A_764 : vector<16xf32>
        %parallel_loop3A_766 = arith.constant 4 : i32
        %parallel_loop3A_767 = vector.broadcast %parallel_loop3A_766 : i32 to vector<16xi32>
        %parallel_loop3A_768 = arith.addi %parallel_loop3A_745, %parallel_loop3A_767 : vector<16xi32>
        %parallel_loop3A_769 = tpu.vector_load_idx %arg27[%parallel_loop3A_768] : memref<6700xf32, #tpu.memory_space<vmem>>[vector<16xi32>], vector<16xf32>,
        %parallel_loop3A_770 = arith.addf %parallel_loop3A_739, %parallel_loop3A_769 : vector<16xf32>
        scf.yield %parallel_loop3A_750, %parallel_loop3A_755, %parallel_loop3A_760, %parallel_loop3A_765, %parallel_loop3A_770 : vector<16xf32>, vector<16xf32>, vector<16xf32>, vector<16xf32>, vector<16xf32>
      } {sc.loop_unroll_factor = 4 : i64, sc.parallel_access}
      %add3A_200 = vector.broadcast %min3A_5 : i32 to vector<16xi32>
      %add3A_201 = arith.addi %add3A_200, %add3A_182 : vector<16xi32>
      %gather3A_202 = tpu.vector_load_idx %arg26[%add3A_201] : memref<1340xi32, #tpu.memory_space<vmem>>[vector<16xi32>], vector<16xi32>,
      %convert_element_type3A_203 = arith.sitofp %gather3A_202 : vector<16xi32> to vector<16xf32>
      %bitcast_convert_type3A_204 = tpu.bitcast %convert_element_type3A_203 : vector<16xf32> -> vector<16xi32>
      %shift_right_logical3A_205 = arith.constant 23 : i32
      %shift_right_logical3A_206 = vector.broadcast %shift_right_logical3A_205 : i32 to vector<16xi32>
      %shift_right_logical3A_207 = arith.shrui %bitcast_convert_type3A_204, %shift_right_logical3A_206 : vector<16xi32>
      %sub3A_208 = arith.constant 127 : i32
      %sub3A_209 = vector.broadcast %sub3A_208 : i32 to vector<16xi32>
      %sub3A_210 = arith.subi %shift_right_logical3A_207, %sub3A_209 : vector<16xi32>
      %and3A_211 = arith.constant 8388607 : i32
      %and3A_212 = vector.broadcast %and3A_211 : i32 to vector<16xi32>
      %and3A_213 = arith.andi %bitcast_convert_type3A_204, %and3A_212 : vector<16xi32>
      %or3A_214 = arith.constant 1065353216 : i32
      %or3A_215 = vector.broadcast %or3A_214 : i32 to vector<16xi32>
      %or3A_216 = arith.ori %and3A_213, %or3A_215 : vector<16xi32>
      %bitcast_convert_type3A_217 = tpu.bitcast %or3A_216 : vector<16xi32> -> vector<16xf32>
      %gt3A_218 = arith.constant 1.41421354 : f32
      %gt3A_219 = vector.broadcast %gt3A_218 : f32 to vector<16xf32>
      %gt3A_220 = arith.cmpf ogt, %bitcast_convert_type3A_217, %gt3A_219 : vector<16xf32>
      %mul3A_221 = arith.constant 5.000000e-01 : f32
      %mul3A_222 = vector.broadcast %mul3A_221 : f32 to vector<16xf32>
      %mul3A_223 = arith.mulf %bitcast_convert_type3A_217, %mul3A_222 : vector<16xf32>
      %select_n3A_224 = arith.select %gt3A_220, %mul3A_223, %bitcast_convert_type3A_217 : vector<16xi1>, vector<16xf32>
      %jit3A_225 = arith.constant 1 : i32
      %jit3A_226 = arith.constant 0 : i32
      %broadcast_in_dim3A_227 = vector.broadcast %jit3A_225 : i32 to vector<16xi32>
      %broadcast_in_dim3A_228 = vector.broadcast %jit3A_226 : i32 to vector<16xi32>
      %select_n3A_229 = arith.select %gt3A_220, %broadcast_in_dim3A_227, %broadcast_in_dim3A_228 : vector<16xi1>, vector<16xi32>
      %add3A_230 = arith.addi %sub3A_210, %select_n3A_229 : vector<16xi32>
      %convert_element_type3A_231 = arith.sitofp %add3A_230 : vector<16xi32> to vector<16xf32>
      %sub3A_232 = arith.constant 1.000000e+00 : f32
      %sub3A_233 = vector.broadcast %sub3A_232 : f32 to vector<16xf32>
      %sub3A_234 = arith.subf %select_n3A_224, %sub3A_233 : vector<16xf32>
      %add3A_235 = arith.constant 1.000000e+00 : f32
      %add3A_236 = vector.broadcast %add3A_235 : f32 to vector<16xf32>
      %add3A_237 = arith.addf %select_n3A_224, %add3A_236 : vector<16xf32>
      %div3A_238 = arith.divf %sub3A_234, %add3A_237 : vector<16xf32>
      %mul3A_239 = arith.mulf %div3A_238, %div3A_238 : vector<16xf32>
      %mul3A_240 = arith.constant 0.222222224 : f32
      %mul3A_241 = vector.broadcast %mul3A_240 : f32 to vector<16xf32>
      %mul3A_242 = arith.mulf %mul3A_239, %mul3A_241 : vector<16xf32>
      %add3A_243 = arith.constant 0.285714298 : f32
      %add3A_244 = vector.broadcast %add3A_243 : f32 to vector<16xf32>
      %add3A_245 = arith.addf %add3A_244, %mul3A_242 : vector<16xf32>
      %mul3A_246 = arith.mulf %mul3A_239, %add3A_245 : vector<16xf32>
      %add3A_247 = arith.constant 4.000000e-01 : f32
      %add3A_248 = vector.broadcast %add3A_247 : f32 to vector<16xf32>
      %add3A_249 = arith.addf %add3A_248, %mul3A_246 : vector<16xf32>
      %mul3A_250 = arith.mulf %mul3A_239, %add3A_249 : vector<16xf32>
      %add3A_251 = arith.constant 0.666666686 : f32
      %add3A_252 = vector.broadcast %add3A_251 : f32 to vector<16xf32>
      %add3A_253 = arith.addf %add3A_252, %mul3A_250 : vector<16xf32>
      %mul3A_254 = arith.mulf %mul3A_239, %add3A_253 : vector<16xf32>
      %add3A_255 = arith.constant 2.000000e+00 : f32
      %add3A_256 = vector.broadcast %add3A_255 : f32 to vector<16xf32>
      %add3A_257 = arith.addf %add3A_256, %mul3A_254 : vector<16xf32>
      %mul3A_258 = arith.mulf %div3A_238, %add3A_257 : vector<16xf32>
      %mul3A_259 = arith.constant 0.693147182 : f32
      %mul3A_260 = vector.broadcast %mul3A_259 : f32 to vector<16xf32>
      %mul3A_261 = arith.mulf %convert_element_type3A_231, %mul3A_260 : vector<16xf32>
      %add3A_262 = arith.addf %mul3A_261, %mul3A_258 : vector<16xf32>
      %mul3A_263 = arith.constant -5.000000e-01 : f32
      %mul3A_264 = vector.broadcast %mul3A_263 : f32 to vector<16xf32>
      %mul3A_265 = arith.mulf %mul3A_264, %add3A_262 : vector<16xf32>
      %exp3A_266 = math.exp %mul3A_265 : vector<16xf32>
      %mul3A_267 = arith.constant 5 : i32
      %mul3A_268 = vector.broadcast %mul3A_267 : i32 to vector<16xi32>
      %mul3A_269 = arith.muli %add3A_182, %mul3A_268 : vector<16xi32>
      %add3A_270 = arith.constant 0 : i32
      %add3A_271 = vector.broadcast %add3A_270 : i32 to vector<16xi32>
      %add3A_272 = arith.addi %mul3A_269, %add3A_271 : vector<16xi32>
      %mul3A_273 = arith.mulf %parallel_loop3A_199#0, %exp3A_266 : vector<16xf32>
      tpu.vector_store_idx %arg48[%add3A_272], %mul3A_273 : memref<480xf32, #tpu.memory_space<vmem>>[vector<16xi32>], vector<16xf32>,
      %add3A_274 = arith.constant 1 : i32
      %add3A_275 = vector.broadcast %add3A_274 : i32 to vector<16xi32>
      %add3A_276 = arith.addi %mul3A_269, %add3A_275 : vector<16xi32>
      %mul3A_277 = arith.mulf %parallel_loop3A_199#1, %exp3A_266 : vector<16xf32>
      tpu.vector_store_idx %arg48[%add3A_276], %mul3A_277 : memref<480xf32, #tpu.memory_space<vmem>>[vector<16xi32>], vector<16xf32>,
      %add3A_278 = arith.constant 2 : i32
      %add3A_279 = vector.broadcast %add3A_278 : i32 to vector<16xi32>
      %add3A_280 = arith.addi %mul3A_269, %add3A_279 : vector<16xi32>
      %mul3A_281 = arith.mulf %parallel_loop3A_199#2, %exp3A_266 : vector<16xf32>
      tpu.vector_store_idx %arg48[%add3A_280], %mul3A_281 : memref<480xf32, #tpu.memory_space<vmem>>[vector<16xi32>], vector<16xf32>,
      %add3A_282 = arith.constant 3 : i32
      %add3A_283 = vector.broadcast %add3A_282 : i32 to vector<16xi32>
      %add3A_284 = arith.addi %mul3A_269, %add3A_283 : vector<16xi32>
      %mul3A_285 = arith.mulf %parallel_loop3A_199#3, %exp3A_266 : vector<16xf32>
      tpu.vector_store_idx %arg48[%add3A_284], %mul3A_285 : memref<480xf32, #tpu.memory_space<vmem>>[vector<16xi32>], vector<16xf32>,
      %add3A_286 = arith.constant 4 : i32
      %add3A_287 = vector.broadcast %add3A_286 : i32 to vector<16xi32>
      %add3A_288 = arith.addi %mul3A_269, %add3A_287 : vector<16xi32>
      %mul3A_289 = arith.mulf %parallel_loop3A_199#4, %exp3A_266 : vector<16xf32>
      tpu.vector_store_idx %arg48[%add3A_288], %mul3A_289 : memref<480xf32, #tpu.memory_space<vmem>>[vector<16xi32>], vector<16xf32>,
      %add3A_290 = arith.constant 32 : i32
      %add3A_291 = vector.broadcast %add3A_290 : i32 to vector<16xi32>
      %add3A_292 = arith.addi %iota3A, %add3A_291 : vector<16xi32>
      %mul3A_293 = arith.constant 50 : i32
      %mul3A_294 = vector.broadcast %mul3A_293 : i32 to vector<16xi32>
      %mul3A_295 = arith.muli %add3A_292, %mul3A_294 : vector<16xi32>
      %broadcast_in_dim3A_296 = arith.constant 0.000000e+00 : f32
      %broadcast_in_dim3A_297 = vector.broadcast %broadcast_in_dim3A_296 : f32 to vector<16xf32>
      %broadcast_in_dim3A_298 = arith.constant 0.000000e+00 : f32
      %broadcast_in_dim3A_299 = vector.broadcast %broadcast_in_dim3A_298 : f32 to vector<16xf32>
      %broadcast_in_dim3A_300 = arith.constant 0.000000e+00 : f32
      %broadcast_in_dim3A_301 = vector.broadcast %broadcast_in_dim3A_300 : f32 to vector<16xf32>
      %broadcast_in_dim3A_302 = arith.constant 0.000000e+00 : f32
      %broadcast_in_dim3A_303 = vector.broadcast %broadcast_in_dim3A_302 : f32 to vector<16xf32>
      %broadcast_in_dim3A_304 = arith.constant 0.000000e+00 : f32
      %broadcast_in_dim3A_305 = vector.broadcast %broadcast_in_dim3A_304 : f32 to vector<16xf32>
      %parallel_loop3A_306 = arith.constant 0 : i32
      %parallel_loop3A_307 = arith.constant 50 : i32
      %parallel_loop3A_308 = arith.constant 1 : i32
      %parallel_loop3A_309:5 = scf.for %parallel_loop3A_734 = %parallel_loop3A_306 to %parallel_loop3A_307 step %parallel_loop3A_308 iter_args(%parallel_loop3A_735 = %broadcast_in_dim3A_297, %parallel_loop3A_736 = %broadcast_in_dim3A_299, %parallel_loop3A_737 = %broadcast_in_dim3A_301, %parallel_loop3A_738 = %broadcast_in_dim3A_303, %parallel_loop3A_739 = %broadcast_in_dim3A_305) -> (vector<16xf32>, vector<16xf32>, vector<16xf32>, vector<16xf32>, vector<16xf32>)  : i32 {
        %parallel_loop3A_740 = vector.broadcast %parallel_loop3A_734 : i32 to vector<16xi32>
        %parallel_loop3A_741 = arith.addi %mul3A_295, %parallel_loop3A_740 : vector<16xi32>
        %parallel_loop3A_742 = tpu.vector_load_idx %arg25[%parallel_loop3A_741] : memref<4800xi32, #tpu.memory_space<vmem>>[vector<16xi32>], vector<16xi32>,
        %parallel_loop3A_743 = arith.constant 5 : i32
        %parallel_loop3A_744 = vector.broadcast %parallel_loop3A_743 : i32 to vector<16xi32>
        %parallel_loop3A_745 = arith.muli %parallel_loop3A_742, %parallel_loop3A_744 : vector<16xi32>
        %parallel_loop3A_746 = arith.constant 0 : i32
        %parallel_loop3A_747 = vector.broadcast %parallel_loop3A_746 : i32 to vector<16xi32>
        %parallel_loop3A_748 = arith.addi %parallel_loop3A_745, %parallel_loop3A_747 : vector<16xi32>
        %parallel_loop3A_749 = tpu.vector_load_idx %arg27[%parallel_loop3A_748] : memref<6700xf32, #tpu.memory_space<vmem>>[vector<16xi32>], vector<16xf32>,
        %parallel_loop3A_750 = arith.addf %parallel_loop3A_735, %parallel_loop3A_749 : vector<16xf32>
        %parallel_loop3A_751 = arith.constant 1 : i32
        %parallel_loop3A_752 = vector.broadcast %parallel_loop3A_751 : i32 to vector<16xi32>
        %parallel_loop3A_753 = arith.addi %parallel_loop3A_745, %parallel_loop3A_752 : vector<16xi32>
        %parallel_loop3A_754 = tpu.vector_load_idx %arg27[%parallel_loop3A_753] : memref<6700xf32, #tpu.memory_space<vmem>>[vector<16xi32>], vector<16xf32>,
        %parallel_loop3A_755 = arith.addf %parallel_loop3A_736, %parallel_loop3A_754 : vector<16xf32>
        %parallel_loop3A_756 = arith.constant 2 : i32
        %parallel_loop3A_757 = vector.broadcast %parallel_loop3A_756 : i32 to vector<16xi32>
        %parallel_loop3A_758 = arith.addi %parallel_loop3A_745, %parallel_loop3A_757 : vector<16xi32>
        %parallel_loop3A_759 = tpu.vector_load_idx %arg27[%parallel_loop3A_758] : memref<6700xf32, #tpu.memory_space<vmem>>[vector<16xi32>], vector<16xf32>,
        %parallel_loop3A_760 = arith.addf %parallel_loop3A_737, %parallel_loop3A_759 : vector<16xf32>
        %parallel_loop3A_761 = arith.constant 3 : i32
        %parallel_loop3A_762 = vector.broadcast %parallel_loop3A_761 : i32 to vector<16xi32>
        %parallel_loop3A_763 = arith.addi %parallel_loop3A_745, %parallel_loop3A_762 : vector<16xi32>
        %parallel_loop3A_764 = tpu.vector_load_idx %arg27[%parallel_loop3A_763] : memref<6700xf32, #tpu.memory_space<vmem>>[vector<16xi32>], vector<16xf32>,
        %parallel_loop3A_765 = arith.addf %parallel_loop3A_738, %parallel_loop3A_764 : vector<16xf32>
        %parallel_loop3A_766 = arith.constant 4 : i32
        %parallel_loop3A_767 = vector.broadcast %parallel_loop3A_766 : i32 to vector<16xi32>
        %parallel_loop3A_768 = arith.addi %parallel_loop3A_745, %parallel_loop3A_767 : vector<16xi32>
        %parallel_loop3A_769 = tpu.vector_load_idx %arg27[%parallel_loop3A_768] : memref<6700xf32, #tpu.memory_space<vmem>>[vector<16xi32>], vector<16xf32>,
        %parallel_loop3A_770 = arith.addf %parallel_loop3A_739, %parallel_loop3A_769 : vector<16xf32>
        scf.yield %parallel_loop3A_750, %parallel_loop3A_755, %parallel_loop3A_760, %parallel_loop3A_765, %parallel_loop3A_770 : vector<16xf32>, vector<16xf32>, vector<16xf32>, vector<16xf32>, vector<16xf32>
      } {sc.loop_unroll_factor = 4 : i64, sc.parallel_access}
      %add3A_310 = vector.broadcast %min3A_5 : i32 to vector<16xi32>
      %add3A_311 = arith.addi %add3A_310, %add3A_292 : vector<16xi32>
      %gather3A_312 = tpu.vector_load_idx %arg26[%add3A_311] : memref<1340xi32, #tpu.memory_space<vmem>>[vector<16xi32>], vector<16xi32>,
      %convert_element_type3A_313 = arith.sitofp %gather3A_312 : vector<16xi32> to vector<16xf32>
      %bitcast_convert_type3A_314 = tpu.bitcast %convert_element_type3A_313 : vector<16xf32> -> vector<16xi32>
      %shift_right_logical3A_315 = arith.constant 23 : i32
      %shift_right_logical3A_316 = vector.broadcast %shift_right_logical3A_315 : i32 to vector<16xi32>
      %shift_right_logical3A_317 = arith.shrui %bitcast_convert_type3A_314, %shift_right_logical3A_316 : vector<16xi32>
      %sub3A_318 = arith.constant 127 : i32
      %sub3A_319 = vector.broadcast %sub3A_318 : i32 to vector<16xi32>
      %sub3A_320 = arith.subi %shift_right_logical3A_317, %sub3A_319 : vector<16xi32>
      %and3A_321 = arith.constant 8388607 : i32
      %and3A_322 = vector.broadcast %and3A_321 : i32 to vector<16xi32>
      %and3A_323 = arith.andi %bitcast_convert_type3A_314, %and3A_322 : vector<16xi32>
      %or3A_324 = arith.constant 1065353216 : i32
      %or3A_325 = vector.broadcast %or3A_324 : i32 to vector<16xi32>
      %or3A_326 = arith.ori %and3A_323, %or3A_325 : vector<16xi32>
      %bitcast_convert_type3A_327 = tpu.bitcast %or3A_326 : vector<16xi32> -> vector<16xf32>
      %gt3A_328 = arith.constant 1.41421354 : f32
      %gt3A_329 = vector.broadcast %gt3A_328 : f32 to vector<16xf32>
      %gt3A_330 = arith.cmpf ogt, %bitcast_convert_type3A_327, %gt3A_329 : vector<16xf32>
      %mul3A_331 = arith.constant 5.000000e-01 : f32
      %mul3A_332 = vector.broadcast %mul3A_331 : f32 to vector<16xf32>
      %mul3A_333 = arith.mulf %bitcast_convert_type3A_327, %mul3A_332 : vector<16xf32>
      %select_n3A_334 = arith.select %gt3A_330, %mul3A_333, %bitcast_convert_type3A_327 : vector<16xi1>, vector<16xf32>
      %jit3A_335 = arith.constant 1 : i32
      %jit3A_336 = arith.constant 0 : i32
      %broadcast_in_dim3A_337 = vector.broadcast %jit3A_335 : i32 to vector<16xi32>
      %broadcast_in_dim3A_338 = vector.broadcast %jit3A_336 : i32 to vector<16xi32>
      %select_n3A_339 = arith.select %gt3A_330, %broadcast_in_dim3A_337, %broadcast_in_dim3A_338 : vector<16xi1>, vector<16xi32>
      %add3A_340 = arith.addi %sub3A_320, %select_n3A_339 : vector<16xi32>
      %convert_element_type3A_341 = arith.sitofp %add3A_340 : vector<16xi32> to vector<16xf32>
      %sub3A_342 = arith.constant 1.000000e+00 : f32
      %sub3A_343 = vector.broadcast %sub3A_342 : f32 to vector<16xf32>
      %sub3A_344 = arith.subf %select_n3A_334, %sub3A_343 : vector<16xf32>
      %add3A_345 = arith.constant 1.000000e+00 : f32
      %add3A_346 = vector.broadcast %add3A_345 : f32 to vector<16xf32>
      %add3A_347 = arith.addf %select_n3A_334, %add3A_346 : vector<16xf32>
      %div3A_348 = arith.divf %sub3A_344, %add3A_347 : vector<16xf32>
      %mul3A_349 = arith.mulf %div3A_348, %div3A_348 : vector<16xf32>
      %mul3A_350 = arith.constant 0.222222224 : f32
      %mul3A_351 = vector.broadcast %mul3A_350 : f32 to vector<16xf32>
      %mul3A_352 = arith.mulf %mul3A_349, %mul3A_351 : vector<16xf32>
      %add3A_353 = arith.constant 0.285714298 : f32
      %add3A_354 = vector.broadcast %add3A_353 : f32 to vector<16xf32>
      %add3A_355 = arith.addf %add3A_354, %mul3A_352 : vector<16xf32>
      %mul3A_356 = arith.mulf %mul3A_349, %add3A_355 : vector<16xf32>
      %add3A_357 = arith.constant 4.000000e-01 : f32
      %add3A_358 = vector.broadcast %add3A_357 : f32 to vector<16xf32>
      %add3A_359 = arith.addf %add3A_358, %mul3A_356 : vector<16xf32>
      %mul3A_360 = arith.mulf %mul3A_349, %add3A_359 : vector<16xf32>
      %add3A_361 = arith.constant 0.666666686 : f32
      %add3A_362 = vector.broadcast %add3A_361 : f32 to vector<16xf32>
      %add3A_363 = arith.addf %add3A_362, %mul3A_360 : vector<16xf32>
      %mul3A_364 = arith.mulf %mul3A_349, %add3A_363 : vector<16xf32>
      %add3A_365 = arith.constant 2.000000e+00 : f32
      %add3A_366 = vector.broadcast %add3A_365 : f32 to vector<16xf32>
      %add3A_367 = arith.addf %add3A_366, %mul3A_364 : vector<16xf32>
      %mul3A_368 = arith.mulf %div3A_348, %add3A_367 : vector<16xf32>
      %mul3A_369 = arith.constant 0.693147182 : f32
      %mul3A_370 = vector.broadcast %mul3A_369 : f32 to vector<16xf32>
      %mul3A_371 = arith.mulf %convert_element_type3A_341, %mul3A_370 : vector<16xf32>
      %add3A_372 = arith.addf %mul3A_371, %mul3A_368 : vector<16xf32>
      %mul3A_373 = arith.constant -5.000000e-01 : f32
      %mul3A_374 = vector.broadcast %mul3A_373 : f32 to vector<16xf32>
      %mul3A_375 = arith.mulf %mul3A_374, %add3A_372 : vector<16xf32>
      %exp3A_376 = math.exp %mul3A_375 : vector<16xf32>
      %mul3A_377 = arith.constant 5 : i32
      %mul3A_378 = vector.broadcast %mul3A_377 : i32 to vector<16xi32>
      %mul3A_379 = arith.muli %add3A_292, %mul3A_378 : vector<16xi32>
      %add3A_380 = arith.constant 0 : i32
      %add3A_381 = vector.broadcast %add3A_380 : i32 to vector<16xi32>
      %add3A_382 = arith.addi %mul3A_379, %add3A_381 : vector<16xi32>
      %mul3A_383 = arith.mulf %parallel_loop3A_309#0, %exp3A_376 : vector<16xf32>
      tpu.vector_store_idx %arg48[%add3A_382], %mul3A_383 : memref<480xf32, #tpu.memory_space<vmem>>[vector<16xi32>], vector<16xf32>,
      %add3A_384 = arith.constant 1 : i32
      %add3A_385 = vector.broadcast %add3A_384 : i32 to vector<16xi32>
      %add3A_386 = arith.addi %mul3A_379, %add3A_385 : vector<16xi32>
      %mul3A_387 = arith.mulf %parallel_loop3A_309#1, %exp3A_376 : vector<16xf32>
      tpu.vector_store_idx %arg48[%add3A_386], %mul3A_387 : memref<480xf32, #tpu.memory_space<vmem>>[vector<16xi32>], vector<16xf32>,
      %add3A_388 = arith.constant 2 : i32
      %add3A_389 = vector.broadcast %add3A_388 : i32 to vector<16xi32>
      %add3A_390 = arith.addi %mul3A_379, %add3A_389 : vector<16xi32>
      %mul3A_391 = arith.mulf %parallel_loop3A_309#2, %exp3A_376 : vector<16xf32>
      tpu.vector_store_idx %arg48[%add3A_390], %mul3A_391 : memref<480xf32, #tpu.memory_space<vmem>>[vector<16xi32>], vector<16xf32>,
      %add3A_392 = arith.constant 3 : i32
      %add3A_393 = vector.broadcast %add3A_392 : i32 to vector<16xi32>
      %add3A_394 = arith.addi %mul3A_379, %add3A_393 : vector<16xi32>
      %mul3A_395 = arith.mulf %parallel_loop3A_309#3, %exp3A_376 : vector<16xf32>
      tpu.vector_store_idx %arg48[%add3A_394], %mul3A_395 : memref<480xf32, #tpu.memory_space<vmem>>[vector<16xi32>], vector<16xf32>,
      %add3A_396 = arith.constant 4 : i32
      %add3A_397 = vector.broadcast %add3A_396 : i32 to vector<16xi32>
      %add3A_398 = arith.addi %mul3A_379, %add3A_397 : vector<16xi32>
      %mul3A_399 = arith.mulf %parallel_loop3A_309#4, %exp3A_376 : vector<16xf32>
      tpu.vector_store_idx %arg48[%add3A_398], %mul3A_399 : memref<480xf32, #tpu.memory_space<vmem>>[vector<16xi32>], vector<16xf32>,
      %add3A_400 = arith.constant 48 : i32
      %add3A_401 = vector.broadcast %add3A_400 : i32 to vector<16xi32>
      %add3A_402 = arith.addi %iota3A, %add3A_401 : vector<16xi32>
      %mul3A_403 = arith.constant 50 : i32
      %mul3A_404 = vector.broadcast %mul3A_403 : i32 to vector<16xi32>
      %mul3A_405 = arith.muli %add3A_402, %mul3A_404 : vector<16xi32>
      %broadcast_in_dim3A_406 = arith.constant 0.000000e+00 : f32
      %broadcast_in_dim3A_407 = vector.broadcast %broadcast_in_dim3A_406 : f32 to vector<16xf32>
      %broadcast_in_dim3A_408 = arith.constant 0.000000e+00 : f32
      %broadcast_in_dim3A_409 = vector.broadcast %broadcast_in_dim3A_408 : f32 to vector<16xf32>
      %broadcast_in_dim3A_410 = arith.constant 0.000000e+00 : f32
      %broadcast_in_dim3A_411 = vector.broadcast %broadcast_in_dim3A_410 : f32 to vector<16xf32>
      %broadcast_in_dim3A_412 = arith.constant 0.000000e+00 : f32
      %broadcast_in_dim3A_413 = vector.broadcast %broadcast_in_dim3A_412 : f32 to vector<16xf32>
      %broadcast_in_dim3A_414 = arith.constant 0.000000e+00 : f32
      %broadcast_in_dim3A_415 = vector.broadcast %broadcast_in_dim3A_414 : f32 to vector<16xf32>
      %parallel_loop3A_416 = arith.constant 0 : i32
      %parallel_loop3A_417 = arith.constant 50 : i32
      %parallel_loop3A_418 = arith.constant 1 : i32
      %parallel_loop3A_419:5 = scf.for %parallel_loop3A_734 = %parallel_loop3A_416 to %parallel_loop3A_417 step %parallel_loop3A_418 iter_args(%parallel_loop3A_735 = %broadcast_in_dim3A_407, %parallel_loop3A_736 = %broadcast_in_dim3A_409, %parallel_loop3A_737 = %broadcast_in_dim3A_411, %parallel_loop3A_738 = %broadcast_in_dim3A_413, %parallel_loop3A_739 = %broadcast_in_dim3A_415) -> (vector<16xf32>, vector<16xf32>, vector<16xf32>, vector<16xf32>, vector<16xf32>)  : i32 {
        %parallel_loop3A_740 = vector.broadcast %parallel_loop3A_734 : i32 to vector<16xi32>
        %parallel_loop3A_741 = arith.addi %mul3A_405, %parallel_loop3A_740 : vector<16xi32>
        %parallel_loop3A_742 = tpu.vector_load_idx %arg25[%parallel_loop3A_741] : memref<4800xi32, #tpu.memory_space<vmem>>[vector<16xi32>], vector<16xi32>,
        %parallel_loop3A_743 = arith.constant 5 : i32
        %parallel_loop3A_744 = vector.broadcast %parallel_loop3A_743 : i32 to vector<16xi32>
        %parallel_loop3A_745 = arith.muli %parallel_loop3A_742, %parallel_loop3A_744 : vector<16xi32>
        %parallel_loop3A_746 = arith.constant 0 : i32
        %parallel_loop3A_747 = vector.broadcast %parallel_loop3A_746 : i32 to vector<16xi32>
        %parallel_loop3A_748 = arith.addi %parallel_loop3A_745, %parallel_loop3A_747 : vector<16xi32>
        %parallel_loop3A_749 = tpu.vector_load_idx %arg27[%parallel_loop3A_748] : memref<6700xf32, #tpu.memory_space<vmem>>[vector<16xi32>], vector<16xf32>,
        %parallel_loop3A_750 = arith.addf %parallel_loop3A_735, %parallel_loop3A_749 : vector<16xf32>
        %parallel_loop3A_751 = arith.constant 1 : i32
        %parallel_loop3A_752 = vector.broadcast %parallel_loop3A_751 : i32 to vector<16xi32>
        %parallel_loop3A_753 = arith.addi %parallel_loop3A_745, %parallel_loop3A_752 : vector<16xi32>
        %parallel_loop3A_754 = tpu.vector_load_idx %arg27[%parallel_loop3A_753] : memref<6700xf32, #tpu.memory_space<vmem>>[vector<16xi32>], vector<16xf32>,
        %parallel_loop3A_755 = arith.addf %parallel_loop3A_736, %parallel_loop3A_754 : vector<16xf32>
        %parallel_loop3A_756 = arith.constant 2 : i32
        %parallel_loop3A_757 = vector.broadcast %parallel_loop3A_756 : i32 to vector<16xi32>
        %parallel_loop3A_758 = arith.addi %parallel_loop3A_745, %parallel_loop3A_757 : vector<16xi32>
        %parallel_loop3A_759 = tpu.vector_load_idx %arg27[%parallel_loop3A_758] : memref<6700xf32, #tpu.memory_space<vmem>>[vector<16xi32>], vector<16xf32>,
        %parallel_loop3A_760 = arith.addf %parallel_loop3A_737, %parallel_loop3A_759 : vector<16xf32>
        %parallel_loop3A_761 = arith.constant 3 : i32
        %parallel_loop3A_762 = vector.broadcast %parallel_loop3A_761 : i32 to vector<16xi32>
        %parallel_loop3A_763 = arith.addi %parallel_loop3A_745, %parallel_loop3A_762 : vector<16xi32>
        %parallel_loop3A_764 = tpu.vector_load_idx %arg27[%parallel_loop3A_763] : memref<6700xf32, #tpu.memory_space<vmem>>[vector<16xi32>], vector<16xf32>,
        %parallel_loop3A_765 = arith.addf %parallel_loop3A_738, %parallel_loop3A_764 : vector<16xf32>
        %parallel_loop3A_766 = arith.constant 4 : i32
        %parallel_loop3A_767 = vector.broadcast %parallel_loop3A_766 : i32 to vector<16xi32>
        %parallel_loop3A_768 = arith.addi %parallel_loop3A_745, %parallel_loop3A_767 : vector<16xi32>
        %parallel_loop3A_769 = tpu.vector_load_idx %arg27[%parallel_loop3A_768] : memref<6700xf32, #tpu.memory_space<vmem>>[vector<16xi32>], vector<16xf32>,
        %parallel_loop3A_770 = arith.addf %parallel_loop3A_739, %parallel_loop3A_769 : vector<16xf32>
        scf.yield %parallel_loop3A_750, %parallel_loop3A_755, %parallel_loop3A_760, %parallel_loop3A_765, %parallel_loop3A_770 : vector<16xf32>, vector<16xf32>, vector<16xf32>, vector<16xf32>, vector<16xf32>
      } {sc.loop_unroll_factor = 4 : i64, sc.parallel_access}
      %add3A_420 = vector.broadcast %min3A_5 : i32 to vector<16xi32>
      %add3A_421 = arith.addi %add3A_420, %add3A_402 : vector<16xi32>
      %gather3A_422 = tpu.vector_load_idx %arg26[%add3A_421] : memref<1340xi32, #tpu.memory_space<vmem>>[vector<16xi32>], vector<16xi32>,
      %convert_element_type3A_423 = arith.sitofp %gather3A_422 : vector<16xi32> to vector<16xf32>
      %bitcast_convert_type3A_424 = tpu.bitcast %convert_element_type3A_423 : vector<16xf32> -> vector<16xi32>
      %shift_right_logical3A_425 = arith.constant 23 : i32
      %shift_right_logical3A_426 = vector.broadcast %shift_right_logical3A_425 : i32 to vector<16xi32>
      %shift_right_logical3A_427 = arith.shrui %bitcast_convert_type3A_424, %shift_right_logical3A_426 : vector<16xi32>
      %sub3A_428 = arith.constant 127 : i32
      %sub3A_429 = vector.broadcast %sub3A_428 : i32 to vector<16xi32>
      %sub3A_430 = arith.subi %shift_right_logical3A_427, %sub3A_429 : vector<16xi32>
      %and3A_431 = arith.constant 8388607 : i32
      %and3A_432 = vector.broadcast %and3A_431 : i32 to vector<16xi32>
      %and3A_433 = arith.andi %bitcast_convert_type3A_424, %and3A_432 : vector<16xi32>
      %or3A_434 = arith.constant 1065353216 : i32
      %or3A_435 = vector.broadcast %or3A_434 : i32 to vector<16xi32>
      %or3A_436 = arith.ori %and3A_433, %or3A_435 : vector<16xi32>
      %bitcast_convert_type3A_437 = tpu.bitcast %or3A_436 : vector<16xi32> -> vector<16xf32>
      %gt3A_438 = arith.constant 1.41421354 : f32
      %gt3A_439 = vector.broadcast %gt3A_438 : f32 to vector<16xf32>
      %gt3A_440 = arith.cmpf ogt, %bitcast_convert_type3A_437, %gt3A_439 : vector<16xf32>
      %mul3A_441 = arith.constant 5.000000e-01 : f32
      %mul3A_442 = vector.broadcast %mul3A_441 : f32 to vector<16xf32>
      %mul3A_443 = arith.mulf %bitcast_convert_type3A_437, %mul3A_442 : vector<16xf32>
      %select_n3A_444 = arith.select %gt3A_440, %mul3A_443, %bitcast_convert_type3A_437 : vector<16xi1>, vector<16xf32>
      %jit3A_445 = arith.constant 1 : i32
      %jit3A_446 = arith.constant 0 : i32
      %broadcast_in_dim3A_447 = vector.broadcast %jit3A_445 : i32 to vector<16xi32>
      %broadcast_in_dim3A_448 = vector.broadcast %jit3A_446 : i32 to vector<16xi32>
      %select_n3A_449 = arith.select %gt3A_440, %broadcast_in_dim3A_447, %broadcast_in_dim3A_448 : vector<16xi1>, vector<16xi32>
      %add3A_450 = arith.addi %sub3A_430, %select_n3A_449 : vector<16xi32>
      %convert_element_type3A_451 = arith.sitofp %add3A_450 : vector<16xi32> to vector<16xf32>
      %sub3A_452 = arith.constant 1.000000e+00 : f32
      %sub3A_453 = vector.broadcast %sub3A_452 : f32 to vector<16xf32>
      %sub3A_454 = arith.subf %select_n3A_444, %sub3A_453 : vector<16xf32>
      %add3A_455 = arith.constant 1.000000e+00 : f32
      %add3A_456 = vector.broadcast %add3A_455 : f32 to vector<16xf32>
      %add3A_457 = arith.addf %select_n3A_444, %add3A_456 : vector<16xf32>
      %div3A_458 = arith.divf %sub3A_454, %add3A_457 : vector<16xf32>
      %mul3A_459 = arith.mulf %div3A_458, %div3A_458 : vector<16xf32>
      %mul3A_460 = arith.constant 0.222222224 : f32
      %mul3A_461 = vector.broadcast %mul3A_460 : f32 to vector<16xf32>
      %mul3A_462 = arith.mulf %mul3A_459, %mul3A_461 : vector<16xf32>
      %add3A_463 = arith.constant 0.285714298 : f32
      %add3A_464 = vector.broadcast %add3A_463 : f32 to vector<16xf32>
      %add3A_465 = arith.addf %add3A_464, %mul3A_462 : vector<16xf32>
      %mul3A_466 = arith.mulf %mul3A_459, %add3A_465 : vector<16xf32>
      %add3A_467 = arith.constant 4.000000e-01 : f32
      %add3A_468 = vector.broadcast %add3A_467 : f32 to vector<16xf32>
      %add3A_469 = arith.addf %add3A_468, %mul3A_466 : vector<16xf32>
      %mul3A_470 = arith.mulf %mul3A_459, %add3A_469 : vector<16xf32>
      %add3A_471 = arith.constant 0.666666686 : f32
      %add3A_472 = vector.broadcast %add3A_471 : f32 to vector<16xf32>
      %add3A_473 = arith.addf %add3A_472, %mul3A_470 : vector<16xf32>
      %mul3A_474 = arith.mulf %mul3A_459, %add3A_473 : vector<16xf32>
      %add3A_475 = arith.constant 2.000000e+00 : f32
      %add3A_476 = vector.broadcast %add3A_475 : f32 to vector<16xf32>
      %add3A_477 = arith.addf %add3A_476, %mul3A_474 : vector<16xf32>
      %mul3A_478 = arith.mulf %div3A_458, %add3A_477 : vector<16xf32>
      %mul3A_479 = arith.constant 0.693147182 : f32
      %mul3A_480 = vector.broadcast %mul3A_479 : f32 to vector<16xf32>
      %mul3A_481 = arith.mulf %convert_element_type3A_451, %mul3A_480 : vector<16xf32>
      %add3A_482 = arith.addf %mul3A_481, %mul3A_478 : vector<16xf32>
      %mul3A_483 = arith.constant -5.000000e-01 : f32
      %mul3A_484 = vector.broadcast %mul3A_483 : f32 to vector<16xf32>
      %mul3A_485 = arith.mulf %mul3A_484, %add3A_482 : vector<16xf32>
      %exp3A_486 = math.exp %mul3A_485 : vector<16xf32>
      %mul3A_487 = arith.constant 5 : i32
      %mul3A_488 = vector.broadcast %mul3A_487 : i32 to vector<16xi32>
      %mul3A_489 = arith.muli %add3A_402, %mul3A_488 : vector<16xi32>
      %add3A_490 = arith.constant 0 : i32
      %add3A_491 = vector.broadcast %add3A_490 : i32 to vector<16xi32>
      %add3A_492 = arith.addi %mul3A_489, %add3A_491 : vector<16xi32>
      %mul3A_493 = arith.mulf %parallel_loop3A_419#0, %exp3A_486 : vector<16xf32>
      tpu.vector_store_idx %arg48[%add3A_492], %mul3A_493 : memref<480xf32, #tpu.memory_space<vmem>>[vector<16xi32>], vector<16xf32>,
      %add3A_494 = arith.constant 1 : i32
      %add3A_495 = vector.broadcast %add3A_494 : i32 to vector<16xi32>
      %add3A_496 = arith.addi %mul3A_489, %add3A_495 : vector<16xi32>
      %mul3A_497 = arith.mulf %parallel_loop3A_419#1, %exp3A_486 : vector<16xf32>
      tpu.vector_store_idx %arg48[%add3A_496], %mul3A_497 : memref<480xf32, #tpu.memory_space<vmem>>[vector<16xi32>], vector<16xf32>,
      %add3A_498 = arith.constant 2 : i32
      %add3A_499 = vector.broadcast %add3A_498 : i32 to vector<16xi32>
      %add3A_500 = arith.addi %mul3A_489, %add3A_499 : vector<16xi32>
      %mul3A_501 = arith.mulf %parallel_loop3A_419#2, %exp3A_486 : vector<16xf32>
      tpu.vector_store_idx %arg48[%add3A_500], %mul3A_501 : memref<480xf32, #tpu.memory_space<vmem>>[vector<16xi32>], vector<16xf32>,
      %add3A_502 = arith.constant 3 : i32
      %add3A_503 = vector.broadcast %add3A_502 : i32 to vector<16xi32>
      %add3A_504 = arith.addi %mul3A_489, %add3A_503 : vector<16xi32>
      %mul3A_505 = arith.mulf %parallel_loop3A_419#3, %exp3A_486 : vector<16xf32>
      tpu.vector_store_idx %arg48[%add3A_504], %mul3A_505 : memref<480xf32, #tpu.memory_space<vmem>>[vector<16xi32>], vector<16xf32>,
      %add3A_506 = arith.constant 4 : i32
      %add3A_507 = vector.broadcast %add3A_506 : i32 to vector<16xi32>
      %add3A_508 = arith.addi %mul3A_489, %add3A_507 : vector<16xi32>
      %mul3A_509 = arith.mulf %parallel_loop3A_419#4, %exp3A_486 : vector<16xf32>
      tpu.vector_store_idx %arg48[%add3A_508], %mul3A_509 : memref<480xf32, #tpu.memory_space<vmem>>[vector<16xi32>], vector<16xf32>,
      %add3A_510 = arith.constant 64 : i32
      %add3A_511 = vector.broadcast %add3A_510 : i32 to vector<16xi32>
      %add3A_512 = arith.addi %iota3A, %add3A_511 : vector<16xi32>
      %mul3A_513 = arith.constant 50 : i32
      %mul3A_514 = vector.broadcast %mul3A_513 : i32 to vector<16xi32>
      %mul3A_515 = arith.muli %add3A_512, %mul3A_514 : vector<16xi32>
      %broadcast_in_dim3A_516 = arith.constant 0.000000e+00 : f32
      %broadcast_in_dim3A_517 = vector.broadcast %broadcast_in_dim3A_516 : f32 to vector<16xf32>
      %broadcast_in_dim3A_518 = arith.constant 0.000000e+00 : f32
      %broadcast_in_dim3A_519 = vector.broadcast %broadcast_in_dim3A_518 : f32 to vector<16xf32>
      %broadcast_in_dim3A_520 = arith.constant 0.000000e+00 : f32
      %broadcast_in_dim3A_521 = vector.broadcast %broadcast_in_dim3A_520 : f32 to vector<16xf32>
      %broadcast_in_dim3A_522 = arith.constant 0.000000e+00 : f32
      %broadcast_in_dim3A_523 = vector.broadcast %broadcast_in_dim3A_522 : f32 to vector<16xf32>
      %broadcast_in_dim3A_524 = arith.constant 0.000000e+00 : f32
      %broadcast_in_dim3A_525 = vector.broadcast %broadcast_in_dim3A_524 : f32 to vector<16xf32>
      %parallel_loop3A_526 = arith.constant 0 : i32
      %parallel_loop3A_527 = arith.constant 50 : i32
      %parallel_loop3A_528 = arith.constant 1 : i32
      %parallel_loop3A_529:5 = scf.for %parallel_loop3A_734 = %parallel_loop3A_526 to %parallel_loop3A_527 step %parallel_loop3A_528 iter_args(%parallel_loop3A_735 = %broadcast_in_dim3A_517, %parallel_loop3A_736 = %broadcast_in_dim3A_519, %parallel_loop3A_737 = %broadcast_in_dim3A_521, %parallel_loop3A_738 = %broadcast_in_dim3A_523, %parallel_loop3A_739 = %broadcast_in_dim3A_525) -> (vector<16xf32>, vector<16xf32>, vector<16xf32>, vector<16xf32>, vector<16xf32>)  : i32 {
        %parallel_loop3A_740 = vector.broadcast %parallel_loop3A_734 : i32 to vector<16xi32>
        %parallel_loop3A_741 = arith.addi %mul3A_515, %parallel_loop3A_740 : vector<16xi32>
        %parallel_loop3A_742 = tpu.vector_load_idx %arg25[%parallel_loop3A_741] : memref<4800xi32, #tpu.memory_space<vmem>>[vector<16xi32>], vector<16xi32>,
        %parallel_loop3A_743 = arith.constant 5 : i32
        %parallel_loop3A_744 = vector.broadcast %parallel_loop3A_743 : i32 to vector<16xi32>
        %parallel_loop3A_745 = arith.muli %parallel_loop3A_742, %parallel_loop3A_744 : vector<16xi32>
        %parallel_loop3A_746 = arith.constant 0 : i32
        %parallel_loop3A_747 = vector.broadcast %parallel_loop3A_746 : i32 to vector<16xi32>
        %parallel_loop3A_748 = arith.addi %parallel_loop3A_745, %parallel_loop3A_747 : vector<16xi32>
        %parallel_loop3A_749 = tpu.vector_load_idx %arg27[%parallel_loop3A_748] : memref<6700xf32, #tpu.memory_space<vmem>>[vector<16xi32>], vector<16xf32>,
        %parallel_loop3A_750 = arith.addf %parallel_loop3A_735, %parallel_loop3A_749 : vector<16xf32>
        %parallel_loop3A_751 = arith.constant 1 : i32
        %parallel_loop3A_752 = vector.broadcast %parallel_loop3A_751 : i32 to vector<16xi32>
        %parallel_loop3A_753 = arith.addi %parallel_loop3A_745, %parallel_loop3A_752 : vector<16xi32>
        %parallel_loop3A_754 = tpu.vector_load_idx %arg27[%parallel_loop3A_753] : memref<6700xf32, #tpu.memory_space<vmem>>[vector<16xi32>], vector<16xf32>,
        %parallel_loop3A_755 = arith.addf %parallel_loop3A_736, %parallel_loop3A_754 : vector<16xf32>
        %parallel_loop3A_756 = arith.constant 2 : i32
        %parallel_loop3A_757 = vector.broadcast %parallel_loop3A_756 : i32 to vector<16xi32>
        %parallel_loop3A_758 = arith.addi %parallel_loop3A_745, %parallel_loop3A_757 : vector<16xi32>
        %parallel_loop3A_759 = tpu.vector_load_idx %arg27[%parallel_loop3A_758] : memref<6700xf32, #tpu.memory_space<vmem>>[vector<16xi32>], vector<16xf32>,
        %parallel_loop3A_760 = arith.addf %parallel_loop3A_737, %parallel_loop3A_759 : vector<16xf32>
        %parallel_loop3A_761 = arith.constant 3 : i32
        %parallel_loop3A_762 = vector.broadcast %parallel_loop3A_761 : i32 to vector<16xi32>
        %parallel_loop3A_763 = arith.addi %parallel_loop3A_745, %parallel_loop3A_762 : vector<16xi32>
        %parallel_loop3A_764 = tpu.vector_load_idx %arg27[%parallel_loop3A_763] : memref<6700xf32, #tpu.memory_space<vmem>>[vector<16xi32>], vector<16xf32>,
        %parallel_loop3A_765 = arith.addf %parallel_loop3A_738, %parallel_loop3A_764 : vector<16xf32>
        %parallel_loop3A_766 = arith.constant 4 : i32
        %parallel_loop3A_767 = vector.broadcast %parallel_loop3A_766 : i32 to vector<16xi32>
        %parallel_loop3A_768 = arith.addi %parallel_loop3A_745, %parallel_loop3A_767 : vector<16xi32>
        %parallel_loop3A_769 = tpu.vector_load_idx %arg27[%parallel_loop3A_768] : memref<6700xf32, #tpu.memory_space<vmem>>[vector<16xi32>], vector<16xf32>,
        %parallel_loop3A_770 = arith.addf %parallel_loop3A_739, %parallel_loop3A_769 : vector<16xf32>
        scf.yield %parallel_loop3A_750, %parallel_loop3A_755, %parallel_loop3A_760, %parallel_loop3A_765, %parallel_loop3A_770 : vector<16xf32>, vector<16xf32>, vector<16xf32>, vector<16xf32>, vector<16xf32>
      } {sc.loop_unroll_factor = 4 : i64, sc.parallel_access}
      %add3A_530 = vector.broadcast %min3A_5 : i32 to vector<16xi32>
      %add3A_531 = arith.addi %add3A_530, %add3A_512 : vector<16xi32>
      %gather3A_532 = tpu.vector_load_idx %arg26[%add3A_531] : memref<1340xi32, #tpu.memory_space<vmem>>[vector<16xi32>], vector<16xi32>,
      %convert_element_type3A_533 = arith.sitofp %gather3A_532 : vector<16xi32> to vector<16xf32>
      %bitcast_convert_type3A_534 = tpu.bitcast %convert_element_type3A_533 : vector<16xf32> -> vector<16xi32>
      %shift_right_logical3A_535 = arith.constant 23 : i32
      %shift_right_logical3A_536 = vector.broadcast %shift_right_logical3A_535 : i32 to vector<16xi32>
      %shift_right_logical3A_537 = arith.shrui %bitcast_convert_type3A_534, %shift_right_logical3A_536 : vector<16xi32>
      %sub3A_538 = arith.constant 127 : i32
      %sub3A_539 = vector.broadcast %sub3A_538 : i32 to vector<16xi32>
      %sub3A_540 = arith.subi %shift_right_logical3A_537, %sub3A_539 : vector<16xi32>
      %and3A_541 = arith.constant 8388607 : i32
      %and3A_542 = vector.broadcast %and3A_541 : i32 to vector<16xi32>
      %and3A_543 = arith.andi %bitcast_convert_type3A_534, %and3A_542 : vector<16xi32>
      %or3A_544 = arith.constant 1065353216 : i32
      %or3A_545 = vector.broadcast %or3A_544 : i32 to vector<16xi32>
      %or3A_546 = arith.ori %and3A_543, %or3A_545 : vector<16xi32>
      %bitcast_convert_type3A_547 = tpu.bitcast %or3A_546 : vector<16xi32> -> vector<16xf32>
      %gt3A_548 = arith.constant 1.41421354 : f32
      %gt3A_549 = vector.broadcast %gt3A_548 : f32 to vector<16xf32>
      %gt3A_550 = arith.cmpf ogt, %bitcast_convert_type3A_547, %gt3A_549 : vector<16xf32>
      %mul3A_551 = arith.constant 5.000000e-01 : f32
      %mul3A_552 = vector.broadcast %mul3A_551 : f32 to vector<16xf32>
      %mul3A_553 = arith.mulf %bitcast_convert_type3A_547, %mul3A_552 : vector<16xf32>
      %select_n3A_554 = arith.select %gt3A_550, %mul3A_553, %bitcast_convert_type3A_547 : vector<16xi1>, vector<16xf32>
      %jit3A_555 = arith.constant 1 : i32
      %jit3A_556 = arith.constant 0 : i32
      %broadcast_in_dim3A_557 = vector.broadcast %jit3A_555 : i32 to vector<16xi32>
      %broadcast_in_dim3A_558 = vector.broadcast %jit3A_556 : i32 to vector<16xi32>
      %select_n3A_559 = arith.select %gt3A_550, %broadcast_in_dim3A_557, %broadcast_in_dim3A_558 : vector<16xi1>, vector<16xi32>
      %add3A_560 = arith.addi %sub3A_540, %select_n3A_559 : vector<16xi32>
      %convert_element_type3A_561 = arith.sitofp %add3A_560 : vector<16xi32> to vector<16xf32>
      %sub3A_562 = arith.constant 1.000000e+00 : f32
      %sub3A_563 = vector.broadcast %sub3A_562 : f32 to vector<16xf32>
      %sub3A_564 = arith.subf %select_n3A_554, %sub3A_563 : vector<16xf32>
      %add3A_565 = arith.constant 1.000000e+00 : f32
      %add3A_566 = vector.broadcast %add3A_565 : f32 to vector<16xf32>
      %add3A_567 = arith.addf %select_n3A_554, %add3A_566 : vector<16xf32>
      %div3A_568 = arith.divf %sub3A_564, %add3A_567 : vector<16xf32>
      %mul3A_569 = arith.mulf %div3A_568, %div3A_568 : vector<16xf32>
      %mul3A_570 = arith.constant 0.222222224 : f32
      %mul3A_571 = vector.broadcast %mul3A_570 : f32 to vector<16xf32>
      %mul3A_572 = arith.mulf %mul3A_569, %mul3A_571 : vector<16xf32>
      %add3A_573 = arith.constant 0.285714298 : f32
      %add3A_574 = vector.broadcast %add3A_573 : f32 to vector<16xf32>
      %add3A_575 = arith.addf %add3A_574, %mul3A_572 : vector<16xf32>
      %mul3A_576 = arith.mulf %mul3A_569, %add3A_575 : vector<16xf32>
      %add3A_577 = arith.constant 4.000000e-01 : f32
      %add3A_578 = vector.broadcast %add3A_577 : f32 to vector<16xf32>
      %add3A_579 = arith.addf %add3A_578, %mul3A_576 : vector<16xf32>
      %mul3A_580 = arith.mulf %mul3A_569, %add3A_579 : vector<16xf32>
      %add3A_581 = arith.constant 0.666666686 : f32
      %add3A_582 = vector.broadcast %add3A_581 : f32 to vector<16xf32>
      %add3A_583 = arith.addf %add3A_582, %mul3A_580 : vector<16xf32>
      %mul3A_584 = arith.mulf %mul3A_569, %add3A_583 : vector<16xf32>
      %add3A_585 = arith.constant 2.000000e+00 : f32
      %add3A_586 = vector.broadcast %add3A_585 : f32 to vector<16xf32>
      %add3A_587 = arith.addf %add3A_586, %mul3A_584 : vector<16xf32>
      %mul3A_588 = arith.mulf %div3A_568, %add3A_587 : vector<16xf32>
      %mul3A_589 = arith.constant 0.693147182 : f32
      %mul3A_590 = vector.broadcast %mul3A_589 : f32 to vector<16xf32>
      %mul3A_591 = arith.mulf %convert_element_type3A_561, %mul3A_590 : vector<16xf32>
      %add3A_592 = arith.addf %mul3A_591, %mul3A_588 : vector<16xf32>
      %mul3A_593 = arith.constant -5.000000e-01 : f32
      %mul3A_594 = vector.broadcast %mul3A_593 : f32 to vector<16xf32>
      %mul3A_595 = arith.mulf %mul3A_594, %add3A_592 : vector<16xf32>
      %exp3A_596 = math.exp %mul3A_595 : vector<16xf32>
      %mul3A_597 = arith.constant 5 : i32
      %mul3A_598 = vector.broadcast %mul3A_597 : i32 to vector<16xi32>
      %mul3A_599 = arith.muli %add3A_512, %mul3A_598 : vector<16xi32>
      %add3A_600 = arith.constant 0 : i32
      %add3A_601 = vector.broadcast %add3A_600 : i32 to vector<16xi32>
      %add3A_602 = arith.addi %mul3A_599, %add3A_601 : vector<16xi32>
      %mul3A_603 = arith.mulf %parallel_loop3A_529#0, %exp3A_596 : vector<16xf32>
      tpu.vector_store_idx %arg48[%add3A_602], %mul3A_603 : memref<480xf32, #tpu.memory_space<vmem>>[vector<16xi32>], vector<16xf32>,
      %add3A_604 = arith.constant 1 : i32
      %add3A_605 = vector.broadcast %add3A_604 : i32 to vector<16xi32>
      %add3A_606 = arith.addi %mul3A_599, %add3A_605 : vector<16xi32>
      %mul3A_607 = arith.mulf %parallel_loop3A_529#1, %exp3A_596 : vector<16xf32>
      tpu.vector_store_idx %arg48[%add3A_606], %mul3A_607 : memref<480xf32, #tpu.memory_space<vmem>>[vector<16xi32>], vector<16xf32>,
      %add3A_608 = arith.constant 2 : i32
      %add3A_609 = vector.broadcast %add3A_608 : i32 to vector<16xi32>
      %add3A_610 = arith.addi %mul3A_599, %add3A_609 : vector<16xi32>
      %mul3A_611 = arith.mulf %parallel_loop3A_529#2, %exp3A_596 : vector<16xf32>
      tpu.vector_store_idx %arg48[%add3A_610], %mul3A_611 : memref<480xf32, #tpu.memory_space<vmem>>[vector<16xi32>], vector<16xf32>,
      %add3A_612 = arith.constant 3 : i32
      %add3A_613 = vector.broadcast %add3A_612 : i32 to vector<16xi32>
      %add3A_614 = arith.addi %mul3A_599, %add3A_613 : vector<16xi32>
      %mul3A_615 = arith.mulf %parallel_loop3A_529#3, %exp3A_596 : vector<16xf32>
      tpu.vector_store_idx %arg48[%add3A_614], %mul3A_615 : memref<480xf32, #tpu.memory_space<vmem>>[vector<16xi32>], vector<16xf32>,
      %add3A_616 = arith.constant 4 : i32
      %add3A_617 = vector.broadcast %add3A_616 : i32 to vector<16xi32>
      %add3A_618 = arith.addi %mul3A_599, %add3A_617 : vector<16xi32>
      %mul3A_619 = arith.mulf %parallel_loop3A_529#4, %exp3A_596 : vector<16xf32>
      tpu.vector_store_idx %arg48[%add3A_618], %mul3A_619 : memref<480xf32, #tpu.memory_space<vmem>>[vector<16xi32>], vector<16xf32>,
      %add3A_620 = arith.constant 80 : i32
      %add3A_621 = vector.broadcast %add3A_620 : i32 to vector<16xi32>
      %add3A_622 = arith.addi %iota3A, %add3A_621 : vector<16xi32>
      %mul3A_623 = arith.constant 50 : i32
      %mul3A_624 = vector.broadcast %mul3A_623 : i32 to vector<16xi32>
      %mul3A_625 = arith.muli %add3A_622, %mul3A_624 : vector<16xi32>
      %broadcast_in_dim3A_626 = arith.constant 0.000000e+00 : f32
      %broadcast_in_dim3A_627 = vector.broadcast %broadcast_in_dim3A_626 : f32 to vector<16xf32>
      %broadcast_in_dim3A_628 = arith.constant 0.000000e+00 : f32
      %broadcast_in_dim3A_629 = vector.broadcast %broadcast_in_dim3A_628 : f32 to vector<16xf32>
      %broadcast_in_dim3A_630 = arith.constant 0.000000e+00 : f32
      %broadcast_in_dim3A_631 = vector.broadcast %broadcast_in_dim3A_630 : f32 to vector<16xf32>
      %broadcast_in_dim3A_632 = arith.constant 0.000000e+00 : f32
      %broadcast_in_dim3A_633 = vector.broadcast %broadcast_in_dim3A_632 : f32 to vector<16xf32>
      %broadcast_in_dim3A_634 = arith.constant 0.000000e+00 : f32
      %broadcast_in_dim3A_635 = vector.broadcast %broadcast_in_dim3A_634 : f32 to vector<16xf32>
      %parallel_loop3A_636 = arith.constant 0 : i32
      %parallel_loop3A_637 = arith.constant 50 : i32
      %parallel_loop3A_638 = arith.constant 1 : i32
      %parallel_loop3A_639:5 = scf.for %parallel_loop3A_734 = %parallel_loop3A_636 to %parallel_loop3A_637 step %parallel_loop3A_638 iter_args(%parallel_loop3A_735 = %broadcast_in_dim3A_627, %parallel_loop3A_736 = %broadcast_in_dim3A_629, %parallel_loop3A_737 = %broadcast_in_dim3A_631, %parallel_loop3A_738 = %broadcast_in_dim3A_633, %parallel_loop3A_739 = %broadcast_in_dim3A_635) -> (vector<16xf32>, vector<16xf32>, vector<16xf32>, vector<16xf32>, vector<16xf32>)  : i32 {
        %parallel_loop3A_740 = vector.broadcast %parallel_loop3A_734 : i32 to vector<16xi32>
        %parallel_loop3A_741 = arith.addi %mul3A_625, %parallel_loop3A_740 : vector<16xi32>
        %parallel_loop3A_742 = tpu.vector_load_idx %arg25[%parallel_loop3A_741] : memref<4800xi32, #tpu.memory_space<vmem>>[vector<16xi32>], vector<16xi32>,
        %parallel_loop3A_743 = arith.constant 5 : i32
        %parallel_loop3A_744 = vector.broadcast %parallel_loop3A_743 : i32 to vector<16xi32>
        %parallel_loop3A_745 = arith.muli %parallel_loop3A_742, %parallel_loop3A_744 : vector<16xi32>
        %parallel_loop3A_746 = arith.constant 0 : i32
        %parallel_loop3A_747 = vector.broadcast %parallel_loop3A_746 : i32 to vector<16xi32>
        %parallel_loop3A_748 = arith.addi %parallel_loop3A_745, %parallel_loop3A_747 : vector<16xi32>
        %parallel_loop3A_749 = tpu.vector_load_idx %arg27[%parallel_loop3A_748] : memref<6700xf32, #tpu.memory_space<vmem>>[vector<16xi32>], vector<16xf32>,
        %parallel_loop3A_750 = arith.addf %parallel_loop3A_735, %parallel_loop3A_749 : vector<16xf32>
        %parallel_loop3A_751 = arith.constant 1 : i32
        %parallel_loop3A_752 = vector.broadcast %parallel_loop3A_751 : i32 to vector<16xi32>
        %parallel_loop3A_753 = arith.addi %parallel_loop3A_745, %parallel_loop3A_752 : vector<16xi32>
        %parallel_loop3A_754 = tpu.vector_load_idx %arg27[%parallel_loop3A_753] : memref<6700xf32, #tpu.memory_space<vmem>>[vector<16xi32>], vector<16xf32>,
        %parallel_loop3A_755 = arith.addf %parallel_loop3A_736, %parallel_loop3A_754 : vector<16xf32>
        %parallel_loop3A_756 = arith.constant 2 : i32
        %parallel_loop3A_757 = vector.broadcast %parallel_loop3A_756 : i32 to vector<16xi32>
        %parallel_loop3A_758 = arith.addi %parallel_loop3A_745, %parallel_loop3A_757 : vector<16xi32>
        %parallel_loop3A_759 = tpu.vector_load_idx %arg27[%parallel_loop3A_758] : memref<6700xf32, #tpu.memory_space<vmem>>[vector<16xi32>], vector<16xf32>,
        %parallel_loop3A_760 = arith.addf %parallel_loop3A_737, %parallel_loop3A_759 : vector<16xf32>
        %parallel_loop3A_761 = arith.constant 3 : i32
        %parallel_loop3A_762 = vector.broadcast %parallel_loop3A_761 : i32 to vector<16xi32>
        %parallel_loop3A_763 = arith.addi %parallel_loop3A_745, %parallel_loop3A_762 : vector<16xi32>
        %parallel_loop3A_764 = tpu.vector_load_idx %arg27[%parallel_loop3A_763] : memref<6700xf32, #tpu.memory_space<vmem>>[vector<16xi32>], vector<16xf32>,
        %parallel_loop3A_765 = arith.addf %parallel_loop3A_738, %parallel_loop3A_764 : vector<16xf32>
        %parallel_loop3A_766 = arith.constant 4 : i32
        %parallel_loop3A_767 = vector.broadcast %parallel_loop3A_766 : i32 to vector<16xi32>
        %parallel_loop3A_768 = arith.addi %parallel_loop3A_745, %parallel_loop3A_767 : vector<16xi32>
        %parallel_loop3A_769 = tpu.vector_load_idx %arg27[%parallel_loop3A_768] : memref<6700xf32, #tpu.memory_space<vmem>>[vector<16xi32>], vector<16xf32>,
        %parallel_loop3A_770 = arith.addf %parallel_loop3A_739, %parallel_loop3A_769 : vector<16xf32>
        scf.yield %parallel_loop3A_750, %parallel_loop3A_755, %parallel_loop3A_760, %parallel_loop3A_765, %parallel_loop3A_770 : vector<16xf32>, vector<16xf32>, vector<16xf32>, vector<16xf32>, vector<16xf32>
      } {sc.loop_unroll_factor = 4 : i64, sc.parallel_access}
      %add3A_640 = vector.broadcast %min3A_5 : i32 to vector<16xi32>
      %add3A_641 = arith.addi %add3A_640, %add3A_622 : vector<16xi32>
      %gather3A_642 = tpu.vector_load_idx %arg26[%add3A_641] : memref<1340xi32, #tpu.memory_space<vmem>>[vector<16xi32>], vector<16xi32>,
      %convert_element_type3A_643 = arith.sitofp %gather3A_642 : vector<16xi32> to vector<16xf32>
      %bitcast_convert_type3A_644 = tpu.bitcast %convert_element_type3A_643 : vector<16xf32> -> vector<16xi32>
      %shift_right_logical3A_645 = arith.constant 23 : i32
      %shift_right_logical3A_646 = vector.broadcast %shift_right_logical3A_645 : i32 to vector<16xi32>
      %shift_right_logical3A_647 = arith.shrui %bitcast_convert_type3A_644, %shift_right_logical3A_646 : vector<16xi32>
      %sub3A_648 = arith.constant 127 : i32
      %sub3A_649 = vector.broadcast %sub3A_648 : i32 to vector<16xi32>
      %sub3A_650 = arith.subi %shift_right_logical3A_647, %sub3A_649 : vector<16xi32>
      %and3A_651 = arith.constant 8388607 : i32
      %and3A_652 = vector.broadcast %and3A_651 : i32 to vector<16xi32>
      %and3A_653 = arith.andi %bitcast_convert_type3A_644, %and3A_652 : vector<16xi32>
      %or3A_654 = arith.constant 1065353216 : i32
      %or3A_655 = vector.broadcast %or3A_654 : i32 to vector<16xi32>
      %or3A_656 = arith.ori %and3A_653, %or3A_655 : vector<16xi32>
      %bitcast_convert_type3A_657 = tpu.bitcast %or3A_656 : vector<16xi32> -> vector<16xf32>
      %gt3A_658 = arith.constant 1.41421354 : f32
      %gt3A_659 = vector.broadcast %gt3A_658 : f32 to vector<16xf32>
      %gt3A_660 = arith.cmpf ogt, %bitcast_convert_type3A_657, %gt3A_659 : vector<16xf32>
      %mul3A_661 = arith.constant 5.000000e-01 : f32
      %mul3A_662 = vector.broadcast %mul3A_661 : f32 to vector<16xf32>
      %mul3A_663 = arith.mulf %bitcast_convert_type3A_657, %mul3A_662 : vector<16xf32>
      %select_n3A_664 = arith.select %gt3A_660, %mul3A_663, %bitcast_convert_type3A_657 : vector<16xi1>, vector<16xf32>
      %jit3A_665 = arith.constant 1 : i32
      %jit3A_666 = arith.constant 0 : i32
      %broadcast_in_dim3A_667 = vector.broadcast %jit3A_665 : i32 to vector<16xi32>
      %broadcast_in_dim3A_668 = vector.broadcast %jit3A_666 : i32 to vector<16xi32>
      %select_n3A_669 = arith.select %gt3A_660, %broadcast_in_dim3A_667, %broadcast_in_dim3A_668 : vector<16xi1>, vector<16xi32>
      %add3A_670 = arith.addi %sub3A_650, %select_n3A_669 : vector<16xi32>
      %convert_element_type3A_671 = arith.sitofp %add3A_670 : vector<16xi32> to vector<16xf32>
      %sub3A_672 = arith.constant 1.000000e+00 : f32
      %sub3A_673 = vector.broadcast %sub3A_672 : f32 to vector<16xf32>
      %sub3A_674 = arith.subf %select_n3A_664, %sub3A_673 : vector<16xf32>
      %add3A_675 = arith.constant 1.000000e+00 : f32
      %add3A_676 = vector.broadcast %add3A_675 : f32 to vector<16xf32>
      %add3A_677 = arith.addf %select_n3A_664, %add3A_676 : vector<16xf32>
      %div3A_678 = arith.divf %sub3A_674, %add3A_677 : vector<16xf32>
      %mul3A_679 = arith.mulf %div3A_678, %div3A_678 : vector<16xf32>
      %mul3A_680 = arith.constant 0.222222224 : f32
      %mul3A_681 = vector.broadcast %mul3A_680 : f32 to vector<16xf32>
      %mul3A_682 = arith.mulf %mul3A_679, %mul3A_681 : vector<16xf32>
      %add3A_683 = arith.constant 0.285714298 : f32
      %add3A_684 = vector.broadcast %add3A_683 : f32 to vector<16xf32>
      %add3A_685 = arith.addf %add3A_684, %mul3A_682 : vector<16xf32>
      %mul3A_686 = arith.mulf %mul3A_679, %add3A_685 : vector<16xf32>
      %add3A_687 = arith.constant 4.000000e-01 : f32
      %add3A_688 = vector.broadcast %add3A_687 : f32 to vector<16xf32>
      %add3A_689 = arith.addf %add3A_688, %mul3A_686 : vector<16xf32>
      %mul3A_690 = arith.mulf %mul3A_679, %add3A_689 : vector<16xf32>
      %add3A_691 = arith.constant 0.666666686 : f32
      %add3A_692 = vector.broadcast %add3A_691 : f32 to vector<16xf32>
      %add3A_693 = arith.addf %add3A_692, %mul3A_690 : vector<16xf32>
      %mul3A_694 = arith.mulf %mul3A_679, %add3A_693 : vector<16xf32>
      %add3A_695 = arith.constant 2.000000e+00 : f32
      %add3A_696 = vector.broadcast %add3A_695 : f32 to vector<16xf32>
      %add3A_697 = arith.addf %add3A_696, %mul3A_694 : vector<16xf32>
      %mul3A_698 = arith.mulf %div3A_678, %add3A_697 : vector<16xf32>
      %mul3A_699 = arith.constant 0.693147182 : f32
      %mul3A_700 = vector.broadcast %mul3A_699 : f32 to vector<16xf32>
      %mul3A_701 = arith.mulf %convert_element_type3A_671, %mul3A_700 : vector<16xf32>
      %add3A_702 = arith.addf %mul3A_701, %mul3A_698 : vector<16xf32>
      %mul3A_703 = arith.constant -5.000000e-01 : f32
      %mul3A_704 = vector.broadcast %mul3A_703 : f32 to vector<16xf32>
      %mul3A_705 = arith.mulf %mul3A_704, %add3A_702 : vector<16xf32>
      %exp3A_706 = math.exp %mul3A_705 : vector<16xf32>
      %mul3A_707 = arith.constant 5 : i32
      %mul3A_708 = vector.broadcast %mul3A_707 : i32 to vector<16xi32>
      %mul3A_709 = arith.muli %add3A_622, %mul3A_708 : vector<16xi32>
      %add3A_710 = arith.constant 0 : i32
      %add3A_711 = vector.broadcast %add3A_710 : i32 to vector<16xi32>
      %add3A_712 = arith.addi %mul3A_709, %add3A_711 : vector<16xi32>
      %mul3A_713 = arith.mulf %parallel_loop3A_639#0, %exp3A_706 : vector<16xf32>
      tpu.vector_store_idx %arg48[%add3A_712], %mul3A_713 : memref<480xf32, #tpu.memory_space<vmem>>[vector<16xi32>], vector<16xf32>,
      %add3A_714 = arith.constant 1 : i32
      %add3A_715 = vector.broadcast %add3A_714 : i32 to vector<16xi32>
      %add3A_716 = arith.addi %mul3A_709, %add3A_715 : vector<16xi32>
      %mul3A_717 = arith.mulf %parallel_loop3A_639#1, %exp3A_706 : vector<16xf32>
      tpu.vector_store_idx %arg48[%add3A_716], %mul3A_717 : memref<480xf32, #tpu.memory_space<vmem>>[vector<16xi32>], vector<16xf32>,
      %add3A_718 = arith.constant 2 : i32
      %add3A_719 = vector.broadcast %add3A_718 : i32 to vector<16xi32>
      %add3A_720 = arith.addi %mul3A_709, %add3A_719 : vector<16xi32>
      %mul3A_721 = arith.mulf %parallel_loop3A_639#2, %exp3A_706 : vector<16xf32>
      tpu.vector_store_idx %arg48[%add3A_720], %mul3A_721 : memref<480xf32, #tpu.memory_space<vmem>>[vector<16xi32>], vector<16xf32>,
      %add3A_722 = arith.constant 3 : i32
      %add3A_723 = vector.broadcast %add3A_722 : i32 to vector<16xi32>
      %add3A_724 = arith.addi %mul3A_709, %add3A_723 : vector<16xi32>
      %mul3A_725 = arith.mulf %parallel_loop3A_639#3, %exp3A_706 : vector<16xf32>
      tpu.vector_store_idx %arg48[%add3A_724], %mul3A_725 : memref<480xf32, #tpu.memory_space<vmem>>[vector<16xi32>], vector<16xf32>,
      %add3A_726 = arith.constant 4 : i32
      %add3A_727 = vector.broadcast %add3A_726 : i32 to vector<16xi32>
      %add3A_728 = arith.addi %mul3A_709, %add3A_727 : vector<16xi32>
      %mul3A_729 = arith.mulf %parallel_loop3A_639#4, %exp3A_706 : vector<16xf32>
      tpu.vector_store_idx %arg48[%add3A_728], %mul3A_729 : memref<480xf32, #tpu.memory_space<vmem>>[vector<16xi32>], vector<16xf32>,
      %mul3A_730 = arith.constant 96 : i32
      %mul3A_731 = arith.muli %arg1, %mul3A_730 : i32
      %mul3A_732 = arith.constant 5 : i32
      %mul3A_733 = arith.muli %mul3A_731, %mul3A_732 : i32
      "tpu.region"() ({
        %run_scoped3A = tpu.sem_alloc : memref<!tpu.dma_semaphore, #tpu.memory_space<semaphore_mem>>
        %dma_start3A_734 = tpu.memref_slice %arg50[%mul3A_733] : memref<6720xf32, #tpu.memory_space<vmem_shared>> -> memref<480xf32, #tpu.memory_space<vmem_shared>>
        %dma_start3A_735 = tpu.memref_slice %arg50[%mul3A_733] : memref<6720xf32, #tpu.memory_space<vmem_shared>> -> memref<480xf32, #tpu.memory_space<vmem_shared>>
        tpu.enqueue_dma source(%arg48 : memref<480xf32, #tpu.memory_space<vmem>>) target(%dma_start3A_735 : memref<480xf32, #tpu.memory_space<vmem_shared>>) target_semaphore(%run_scoped3A : memref<!tpu.dma_semaphore, #tpu.memory_space<semaphore_mem>>)
        %dma_wait3A_736 = tpu.memref_slice %arg50[%mul3A_733] : memref<6720xf32, #tpu.memory_space<vmem_shared>> -> memref<480xf32, #tpu.memory_space<vmem_shared>>
        %dma_wait3A_737 = tpu.memref_slice %arg50[%mul3A_733] : memref<6720xf32, #tpu.memory_space<vmem_shared>> -> memref<480xf32, #tpu.memory_space<vmem_shared>>
        tpu.wait_dma2 semaphore(%run_scoped3A : memref<!tpu.dma_semaphore, #tpu.memory_space<semaphore_mem>>) src(%arg48 : memref<480xf32, #tpu.memory_space<vmem>>) dst(%dma_wait3A_737 : memref<480xf32, #tpu.memory_space<vmem_shared>>)
        tpu.yield
      }) : () -> ()
    } else {
    }
    %barrier3A = arith.constant 0 : index
    tpu.barrier barrier_id(%barrier3A)
    "tpu.region"() ({
      %run_scoped3A = tpu.sem_alloc : memref<!tpu.dma_semaphore, #tpu.memory_space<semaphore_mem>>
      tpu.enqueue_dma source(%arg50 : memref<6720xf32, #tpu.memory_space<vmem_shared>>) target(%arg47 : memref<6720xf32, #tpu.memory_space<vmem>>) target_semaphore(%run_scoped3A : memref<!tpu.dma_semaphore, #tpu.memory_space<semaphore_mem>>)
      tpu.wait_dma2 semaphore(%run_scoped3A : memref<!tpu.dma_semaphore, #tpu.memory_space<semaphore_mem>>) src(%arg50 : memref<6720xf32, #tpu.memory_space<vmem_shared>>) dst(%arg47 : memref<6720xf32, #tpu.memory_space<vmem>>)
      tpu.yield
    }) : () -> ()
    tpu.wait_dma2 semaphore(%arg52 : memref<!tpu.dma_semaphore, #tpu.memory_space<semaphore_mem>>) src(%arg5 : memref<1340xf32, #tpu.memory_space<hbm>>) dst(%arg28 : memref<1340xf32, #tpu.memory_space<vmem>>)
    tpu.wait_dma2 semaphore(%arg52 : memref<!tpu.dma_semaphore, #tpu.memory_space<semaphore_mem>>) src(%arg6 : memref<1340xf32, #tpu.memory_space<hbm>>) dst(%arg29 : memref<1340xf32, #tpu.memory_space<vmem>>)
    tpu.wait_dma2 semaphore(%arg52 : memref<!tpu.dma_semaphore, #tpu.memory_space<semaphore_mem>>) src(%arg7 : memref<1340xf32, #tpu.memory_space<hbm>>) dst(%arg30 : memref<1340xf32, #tpu.memory_space<vmem>>)
    tpu.wait_dma2 semaphore(%arg52 : memref<!tpu.dma_semaphore, #tpu.memory_space<semaphore_mem>>) src(%arg8 : memref<1340xf32, #tpu.memory_space<hbm>>) dst(%arg31 : memref<1340xf32, #tpu.memory_space<vmem>>)
    tpu.wait_dma2 semaphore(%arg52 : memref<!tpu.dma_semaphore, #tpu.memory_space<semaphore_mem>>) src(%arg9 : memref<6700xf32, #tpu.memory_space<hbm>>) dst(%arg32 : memref<6700xf32, #tpu.memory_space<vmem>>)
    tpu.wait_dma2 semaphore(%arg52 : memref<!tpu.dma_semaphore, #tpu.memory_space<semaphore_mem>>) src(%arg10 : memref<6700xf32, #tpu.memory_space<hbm>>) dst(%arg33 : memref<6700xf32, #tpu.memory_space<vmem>>)
    tpu.wait_dma2 semaphore(%arg52 : memref<!tpu.dma_semaphore, #tpu.memory_space<semaphore_mem>>) src(%arg11 : memref<733xf32, #tpu.memory_space<hbm>>) dst(%arg34 : memref<733xf32, #tpu.memory_space<vmem>>)
    tpu.wait_dma2 semaphore(%arg52 : memref<!tpu.dma_semaphore, #tpu.memory_space<semaphore_mem>>) src(%arg12 : memref<3665xf32, #tpu.memory_space<hbm>>) dst(%arg35 : memref<3665xf32, #tpu.memory_space<vmem>>)
    tpu.wait_dma2 semaphore(%arg52 : memref<!tpu.dma_semaphore, #tpu.memory_space<semaphore_mem>>) src(%arg13 : memref<43980xf32, #tpu.memory_space<hbm>>) dst(%arg36 : memref<43980xf32, #tpu.memory_space<vmem>>)
    tpu.wait_dma2 semaphore(%arg52 : memref<!tpu.dma_semaphore, #tpu.memory_space<semaphore_mem>>) src(%arg14 : memref<4097xf32, #tpu.memory_space<hbm>>) dst(%arg37 : memref<4097xf32, #tpu.memory_space<vmem>>)
    tpu.wait_dma2 semaphore(%arg52 : memref<!tpu.dma_semaphore, #tpu.memory_space<semaphore_mem>>) src(%arg15 : memref<4097xf32, #tpu.memory_space<hbm>>) dst(%arg38 : memref<4097xf32, #tpu.memory_space<vmem>>)
    tpu.wait_dma2 semaphore(%arg52 : memref<!tpu.dma_semaphore, #tpu.memory_space<semaphore_mem>>) src(%arg16 : memref<20485xf32, #tpu.memory_space<hbm>>) dst(%arg39 : memref<20485xf32, #tpu.memory_space<vmem>>)
    %dma_wait3A_30 = arith.constant 8 : i32
    %dma_wait3A_31 = tpu.memref_slice %arg40[%dma_wait3A_30] : memref<16xf32, #tpu.memory_space<vmem>> -> memref<5xf32, #tpu.memory_space<vmem>>
    %dma_wait3A_32 = arith.constant 8 : i32
    %dma_wait3A_33 = tpu.memref_slice %arg40[%dma_wait3A_32] : memref<16xf32, #tpu.memory_space<vmem>> -> memref<5xf32, #tpu.memory_space<vmem>>
    tpu.wait_dma2 semaphore(%arg52 : memref<!tpu.dma_semaphore, #tpu.memory_space<semaphore_mem>>) src(%arg17 : memref<5xf32, #tpu.memory_space<hbm>>) dst(%dma_wait3A_33 : memref<5xf32, #tpu.memory_space<vmem>>)
    %dma_wait3A_34 = arith.constant 8 : i32
    %dma_wait3A_35 = tpu.memref_slice %arg41[%dma_wait3A_34] : memref<16xf32, #tpu.memory_space<vmem>> -> memref<5xf32, #tpu.memory_space<vmem>>
    %dma_wait3A_36 = arith.constant 8 : i32
    %dma_wait3A_37 = tpu.memref_slice %arg41[%dma_wait3A_36] : memref<16xf32, #tpu.memory_space<vmem>> -> memref<5xf32, #tpu.memory_space<vmem>>
    tpu.wait_dma2 semaphore(%arg52 : memref<!tpu.dma_semaphore, #tpu.memory_space<semaphore_mem>>) src(%arg18 : memref<5xf32, #tpu.memory_space<hbm>>) dst(%dma_wait3A_37 : memref<5xf32, #tpu.memory_space<vmem>>)
    %dma_wait3A_38 = tpu.memref_slice %arg19[%mul3A_2] : memref<16384xi32, #tpu.memory_space<hbm>> -> memref<1024xi32, #tpu.memory_space<hbm>>
    %dma_wait3A_39 = tpu.memref_slice %arg19[%mul3A_2] : memref<16384xi32, #tpu.memory_space<hbm>> -> memref<1024xi32, #tpu.memory_space<hbm>>
    tpu.wait_dma2 semaphore(%arg52 : memref<!tpu.dma_semaphore, #tpu.memory_space<semaphore_mem>>) src(%dma_wait3A_39 : memref<1024xi32, #tpu.memory_space<hbm>>) dst(%arg42 : memref<1024xi32, #tpu.memory_space<vmem>>)
    %dma_wait3A_40 = tpu.memref_slice %arg20[%mul3A_2] : memref<16384xi32, #tpu.memory_space<hbm>> -> memref<1024xi32, #tpu.memory_space<hbm>>
    %dma_wait3A_41 = tpu.memref_slice %arg20[%mul3A_2] : memref<16384xi32, #tpu.memory_space<hbm>> -> memref<1024xi32, #tpu.memory_space<hbm>>
    tpu.wait_dma2 semaphore(%arg52 : memref<!tpu.dma_semaphore, #tpu.memory_space<semaphore_mem>>) src(%dma_wait3A_41 : memref<1024xi32, #tpu.memory_space<hbm>>) dst(%arg43 : memref<1024xi32, #tpu.memory_space<vmem>>)
    %dma_wait3A_42 = tpu.memref_slice %arg21[%mul3A_2] : memref<16384xi32, #tpu.memory_space<hbm>> -> memref<1024xi32, #tpu.memory_space<hbm>>
    %dma_wait3A_43 = tpu.memref_slice %arg21[%mul3A_2] : memref<16384xi32, #tpu.memory_space<hbm>> -> memref<1024xi32, #tpu.memory_space<hbm>>
    tpu.wait_dma2 semaphore(%arg52 : memref<!tpu.dma_semaphore, #tpu.memory_space<semaphore_mem>>) src(%dma_wait3A_43 : memref<1024xi32, #tpu.memory_space<hbm>>) dst(%arg44 : memref<1024xi32, #tpu.memory_space<vmem>>)
    %dma_wait3A_44 = tpu.memref_slice %arg22[%mul3A_2] : memref<16384xi32, #tpu.memory_space<hbm>> -> memref<1024xi32, #tpu.memory_space<hbm>>
    %dma_wait3A_45 = tpu.memref_slice %arg22[%mul3A_2] : memref<16384xi32, #tpu.memory_space<hbm>> -> memref<1024xi32, #tpu.memory_space<hbm>>
    tpu.wait_dma2 semaphore(%arg52 : memref<!tpu.dma_semaphore, #tpu.memory_space<semaphore_mem>>) src(%dma_wait3A_45 : memref<1024xi32, #tpu.memory_space<hbm>>) dst(%arg45 : memref<1024xi32, #tpu.memory_space<vmem>>)
    %dma_wait3A_46 = tpu.memref_slice %arg23[%mul3A_2] : memref<16384xi32, #tpu.memory_space<hbm>> -> memref<1024xi32, #tpu.memory_space<hbm>>
    %dma_wait3A_47 = tpu.memref_slice %arg23[%mul3A_2] : memref<16384xi32, #tpu.memory_space<hbm>> -> memref<1024xi32, #tpu.memory_space<hbm>>
    tpu.wait_dma2 semaphore(%arg52 : memref<!tpu.dma_semaphore, #tpu.memory_space<semaphore_mem>>) src(%dma_wait3A_47 : memref<1024xi32, #tpu.memory_space<hbm>>) dst(%arg46 : memref<1024xi32, #tpu.memory_space<vmem>>)
    %broadcast_in_dim3A = arith.constant 8 : i32
    %broadcast_in_dim3A_48 = vector.broadcast %broadcast_in_dim3A : i32 to vector<16xi32>
    %gather3A = tpu.vector_load_idx %arg40[%broadcast_in_dim3A_48] : memref<16xf32, #tpu.memory_space<vmem>>[vector<16xi32>], vector<16xf32>,
    %broadcast_in_dim3A_49 = arith.constant 9 : i32
    %broadcast_in_dim3A_50 = vector.broadcast %broadcast_in_dim3A_49 : i32 to vector<16xi32>
    %gather3A_51 = tpu.vector_load_idx %arg40[%broadcast_in_dim3A_50] : memref<16xf32, #tpu.memory_space<vmem>>[vector<16xi32>], vector<16xf32>,
    %broadcast_in_dim3A_52 = arith.constant 10 : i32
    %broadcast_in_dim3A_53 = vector.broadcast %broadcast_in_dim3A_52 : i32 to vector<16xi32>
    %gather3A_54 = tpu.vector_load_idx %arg40[%broadcast_in_dim3A_53] : memref<16xf32, #tpu.memory_space<vmem>>[vector<16xi32>], vector<16xf32>,
    %broadcast_in_dim3A_55 = arith.constant 11 : i32
    %broadcast_in_dim3A_56 = vector.broadcast %broadcast_in_dim3A_55 : i32 to vector<16xi32>
    %gather3A_57 = tpu.vector_load_idx %arg40[%broadcast_in_dim3A_56] : memref<16xf32, #tpu.memory_space<vmem>>[vector<16xi32>], vector<16xf32>,
    %broadcast_in_dim3A_58 = arith.constant 12 : i32
    %broadcast_in_dim3A_59 = vector.broadcast %broadcast_in_dim3A_58 : i32 to vector<16xi32>
    %gather3A_60 = tpu.vector_load_idx %arg40[%broadcast_in_dim3A_59] : memref<16xf32, #tpu.memory_space<vmem>>[vector<16xi32>], vector<16xf32>,
    %broadcast_in_dim3A_61 = arith.constant 8 : i32
    %broadcast_in_dim3A_62 = vector.broadcast %broadcast_in_dim3A_61 : i32 to vector<16xi32>
    %gather3A_63 = tpu.vector_load_idx %arg41[%broadcast_in_dim3A_62] : memref<16xf32, #tpu.memory_space<vmem>>[vector<16xi32>], vector<16xf32>,
    %broadcast_in_dim3A_64 = arith.constant 9 : i32
    %broadcast_in_dim3A_65 = vector.broadcast %broadcast_in_dim3A_64 : i32 to vector<16xi32>
    %gather3A_66 = tpu.vector_load_idx %arg41[%broadcast_in_dim3A_65] : memref<16xf32, #tpu.memory_space<vmem>>[vector<16xi32>], vector<16xf32>,
    %broadcast_in_dim3A_67 = arith.constant 10 : i32
    %broadcast_in_dim3A_68 = vector.broadcast %broadcast_in_dim3A_67 : i32 to vector<16xi32>
    %gather3A_69 = tpu.vector_load_idx %arg41[%broadcast_in_dim3A_68] : memref<16xf32, #tpu.memory_space<vmem>>[vector<16xi32>], vector<16xf32>,
    %broadcast_in_dim3A_70 = arith.constant 11 : i32
    %broadcast_in_dim3A_71 = vector.broadcast %broadcast_in_dim3A_70 : i32 to vector<16xi32>
    %gather3A_72 = tpu.vector_load_idx %arg41[%broadcast_in_dim3A_71] : memref<16xf32, #tpu.memory_space<vmem>>[vector<16xi32>], vector<16xf32>,
    %broadcast_in_dim3A_73 = arith.constant 12 : i32
    %broadcast_in_dim3A_74 = vector.broadcast %broadcast_in_dim3A_73 : i32 to vector<16xi32>
    %gather3A_75 = tpu.vector_load_idx %arg41[%broadcast_in_dim3A_74] : memref<16xf32, #tpu.memory_space<vmem>>[vector<16xi32>], vector<16xf32>,
    %parallel_loop3A = arith.constant 0 : i32
    %parallel_loop3A_76 = arith.constant 64 : i32
    %parallel_loop3A_77 = arith.constant 1 : i32
    scf.for %parallel_loop3A_80 = %parallel_loop3A to %parallel_loop3A_76 step %parallel_loop3A_77  : i32 {
      %parallel_loop3A_81 = arith.constant 16 : i32
      %parallel_loop3A_82 = arith.muli %parallel_loop3A_80, %parallel_loop3A_81 : i32
      %parallel_loop3A_83 = vector.broadcast %parallel_loop3A_82 : i32 to vector<16xi32>
      %parallel_loop3A_84 = arith.addi %iota3A, %parallel_loop3A_83 : vector<16xi32>
      %parallel_loop3A_85 = arith.index_cast %parallel_loop3A_82 : i32 to index
      %parallel_loop3A_86 = tpu.vector_load %arg42[%parallel_loop3A_85] {strides = array<i32>} : memref<1024xi32, #tpu.memory_space<vmem>>, vector<16xi32>,
      %parallel_loop3A_87 = arith.index_cast %parallel_loop3A_82 : i32 to index
      %parallel_loop3A_88 = tpu.vector_load %arg43[%parallel_loop3A_87] {strides = array<i32>} : memref<1024xi32, #tpu.memory_space<vmem>>, vector<16xi32>,
      %parallel_loop3A_89 = arith.index_cast %parallel_loop3A_82 : i32 to index
      %parallel_loop3A_90 = tpu.vector_load %arg44[%parallel_loop3A_89] {strides = array<i32>} : memref<1024xi32, #tpu.memory_space<vmem>>, vector<16xi32>,
      %parallel_loop3A_91 = arith.index_cast %parallel_loop3A_82 : i32 to index
      %parallel_loop3A_92 = tpu.vector_load %arg45[%parallel_loop3A_91] {strides = array<i32>} : memref<1024xi32, #tpu.memory_space<vmem>>, vector<16xi32>,
      %parallel_loop3A_93 = arith.index_cast %parallel_loop3A_82 : i32 to index
      %parallel_loop3A_94 = tpu.vector_load %arg46[%parallel_loop3A_93] {strides = array<i32>} : memref<1024xi32, #tpu.memory_space<vmem>>, vector<16xi32>,
      %parallel_loop3A_95 = tpu.vector_load_idx %arg30[%parallel_loop3A_86] : memref<1340xf32, #tpu.memory_space<vmem>>[vector<16xi32>], vector<16xf32>,
      %parallel_loop3A_96 = arith.sitofp %parallel_loop3A_92 : vector<16xi32> to vector<16xf32>
      %parallel_loop3A_97 = arith.subf %parallel_loop3A_96, %parallel_loop3A_95 : vector<16xf32>
      %parallel_loop3A_98 = tpu.bitcast %parallel_loop3A_97 : vector<16xf32> -> vector<16xi32>
      %parallel_loop3A_99 = arith.constant -2147483648 : i32
      %parallel_loop3A_100 = vector.broadcast %parallel_loop3A_99 : i32 to vector<16xi32>
      %parallel_loop3A_101 = arith.andi %parallel_loop3A_98, %parallel_loop3A_100 : vector<16xi32>
      %parallel_loop3A_102 = arith.constant 1065353216 : i32
      %parallel_loop3A_103 = vector.broadcast %parallel_loop3A_102 : i32 to vector<16xi32>
      %parallel_loop3A_104 = arith.ori %parallel_loop3A_103, %parallel_loop3A_101 : vector<16xi32>
      %parallel_loop3A_105 = tpu.bitcast %parallel_loop3A_104 : vector<16xi32> -> vector<16xf32>
      %parallel_loop3A_106 = math.absf %parallel_loop3A_97 : vector<16xf32>
      %parallel_loop3A_107 = arith.constant 0.000000e+00 : f32
      %parallel_loop3A_108 = vector.broadcast %parallel_loop3A_107 : f32 to vector<16xf32>
      %parallel_loop3A_109 = arith.cmpf ogt, %parallel_loop3A_106, %parallel_loop3A_108 : vector<16xf32>
      %parallel_loop3A_110 = arith.select %parallel_loop3A_109, %parallel_loop3A_105, %parallel_loop3A_97 : vector<16xi1>, vector<16xf32>
      %parallel_loop3A_111 = math.absf %parallel_loop3A_97 : vector<16xf32>
      %parallel_loop3A_112 = tpu.bitcast %parallel_loop3A_111 : vector<16xf32> -> vector<16xi32>
      %parallel_loop3A_113 = arith.constant 23 : i32
      %parallel_loop3A_114 = vector.broadcast %parallel_loop3A_113 : i32 to vector<16xi32>
      %parallel_loop3A_115 = arith.shrui %parallel_loop3A_112, %parallel_loop3A_114 : vector<16xi32>
      %parallel_loop3A_116 = arith.constant 127 : i32
      %parallel_loop3A_117 = vector.broadcast %parallel_loop3A_116 : i32 to vector<16xi32>
      %parallel_loop3A_118 = arith.subi %parallel_loop3A_115, %parallel_loop3A_117 : vector<16xi32>
      %parallel_loop3A_119 = arith.constant 8388607 : i32
      %parallel_loop3A_120 = vector.broadcast %parallel_loop3A_119 : i32 to vector<16xi32>
      %parallel_loop3A_121 = arith.andi %parallel_loop3A_112, %parallel_loop3A_120 : vector<16xi32>
      %parallel_loop3A_122 = arith.constant 1065353216 : i32
      %parallel_loop3A_123 = vector.broadcast %parallel_loop3A_122 : i32 to vector<16xi32>
      %parallel_loop3A_124 = arith.ori %parallel_loop3A_121, %parallel_loop3A_123 : vector<16xi32>
      %parallel_loop3A_125 = tpu.bitcast %parallel_loop3A_124 : vector<16xi32> -> vector<16xf32>
      %parallel_loop3A_126 = arith.constant 1.41421354 : f32
      %parallel_loop3A_127 = vector.broadcast %parallel_loop3A_126 : f32 to vector<16xf32>
      %parallel_loop3A_128 = arith.cmpf ogt, %parallel_loop3A_125, %parallel_loop3A_127 : vector<16xf32>
      %parallel_loop3A_129 = arith.constant 5.000000e-01 : f32
      %parallel_loop3A_130 = vector.broadcast %parallel_loop3A_129 : f32 to vector<16xf32>
      %parallel_loop3A_131 = arith.mulf %parallel_loop3A_125, %parallel_loop3A_130 : vector<16xf32>
      %parallel_loop3A_132 = arith.select %parallel_loop3A_128, %parallel_loop3A_131, %parallel_loop3A_125 : vector<16xi1>, vector<16xf32>
      %parallel_loop3A_133 = arith.constant 1 : i32
      %parallel_loop3A_134 = arith.constant 0 : i32
      %parallel_loop3A_135 = vector.broadcast %parallel_loop3A_133 : i32 to vector<16xi32>
      %parallel_loop3A_136 = vector.broadcast %parallel_loop3A_134 : i32 to vector<16xi32>
      %parallel_loop3A_137 = arith.select %parallel_loop3A_128, %parallel_loop3A_135, %parallel_loop3A_136 : vector<16xi1>, vector<16xi32>
      %parallel_loop3A_138 = arith.addi %parallel_loop3A_118, %parallel_loop3A_137 : vector<16xi32>
      %parallel_loop3A_139 = arith.sitofp %parallel_loop3A_138 : vector<16xi32> to vector<16xf32>
      %parallel_loop3A_140 = arith.constant 1.000000e+00 : f32
      %parallel_loop3A_141 = vector.broadcast %parallel_loop3A_140 : f32 to vector<16xf32>
      %parallel_loop3A_142 = arith.subf %parallel_loop3A_132, %parallel_loop3A_141 : vector<16xf32>
      %parallel_loop3A_143 = arith.constant 1.000000e+00 : f32
      %parallel_loop3A_144 = vector.broadcast %parallel_loop3A_143 : f32 to vector<16xf32>
      %parallel_loop3A_145 = arith.addf %parallel_loop3A_132, %parallel_loop3A_144 : vector<16xf32>
      %parallel_loop3A_146 = arith.divf %parallel_loop3A_142, %parallel_loop3A_145 : vector<16xf32>
      %parallel_loop3A_147 = arith.mulf %parallel_loop3A_146, %parallel_loop3A_146 : vector<16xf32>
      %parallel_loop3A_148 = arith.constant 0.222222224 : f32
      %parallel_loop3A_149 = vector.broadcast %parallel_loop3A_148 : f32 to vector<16xf32>
      %parallel_loop3A_150 = arith.mulf %parallel_loop3A_147, %parallel_loop3A_149 : vector<16xf32>
      %parallel_loop3A_151 = arith.constant 0.285714298 : f32
      %parallel_loop3A_152 = vector.broadcast %parallel_loop3A_151 : f32 to vector<16xf32>
      %parallel_loop3A_153 = arith.addf %parallel_loop3A_152, %parallel_loop3A_150 : vector<16xf32>
      %parallel_loop3A_154 = arith.mulf %parallel_loop3A_147, %parallel_loop3A_153 : vector<16xf32>
      %parallel_loop3A_155 = arith.constant 4.000000e-01 : f32
      %parallel_loop3A_156 = vector.broadcast %parallel_loop3A_155 : f32 to vector<16xf32>
      %parallel_loop3A_157 = arith.addf %parallel_loop3A_156, %parallel_loop3A_154 : vector<16xf32>
      %parallel_loop3A_158 = arith.mulf %parallel_loop3A_147, %parallel_loop3A_157 : vector<16xf32>
      %parallel_loop3A_159 = arith.constant 0.666666686 : f32
      %parallel_loop3A_160 = vector.broadcast %parallel_loop3A_159 : f32 to vector<16xf32>
      %parallel_loop3A_161 = arith.addf %parallel_loop3A_160, %parallel_loop3A_158 : vector<16xf32>
      %parallel_loop3A_162 = arith.mulf %parallel_loop3A_147, %parallel_loop3A_161 : vector<16xf32>
      %parallel_loop3A_163 = arith.constant 2.000000e+00 : f32
      %parallel_loop3A_164 = vector.broadcast %parallel_loop3A_163 : f32 to vector<16xf32>
      %parallel_loop3A_165 = arith.addf %parallel_loop3A_164, %parallel_loop3A_162 : vector<16xf32>
      %parallel_loop3A_166 = arith.mulf %parallel_loop3A_146, %parallel_loop3A_165 : vector<16xf32>
      %parallel_loop3A_167 = arith.constant 0.693147182 : f32
      %parallel_loop3A_168 = vector.broadcast %parallel_loop3A_167 : f32 to vector<16xf32>
      %parallel_loop3A_169 = arith.mulf %parallel_loop3A_139, %parallel_loop3A_168 : vector<16xf32>
      %parallel_loop3A_170 = arith.addf %parallel_loop3A_169, %parallel_loop3A_166 : vector<16xf32>
      %parallel_loop3A_171 = arith.constant 4.000000e-01 : f32
      %parallel_loop3A_172 = vector.broadcast %parallel_loop3A_171 : f32 to vector<16xf32>
      %parallel_loop3A_173 = arith.mulf %parallel_loop3A_172, %parallel_loop3A_170 : vector<16xf32>
      %parallel_loop3A_174 = math.exp %parallel_loop3A_173 : vector<16xf32>
      %parallel_loop3A_175 = arith.mulf %parallel_loop3A_110, %parallel_loop3A_174 : vector<16xf32>
      %parallel_loop3A_176 = tpu.vector_load_idx %arg28[%parallel_loop3A_86] : memref<1340xf32, #tpu.memory_space<vmem>>[vector<16xi32>], vector<16xf32>,
      %parallel_loop3A_177 = tpu.vector_load_idx %arg29[%parallel_loop3A_86] : memref<1340xf32, #tpu.memory_space<vmem>>[vector<16xi32>], vector<16xf32>,
      %parallel_loop3A_178 = arith.mulf %parallel_loop3A_177, %parallel_loop3A_175 : vector<16xf32>
      %parallel_loop3A_179 = arith.addf %parallel_loop3A_176, %parallel_loop3A_178 : vector<16xf32>
      %parallel_loop3A_180 = tpu.vector_load_idx %arg37[%parallel_loop3A_94] : memref<4097xf32, #tpu.memory_space<vmem>>[vector<16xi32>], vector<16xf32>,
      %parallel_loop3A_181 = arith.addf %parallel_loop3A_179, %parallel_loop3A_180 : vector<16xf32>
      %parallel_loop3A_182 = tpu.vector_load_idx %arg31[%parallel_loop3A_86] : memref<1340xf32, #tpu.memory_space<vmem>>[vector<16xi32>], vector<16xf32>,
      %parallel_loop3A_183 = tpu.vector_load_idx %arg38[%parallel_loop3A_94] : memref<4097xf32, #tpu.memory_space<vmem>>[vector<16xi32>], vector<16xf32>,
      %parallel_loop3A_184 = arith.addf %parallel_loop3A_182, %parallel_loop3A_183 : vector<16xf32>
      %parallel_loop3A_185 = tpu.vector_load_idx %arg34[%parallel_loop3A_88] : memref<733xf32, #tpu.memory_space<vmem>>[vector<16xi32>], vector<16xf32>,
      %parallel_loop3A_186 = arith.constant 60 : i32
      %parallel_loop3A_187 = vector.broadcast %parallel_loop3A_186 : i32 to vector<16xi32>
      %parallel_loop3A_188 = arith.muli %parallel_loop3A_88, %parallel_loop3A_187 : vector<16xi32>
      %parallel_loop3A_189 = arith.addi %parallel_loop3A_188, %parallel_loop3A_90 : vector<16xi32>
      %parallel_loop3A_190 = tpu.vector_load_idx %arg36[%parallel_loop3A_189] : memref<43980xf32, #tpu.memory_space<vmem>>[vector<16xi32>], vector<16xf32>,
      %parallel_loop3A_191 = arith.addf %parallel_loop3A_185, %parallel_loop3A_190 : vector<16xf32>
      %parallel_loop3A_192 = arith.mulf %parallel_loop3A_191, %parallel_loop3A_184 : vector<16xf32>
      %parallel_loop3A_193 = arith.constant 5 : i32
      %parallel_loop3A_194 = vector.broadcast %parallel_loop3A_193 : i32 to vector<16xi32>
      %parallel_loop3A_195 = arith.muli %parallel_loop3A_86, %parallel_loop3A_194 : vector<16xi32>
      %parallel_loop3A_196 = arith.constant 1248 : i32
      %parallel_loop3A_197 = vector.broadcast %parallel_loop3A_196 : i32 to vector<16xi32>
      %parallel_loop3A_198 = arith.cmpi sge, %parallel_loop3A_86, %parallel_loop3A_197 : vector<16xi32>
      %parallel_loop3A_199 = arith.constant 4 : i32
      %parallel_loop3A_200 = arith.constant 0 : i32
      %parallel_loop3A_201 = vector.broadcast %parallel_loop3A_199 : i32 to vector<16xi32>
      %parallel_loop3A_202 = vector.broadcast %parallel_loop3A_200 : i32 to vector<16xi32>
      %parallel_loop3A_203 = arith.select %parallel_loop3A_198, %parallel_loop3A_201, %parallel_loop3A_202 : vector<16xi1>, vector<16xi32>
      %parallel_loop3A_204 = arith.addi %parallel_loop3A_86, %parallel_loop3A_203 : vector<16xi32>
      %parallel_loop3A_205 = arith.constant 5 : i32
      %parallel_loop3A_206 = vector.broadcast %parallel_loop3A_205 : i32 to vector<16xi32>
      %parallel_loop3A_207 = arith.muli %parallel_loop3A_204, %parallel_loop3A_206 : vector<16xi32>
      %parallel_loop3A_208 = arith.constant 5 : i32
      %parallel_loop3A_209 = vector.broadcast %parallel_loop3A_208 : i32 to vector<16xi32>
      %parallel_loop3A_210 = arith.muli %parallel_loop3A_88, %parallel_loop3A_209 : vector<16xi32>
      %parallel_loop3A_211 = arith.constant 5 : i32
      %parallel_loop3A_212 = vector.broadcast %parallel_loop3A_211 : i32 to vector<16xi32>
      %parallel_loop3A_213 = arith.muli %parallel_loop3A_94, %parallel_loop3A_212 : vector<16xi32>
      %parallel_loop3A_214 = arith.constant 0.000000e+00 : f32
      %parallel_loop3A_215 = vector.broadcast %parallel_loop3A_214 : f32 to vector<16xf32>
      %parallel_loop3A_216 = arith.constant 0 : i32
      %parallel_loop3A_217 = vector.broadcast %parallel_loop3A_216 : i32 to vector<16xi32>
      %parallel_loop3A_218 = arith.addi %parallel_loop3A_195, %parallel_loop3A_217 : vector<16xi32>
      %parallel_loop3A_219 = tpu.vector_load_idx %arg32[%parallel_loop3A_218] : memref<6700xf32, #tpu.memory_space<vmem>>[vector<16xi32>], vector<16xf32>,
      %parallel_loop3A_220 = arith.constant 0 : i32
      %parallel_loop3A_221 = vector.broadcast %parallel_loop3A_220 : i32 to vector<16xi32>
      %parallel_loop3A_222 = arith.addi %parallel_loop3A_207, %parallel_loop3A_221 : vector<16xi32>
      %parallel_loop3A_223 = tpu.vector_load_idx %arg47[%parallel_loop3A_222] : memref<6720xf32, #tpu.memory_space<vmem>>[vector<16xi32>], vector<16xf32>,
      %parallel_loop3A_224 = arith.addf %parallel_loop3A_219, %parallel_loop3A_223 : vector<16xf32>
      %parallel_loop3A_225 = arith.constant 0 : i32
      %parallel_loop3A_226 = vector.broadcast %parallel_loop3A_225 : i32 to vector<16xi32>
      %parallel_loop3A_227 = arith.addi %parallel_loop3A_195, %parallel_loop3A_226 : vector<16xi32>
      %parallel_loop3A_228 = tpu.vector_load_idx %arg33[%parallel_loop3A_227] : memref<6700xf32, #tpu.memory_space<vmem>>[vector<16xi32>], vector<16xf32>,
      %parallel_loop3A_229 = arith.mulf %parallel_loop3A_228, %parallel_loop3A_175 : vector<16xf32>
      %parallel_loop3A_230 = arith.addf %parallel_loop3A_224, %parallel_loop3A_229 : vector<16xf32>
      %parallel_loop3A_231 = arith.constant 0 : i32
      %parallel_loop3A_232 = vector.broadcast %parallel_loop3A_231 : i32 to vector<16xi32>
      %parallel_loop3A_233 = arith.addi %parallel_loop3A_213, %parallel_loop3A_232 : vector<16xi32>
      %parallel_loop3A_234 = tpu.vector_load_idx %arg39[%parallel_loop3A_233] : memref<20485xf32, #tpu.memory_space<vmem>>[vector<16xi32>], vector<16xf32>,
      %parallel_loop3A_235 = arith.addf %parallel_loop3A_230, %parallel_loop3A_234 : vector<16xf32>
      %parallel_loop3A_236 = arith.constant 0 : i32
      %parallel_loop3A_237 = vector.broadcast %parallel_loop3A_236 : i32 to vector<16xi32>
      %parallel_loop3A_238 = arith.addi %parallel_loop3A_210, %parallel_loop3A_237 : vector<16xi32>
      %parallel_loop3A_239 = tpu.vector_load_idx %arg35[%parallel_loop3A_238] : memref<3665xf32, #tpu.memory_space<vmem>>[vector<16xi32>], vector<16xf32>,
      %parallel_loop3A_240 = arith.mulf %parallel_loop3A_235, %parallel_loop3A_239 : vector<16xf32>
      %parallel_loop3A_241 = arith.addf %parallel_loop3A_215, %parallel_loop3A_240 : vector<16xf32>
      %parallel_loop3A_242 = arith.constant 1 : i32
      %parallel_loop3A_243 = vector.broadcast %parallel_loop3A_242 : i32 to vector<16xi32>
      %parallel_loop3A_244 = arith.addi %parallel_loop3A_195, %parallel_loop3A_243 : vector<16xi32>
      %parallel_loop3A_245 = tpu.vector_load_idx %arg32[%parallel_loop3A_244] : memref<6700xf32, #tpu.memory_space<vmem>>[vector<16xi32>], vector<16xf32>,
      %parallel_loop3A_246 = arith.constant 1 : i32
      %parallel_loop3A_247 = vector.broadcast %parallel_loop3A_246 : i32 to vector<16xi32>
      %parallel_loop3A_248 = arith.addi %parallel_loop3A_207, %parallel_loop3A_247 : vector<16xi32>
      %parallel_loop3A_249 = tpu.vector_load_idx %arg47[%parallel_loop3A_248] : memref<6720xf32, #tpu.memory_space<vmem>>[vector<16xi32>], vector<16xf32>,
      %parallel_loop3A_250 = arith.addf %parallel_loop3A_245, %parallel_loop3A_249 : vector<16xf32>
      %parallel_loop3A_251 = arith.constant 1 : i32
      %parallel_loop3A_252 = vector.broadcast %parallel_loop3A_251 : i32 to vector<16xi32>
      %parallel_loop3A_253 = arith.addi %parallel_loop3A_195, %parallel_loop3A_252 : vector<16xi32>
      %parallel_loop3A_254 = tpu.vector_load_idx %arg33[%parallel_loop3A_253] : memref<6700xf32, #tpu.memory_space<vmem>>[vector<16xi32>], vector<16xf32>,
      %parallel_loop3A_255 = arith.mulf %parallel_loop3A_254, %parallel_loop3A_175 : vector<16xf32>
      %parallel_loop3A_256 = arith.addf %parallel_loop3A_250, %parallel_loop3A_255 : vector<16xf32>
      %parallel_loop3A_257 = arith.constant 1 : i32
      %parallel_loop3A_258 = vector.broadcast %parallel_loop3A_257 : i32 to vector<16xi32>
      %parallel_loop3A_259 = arith.addi %parallel_loop3A_213, %parallel_loop3A_258 : vector<16xi32>
      %parallel_loop3A_260 = tpu.vector_load_idx %arg39[%parallel_loop3A_259] : memref<20485xf32, #tpu.memory_space<vmem>>[vector<16xi32>], vector<16xf32>,
      %parallel_loop3A_261 = arith.addf %parallel_loop3A_256, %parallel_loop3A_260 : vector<16xf32>
      %parallel_loop3A_262 = arith.constant 1 : i32
      %parallel_loop3A_263 = vector.broadcast %parallel_loop3A_262 : i32 to vector<16xi32>
      %parallel_loop3A_264 = arith.addi %parallel_loop3A_210, %parallel_loop3A_263 : vector<16xi32>
      %parallel_loop3A_265 = tpu.vector_load_idx %arg35[%parallel_loop3A_264] : memref<3665xf32, #tpu.memory_space<vmem>>[vector<16xi32>], vector<16xf32>,
      %parallel_loop3A_266 = arith.mulf %parallel_loop3A_261, %parallel_loop3A_265 : vector<16xf32>
      %parallel_loop3A_267 = arith.addf %parallel_loop3A_241, %parallel_loop3A_266 : vector<16xf32>
      %parallel_loop3A_268 = arith.constant 2 : i32
      %parallel_loop3A_269 = vector.broadcast %parallel_loop3A_268 : i32 to vector<16xi32>
      %parallel_loop3A_270 = arith.addi %parallel_loop3A_195, %parallel_loop3A_269 : vector<16xi32>
      %parallel_loop3A_271 = tpu.vector_load_idx %arg32[%parallel_loop3A_270] : memref<6700xf32, #tpu.memory_space<vmem>>[vector<16xi32>], vector<16xf32>,
      %parallel_loop3A_272 = arith.constant 2 : i32
      %parallel_loop3A_273 = vector.broadcast %parallel_loop3A_272 : i32 to vector<16xi32>
      %parallel_loop3A_274 = arith.addi %parallel_loop3A_207, %parallel_loop3A_273 : vector<16xi32>
      %parallel_loop3A_275 = tpu.vector_load_idx %arg47[%parallel_loop3A_274] : memref<6720xf32, #tpu.memory_space<vmem>>[vector<16xi32>], vector<16xf32>,
      %parallel_loop3A_276 = arith.addf %parallel_loop3A_271, %parallel_loop3A_275 : vector<16xf32>
      %parallel_loop3A_277 = arith.constant 2 : i32
      %parallel_loop3A_278 = vector.broadcast %parallel_loop3A_277 : i32 to vector<16xi32>
      %parallel_loop3A_279 = arith.addi %parallel_loop3A_195, %parallel_loop3A_278 : vector<16xi32>
      %parallel_loop3A_280 = tpu.vector_load_idx %arg33[%parallel_loop3A_279] : memref<6700xf32, #tpu.memory_space<vmem>>[vector<16xi32>], vector<16xf32>,
      %parallel_loop3A_281 = arith.mulf %parallel_loop3A_280, %parallel_loop3A_175 : vector<16xf32>
      %parallel_loop3A_282 = arith.addf %parallel_loop3A_276, %parallel_loop3A_281 : vector<16xf32>
      %parallel_loop3A_283 = arith.constant 2 : i32
      %parallel_loop3A_284 = vector.broadcast %parallel_loop3A_283 : i32 to vector<16xi32>
      %parallel_loop3A_285 = arith.addi %parallel_loop3A_213, %parallel_loop3A_284 : vector<16xi32>
      %parallel_loop3A_286 = tpu.vector_load_idx %arg39[%parallel_loop3A_285] : memref<20485xf32, #tpu.memory_space<vmem>>[vector<16xi32>], vector<16xf32>,
      %parallel_loop3A_287 = arith.addf %parallel_loop3A_282, %parallel_loop3A_286 : vector<16xf32>
      %parallel_loop3A_288 = arith.constant 2 : i32
      %parallel_loop3A_289 = vector.broadcast %parallel_loop3A_288 : i32 to vector<16xi32>
      %parallel_loop3A_290 = arith.addi %parallel_loop3A_210, %parallel_loop3A_289 : vector<16xi32>
      %parallel_loop3A_291 = tpu.vector_load_idx %arg35[%parallel_loop3A_290] : memref<3665xf32, #tpu.memory_space<vmem>>[vector<16xi32>], vector<16xf32>,
      %parallel_loop3A_292 = arith.mulf %parallel_loop3A_287, %parallel_loop3A_291 : vector<16xf32>
      %parallel_loop3A_293 = arith.addf %parallel_loop3A_267, %parallel_loop3A_292 : vector<16xf32>
      %parallel_loop3A_294 = arith.constant 3 : i32
      %parallel_loop3A_295 = vector.broadcast %parallel_loop3A_294 : i32 to vector<16xi32>
      %parallel_loop3A_296 = arith.addi %parallel_loop3A_195, %parallel_loop3A_295 : vector<16xi32>
      %parallel_loop3A_297 = tpu.vector_load_idx %arg32[%parallel_loop3A_296] : memref<6700xf32, #tpu.memory_space<vmem>>[vector<16xi32>], vector<16xf32>,
      %parallel_loop3A_298 = arith.constant 3 : i32
      %parallel_loop3A_299 = vector.broadcast %parallel_loop3A_298 : i32 to vector<16xi32>
      %parallel_loop3A_300 = arith.addi %parallel_loop3A_207, %parallel_loop3A_299 : vector<16xi32>
      %parallel_loop3A_301 = tpu.vector_load_idx %arg47[%parallel_loop3A_300] : memref<6720xf32, #tpu.memory_space<vmem>>[vector<16xi32>], vector<16xf32>,
      %parallel_loop3A_302 = arith.addf %parallel_loop3A_297, %parallel_loop3A_301 : vector<16xf32>
      %parallel_loop3A_303 = arith.constant 3 : i32
      %parallel_loop3A_304 = vector.broadcast %parallel_loop3A_303 : i32 to vector<16xi32>
      %parallel_loop3A_305 = arith.addi %parallel_loop3A_195, %parallel_loop3A_304 : vector<16xi32>
      %parallel_loop3A_306 = tpu.vector_load_idx %arg33[%parallel_loop3A_305] : memref<6700xf32, #tpu.memory_space<vmem>>[vector<16xi32>], vector<16xf32>,
      %parallel_loop3A_307 = arith.mulf %parallel_loop3A_306, %parallel_loop3A_175 : vector<16xf32>
      %parallel_loop3A_308 = arith.addf %parallel_loop3A_302, %parallel_loop3A_307 : vector<16xf32>
      %parallel_loop3A_309 = arith.constant 3 : i32
      %parallel_loop3A_310 = vector.broadcast %parallel_loop3A_309 : i32 to vector<16xi32>
      %parallel_loop3A_311 = arith.addi %parallel_loop3A_213, %parallel_loop3A_310 : vector<16xi32>
      %parallel_loop3A_312 = tpu.vector_load_idx %arg39[%parallel_loop3A_311] : memref<20485xf32, #tpu.memory_space<vmem>>[vector<16xi32>], vector<16xf32>,
      %parallel_loop3A_313 = arith.addf %parallel_loop3A_308, %parallel_loop3A_312 : vector<16xf32>
      %parallel_loop3A_314 = arith.constant 3 : i32
      %parallel_loop3A_315 = vector.broadcast %parallel_loop3A_314 : i32 to vector<16xi32>
      %parallel_loop3A_316 = arith.addi %parallel_loop3A_210, %parallel_loop3A_315 : vector<16xi32>
      %parallel_loop3A_317 = tpu.vector_load_idx %arg35[%parallel_loop3A_316] : memref<3665xf32, #tpu.memory_space<vmem>>[vector<16xi32>], vector<16xf32>,
      %parallel_loop3A_318 = arith.mulf %parallel_loop3A_313, %parallel_loop3A_317 : vector<16xf32>
      %parallel_loop3A_319 = arith.addf %parallel_loop3A_293, %parallel_loop3A_318 : vector<16xf32>
      %parallel_loop3A_320 = arith.constant 4 : i32
      %parallel_loop3A_321 = vector.broadcast %parallel_loop3A_320 : i32 to vector<16xi32>
      %parallel_loop3A_322 = arith.addi %parallel_loop3A_195, %parallel_loop3A_321 : vector<16xi32>
      %parallel_loop3A_323 = tpu.vector_load_idx %arg32[%parallel_loop3A_322] : memref<6700xf32, #tpu.memory_space<vmem>>[vector<16xi32>], vector<16xf32>,
      %parallel_loop3A_324 = arith.constant 4 : i32
      %parallel_loop3A_325 = vector.broadcast %parallel_loop3A_324 : i32 to vector<16xi32>
      %parallel_loop3A_326 = arith.addi %parallel_loop3A_207, %parallel_loop3A_325 : vector<16xi32>
      %parallel_loop3A_327 = tpu.vector_load_idx %arg47[%parallel_loop3A_326] : memref<6720xf32, #tpu.memory_space<vmem>>[vector<16xi32>], vector<16xf32>,
      %parallel_loop3A_328 = arith.addf %parallel_loop3A_323, %parallel_loop3A_327 : vector<16xf32>
      %parallel_loop3A_329 = arith.constant 4 : i32
      %parallel_loop3A_330 = vector.broadcast %parallel_loop3A_329 : i32 to vector<16xi32>
      %parallel_loop3A_331 = arith.addi %parallel_loop3A_195, %parallel_loop3A_330 : vector<16xi32>
      %parallel_loop3A_332 = tpu.vector_load_idx %arg33[%parallel_loop3A_331] : memref<6700xf32, #tpu.memory_space<vmem>>[vector<16xi32>], vector<16xf32>,
      %parallel_loop3A_333 = arith.mulf %parallel_loop3A_332, %parallel_loop3A_175 : vector<16xf32>
      %parallel_loop3A_334 = arith.addf %parallel_loop3A_328, %parallel_loop3A_333 : vector<16xf32>
      %parallel_loop3A_335 = arith.constant 4 : i32
      %parallel_loop3A_336 = vector.broadcast %parallel_loop3A_335 : i32 to vector<16xi32>
      %parallel_loop3A_337 = arith.addi %parallel_loop3A_213, %parallel_loop3A_336 : vector<16xi32>
      %parallel_loop3A_338 = tpu.vector_load_idx %arg39[%parallel_loop3A_337] : memref<20485xf32, #tpu.memory_space<vmem>>[vector<16xi32>], vector<16xf32>,
      %parallel_loop3A_339 = arith.addf %parallel_loop3A_334, %parallel_loop3A_338 : vector<16xf32>
      %parallel_loop3A_340 = arith.constant 4 : i32
      %parallel_loop3A_341 = vector.broadcast %parallel_loop3A_340 : i32 to vector<16xi32>
      %parallel_loop3A_342 = arith.addi %parallel_loop3A_210, %parallel_loop3A_341 : vector<16xi32>
      %parallel_loop3A_343 = tpu.vector_load_idx %arg35[%parallel_loop3A_342] : memref<3665xf32, #tpu.memory_space<vmem>>[vector<16xi32>], vector<16xf32>,
      %parallel_loop3A_344 = arith.mulf %parallel_loop3A_339, %parallel_loop3A_343 : vector<16xf32>
      %parallel_loop3A_345 = arith.addf %parallel_loop3A_319, %parallel_loop3A_344 : vector<16xf32>
      %parallel_loop3A_346 = arith.constant 4.000000e+00 : f32
      %parallel_loop3A_347 = vector.broadcast %parallel_loop3A_346 : f32 to vector<16xf32>
      %parallel_loop3A_348 = arith.addf %parallel_loop3A_347, %parallel_loop3A_181 : vector<16xf32>
      %parallel_loop3A_349 = arith.addf %parallel_loop3A_348, %parallel_loop3A_192 : vector<16xf32>
      %parallel_loop3A_350 = arith.addf %parallel_loop3A_349, %parallel_loop3A_345 : vector<16xf32>
      %parallel_loop3A_351 = arith.constant 5 : i32
      %parallel_loop3A_352 = vector.broadcast %parallel_loop3A_351 : i32 to vector<16xi32>
      %parallel_loop3A_353 = arith.muli %parallel_loop3A_84, %parallel_loop3A_352 : vector<16xi32>
      %parallel_loop3A_354 = arith.constant 0 : i32
      %parallel_loop3A_355 = vector.broadcast %parallel_loop3A_354 : i32 to vector<16xi32>
      %parallel_loop3A_356 = arith.addi %parallel_loop3A_353, %parallel_loop3A_355 : vector<16xi32>
      %parallel_loop3A_357 = arith.mulf %parallel_loop3A_350, %gather3A : vector<16xf32>
      %parallel_loop3A_358 = arith.addf %parallel_loop3A_357, %gather3A_63 : vector<16xf32>
      tpu.vector_store_idx %arg49[%parallel_loop3A_356], %parallel_loop3A_358 : memref<5120xf32, #tpu.memory_space<vmem>>[vector<16xi32>], vector<16xf32>,
      %parallel_loop3A_359 = arith.constant 1 : i32
      %parallel_loop3A_360 = vector.broadcast %parallel_loop3A_359 : i32 to vector<16xi32>
      %parallel_loop3A_361 = arith.addi %parallel_loop3A_353, %parallel_loop3A_360 : vector<16xi32>
      %parallel_loop3A_362 = arith.mulf %parallel_loop3A_350, %gather3A_51 : vector<16xf32>
      %parallel_loop3A_363 = arith.addf %parallel_loop3A_362, %gather3A_66 : vector<16xf32>
      tpu.vector_store_idx %arg49[%parallel_loop3A_361], %parallel_loop3A_363 : memref<5120xf32, #tpu.memory_space<vmem>>[vector<16xi32>], vector<16xf32>,
      %parallel_loop3A_364 = arith.constant 2 : i32
      %parallel_loop3A_365 = vector.broadcast %parallel_loop3A_364 : i32 to vector<16xi32>
      %parallel_loop3A_366 = arith.addi %parallel_loop3A_353, %parallel_loop3A_365 : vector<16xi32>
      %parallel_loop3A_367 = arith.mulf %parallel_loop3A_350, %gather3A_54 : vector<16xf32>
      %parallel_loop3A_368 = arith.addf %parallel_loop3A_367, %gather3A_69 : vector<16xf32>
      tpu.vector_store_idx %arg49[%parallel_loop3A_366], %parallel_loop3A_368 : memref<5120xf32, #tpu.memory_space<vmem>>[vector<16xi32>], vector<16xf32>,
      %parallel_loop3A_369 = arith.constant 3 : i32
      %parallel_loop3A_370 = vector.broadcast %parallel_loop3A_369 : i32 to vector<16xi32>
      %parallel_loop3A_371 = arith.addi %parallel_loop3A_353, %parallel_loop3A_370 : vector<16xi32>
      %parallel_loop3A_372 = arith.mulf %parallel_loop3A_350, %gather3A_57 : vector<16xf32>
      %parallel_loop3A_373 = arith.addf %parallel_loop3A_372, %gather3A_72 : vector<16xf32>
      tpu.vector_store_idx %arg49[%parallel_loop3A_371], %parallel_loop3A_373 : memref<5120xf32, #tpu.memory_space<vmem>>[vector<16xi32>], vector<16xf32>,
      %parallel_loop3A_374 = arith.constant 4 : i32
      %parallel_loop3A_375 = vector.broadcast %parallel_loop3A_374 : i32 to vector<16xi32>
      %parallel_loop3A_376 = arith.addi %parallel_loop3A_353, %parallel_loop3A_375 : vector<16xi32>
      %parallel_loop3A_377 = arith.mulf %parallel_loop3A_350, %gather3A_60 : vector<16xf32>
      %parallel_loop3A_378 = arith.addf %parallel_loop3A_377, %gather3A_75 : vector<16xf32>
      tpu.vector_store_idx %arg49[%parallel_loop3A_376], %parallel_loop3A_378 : memref<5120xf32, #tpu.memory_space<vmem>>[vector<16xi32>], vector<16xf32>,
    } {sc.loop_unroll_factor = 2 : i64, sc.parallel_access}
    %mul3A_78 = arith.constant 5 : i32
    %mul3A_79 = arith.muli %mul3A_2, %mul3A_78 : i32
    "tpu.region"() ({
      %run_scoped3A = tpu.sem_alloc : memref<!tpu.dma_semaphore, #tpu.memory_space<semaphore_mem>>
      %dma_start3A_80 = tpu.memref_slice %arg24[%mul3A_79] : memref<81920xf32, #tpu.memory_space<hbm>> -> memref<5120xf32, #tpu.memory_space<hbm>>
      %dma_start3A_81 = tpu.memref_slice %arg24[%mul3A_79] : memref<81920xf32, #tpu.memory_space<hbm>> -> memref<5120xf32, #tpu.memory_space<hbm>>
      tpu.enqueue_dma source(%arg49 : memref<5120xf32, #tpu.memory_space<vmem>>) target(%dma_start3A_81 : memref<5120xf32, #tpu.memory_space<hbm>>) target_semaphore(%run_scoped3A : memref<!tpu.dma_semaphore, #tpu.memory_space<semaphore_mem>>)
      %dma_wait3A_82 = tpu.memref_slice %arg24[%mul3A_79] : memref<81920xf32, #tpu.memory_space<hbm>> -> memref<5120xf32, #tpu.memory_space<hbm>>
      %dma_wait3A_83 = tpu.memref_slice %arg24[%mul3A_79] : memref<81920xf32, #tpu.memory_space<hbm>> -> memref<5120xf32, #tpu.memory_space<hbm>>
      tpu.wait_dma2 semaphore(%run_scoped3A : memref<!tpu.dma_semaphore, #tpu.memory_space<semaphore_mem>>) src(%arg49 : memref<5120xf32, #tpu.memory_space<vmem>>) dst(%dma_wait3A_83 : memref<5120xf32, #tpu.memory_space<hbm>>)
      tpu.yield
    }) : () -> ()
    return
  }
}

</mosaic_0001>

<sc_bundles>
// kernel: rec_implicit_sc.3.cloned.1.call-start
scs
__scs_entry_jumppad:
0x0: {  	(pc) =	sbr.rel $0x88, $3  }
0x1: {  	(tag) =	ssettag $0x0;
	lr =	simm.s32 $0x1  }
0x2: {  	[smem:$0x3F8B] =	sst lr;
	_ =	strace $0xD0000000  }
0x3: {  	_ = 	snop  }
0x4: {  	_ = 	snop  }
0x5: {  	_ = 	snop  }
0x6: {  	_ = 	snop  }
0x7: {  	_ = 	snop  }
__scs_overlays_trampoline_lowered:
0x8: {  	[smem:$0x3F9A] =	sst s0  }
0x9: {  	[smem:$0x3F9B] =	sst s1  }
0xa: {  	[smem:$0x3F9C] =	sst s2  }
0xb: {  	[smem:$0x3F9D] =	sst s3  }
0xc: {  	[smem:$0x3F9E] =	sst s4  }
0xd: {  	[smem:$0x3F9F] =	sst s5  }
0xe: {  	[smem:$0x3FA0] =	sst s6  }
0xf: {  	[smem:$0x3FA1] =	sst s7  }
0x10: {  	[smem:$0x3FA2] =	sst s8  }
0x11: {  	[smem:$0x3FA3] =	sst s9;
	s0 =	simm.s32 @!p0 $0x0  }
0x12: {  	s1 =	sld [smem:$0x3F89];
	s0 =	simm.s32 @p0 $0x1  }
0x13: {  	[smem:$0x3FA4] =	sst s0;
	s0 =	simm.s32 @!p1 $0x0  }
0x14: {  	s2 =	sld [smem:$0x3F88];
	s0 =	simm.s32 @p1 $0x1  }
0x15: {  	[smem:$0x3FA5] =	sst s0;
	s0 =	simm.s32 @!p2 $0x0  }
0x16: {  	s3 =	sld [smem:$0x3FDB];
	s0 =	simm.s32 @p2 $0x1  }
0x17: {  	s4 =	simm.s32 $0x1BF5;
	[smem:$0x3FA7] =	sst s0  }
0x18: {  	s0 =	sld [smem:$0x3F8A];
	_ =	swait.ge [sflag:s4], $0x0  }
0x19: {  	s7 =	sld [smem:$0x3F8B]  }
0x1a: {  	s8 =	sadd.s32 $0xFFFFE003, lr  }
0x1b: {  	s9 =	sadd.s32 $0xFFFFFEF7, lr;
	s5 =	simm.s32 $0xFFFFFFFF;
	p2 =	slt.u32 s8, $0xFFFFF086  }
0x1c: {  	p1 =	slt.u32 s9, $0xF7A;
	s5 =	simm.s32 @!p2 $0x0  }
0x1d: {  	s5 =	simm.s32 @p1 $0x1;
	p0 =	seq.s32 s7, s2  }
0x1e: {  	s7 =	smul.u32 @!p0 $0xF7A, s2;
	p2 =	seq.s32 @!p0 s5, $0x0  }
0x1f: {  	s9 =	smul.u32 $0xF7A, s1;
	s8 =	simm.s32 @!p0 $0x1BF5;
	p2 =	por !p2, p0  }
0x20: {  	[sflag:s8] =	ssyncset.s32 @!p0 $0xFFFFF086;
	s6 =	sadd.s32 @!p0 s3, s7;
	s7 =	simm.s32 @!p0 $0x108  }
0x21: {  	s3 =	sadd.s32 s3, s9;
	s6 =	sadd.s32 @!p0 $0x88, s6;
	s7 =	simm.s32 @p2 $0x1082  }
0x22: {  	[simem:s7], [sflag:s8] =	dma.local @!p0 [hbm:s6], $0xF7A  }
0x23: {  	s9 =	sor.u32 $0xD0000000, s2;
	s6 =	simm.s32 $0x108;
	_ =	swait.ge @!p0 [sflag:s8], $0x0  }
0x24: {  	s3 =	sadd.s32 $0x88, s3;
	s6 =	simm.s32 @!p1 $0x1082;
	[sflag:s4] =	ssyncset.s32 $0xFFFFF086  }
0x25: {  	[simem:s6], [sflag:s4] =	dma.local [hbm:s3], $0xF7A  }
0x26: {  	[smem:$0x3F8B] =	sst s1;
	(tag) =	ssettag s2;
	_ =	strace s9  }
0x27: {  	s1 =	sld [smem:$0x3F9B]  }
0x28: {  	s2 =	sld [smem:$0x3F9C]  }
0x29: {  	s4 =	sld [smem:$0x3F9E]  }
0x2a: {  	p0 =	seq.s32 s5, $0x0;
	s5 =	sld [smem:$0x3F9F]  }
0x2b: {  	s6 =	sld [smem:$0x3FA0]  }
0x2c: {  	s7 =	sld [smem:$0x3FA1]  }
0x2d: {  	s3 =	simm.s32 $0x108;
	s8 =	sld [smem:$0x3FA2]  }
0x2e: {  	s3 =	simm.s32 @!p0 $0x1082;
	s9 =	sld [smem:$0x3FA3]  }
0x2f: {  	lr =	sadd.s32 s0, s3;
	s0 =	sld [smem:$0x3F9A]  }
0x30: {  	s3 =	sld [smem:$0x3F9D]  }
0x31: {  	[smem:$0x3FA6] =	sst s10  }
0x32: {  	s10 =	sld [smem:$0x3FA4];
	_ =	sdelay $0x3  }
0x33: {  	p0 =	seq.s32 s10, $0x1;
	s10 =	sld [smem:$0x3FA6];
	_ =	sdelay $0x3  }
0x34: {  	[smem:$0x3FA6] =	sst s10  }
0x35: {  	s10 =	sld [smem:$0x3FA5];
	_ =	sdelay $0x3  }
0x36: {  	p1 =	seq.s32 s10, $0x1;
	s10 =	sld [smem:$0x3FA6];
	_ =	sdelay $0x3  }
0x37: {  	[smem:$0x3FA6] =	sst s10  }
0x38: {  	s10 =	sld [smem:$0x3FA7]  }
0x39: {  	_ = 	snop;
	(pc) =	sbr.ind lr, $3  }
0x3a: {  	_ = 	snop  }
0x3b: {  	_ = 	snop  }
0x3c: {  	p2 =	seq.s32 s10, $0x1;
	s10 =	sld [smem:$0x3FA6]  }
0x3d: {  	_ =	shalt  }
0x3e: {  	_ =	shalt  }
0x3f: {  	_ =	shalt  }
0x40: {  	_ =	shalt  }
0x41: {  	_ =	shalt  }
0x42: {  	_ =	shalt  }
0x43: {  	_ =	shalt  }
0x44: {  	_ =	shalt  }
0x45: {  	_ =	shalt  }
0x46: {  	_ =	shalt  }
0x47: {  	_ =	shalt  }
0x48: {  	_ =	shalt  }
0x49: {  	_ =	shalt  }
0x4a: {  	_ =	shalt  }
0x4b: {  	_ =	shalt  }
0x4c: {  	_ =	shalt  }
0x4d: {  	_ =	shalt  }
0x4e: {  	_ =	shalt  }
0x4f: {  	_ =	shalt  }
0x50: {  	_ =	shalt  }
0x51: {  	_ =	shalt  }
0x52: {  	_ =	shalt  }
0x53: {  	_ =	shalt  }
0x54: {  	_ =	shalt  }
0x55: {  	_ =	shalt  }
0x56: {  	_ =	shalt  }
0x57: {  	_ =	shalt  }
0x58: {  	_ =	shalt  }
0x59: {  	_ =	shalt  }
0x5a: {  	_ =	shalt  }
0x5b: {  	_ =	shalt  }
0x5c: {  	_ =	shalt  }
0x5d: {  	_ =	shalt  }
0x5e: {  	_ =	shalt  }
0x5f: {  	_ =	shalt  }
0x60: {  	_ =	shalt  }
0x61: {  	_ =	shalt  }
0x62: {  	_ =	shalt  }
0x63: {  	_ =	shalt  }
0x64: {  	_ =	shalt  }
0x65: {  	_ =	shalt  }
0x66: {  	_ =	shalt  }
0x67: {  	_ =	shalt  }
0x68: {  	_ =	shalt  }
0x69: {  	_ =	shalt  }
0x6a: {  	_ =	shalt  }
0x6b: {  	_ =	shalt  }
0x6c: {  	_ =	shalt  }
0x6d: {  	_ =	shalt  }
0x6e: {  	_ =	shalt  }
0x6f: {  	_ =	shalt  }
0x70: {  	_ =	shalt  }
0x71: {  	_ =	shalt  }
0x72: {  	_ =	shalt  }
0x73: {  	_ =	shalt  }
0x74: {  	_ =	shalt  }
0x75: {  	_ =	shalt  }
0x76: {  	_ =	shalt  }
0x77: {  	_ =	shalt  }
0x78: {  	_ =	shalt  }
0x79: {  	_ =	shalt  }
0x7a: {  	_ =	shalt  }
0x7b: {  	_ =	shalt  }
0x7c: {  	_ =	shalt  }
0x7d: {  	_ =	shalt  }
0x7e: {  	_ =	shalt  }
0x7f: {  	_ =	shalt  }
0x80: {  	_ =	shalt  }
0x81: {  	_ =	shalt  }
0x82: {  	_ =	shalt  }
0x83: {  	_ =	shalt  }
0x84: {  	_ =	shalt  }
0x85: {  	_ =	shalt  }
0x86: {  	_ =	shalt  }
0x87: {  	_ =	shalt  }
.Lfunc_end0:
.L_simem_size_0:
called_computation_lowered:
.L_overlay_start_0:
0x88: {  	s0 =	sld [smem:$0x3FD9]  }
0x89: {  	s1 =	sld [smem:$0x3FFE];
	_ =	sdelay $0x3  }
0x8a: {  	s0 =	sadd.s32 s1, s0  }
0x8b: {  	[smem:$0x3FB2] =	sst s0  }
0x8c: {  	_ = 	snop  }
0x8d: {  	s16 =	sld [smem:$0x3FC9]  }
0x8e: {  	s2 =	sld [smem:$0x3FC8]  }
0x8f: {  	s3 =	sld [smem:$0x3FC7]  }
0x90: {  	s4 =	sld [smem:$0x3FC6]  }
0x91: {  	s5 =	sld [smem:$0x3FC5]  }
0x92: {  	s6 =	sld [smem:$0x3FC3]  }
0x93: {  	s7 =	sld [smem:$0x3FB9]  }
0x94: {  	s8 =	sld [smem:$0x3FB8]  }
0x95: {  	s9 =	sld [smem:$0x3FB5]  }
0x96: {  	s10 =	sld [smem:$0x3FB4]  }
0x97: {  	s11 =	sld [smem:$0x3FD0];
	(tm) =	ssettm $0x1  }
0x98: {  	s17 =	sld [smem:$0x3FFB];
	_ =	sdelay $0x3  }
0x99: {  	_ =	strace s17  }
0x9a: {  	s0 =	sld [smem:$0x3FFC];
	_ =	sdelay $0x3  }
0x9b: {  	_ =	strace s0  }
0x9c: {  	s0 =	sld [smem:$0x3FFD];
	_ =	sdelay $0x3  }
0x9d: {  	_ =	strace s0  }
0x9e: {  	_ =	strace $0x8FFFFFFF  }
0x9f: {  	s18 =	sld [smem:$0x3FDB];
	_ =	sdelay $0x1  }
0xa0: {  	s12 =	simm.s32 $_scs_section_size  }
0xa1: {  	s13 =	simm.s32 $_size__tile_overlayer_lowered;
	s14 =	simm.s32 $_tile_overlayer_lowered  }
0xa2: {  	s15 =	simm.s32 $0x1BFF;
	s19 =	sshll.u32 s14, $0x1;
	s12 =	sadd.s32 s12, s18  }
0xa3: {  	s20 =	simm.s32 $0x0;
	s13 =	sshll.u32 s13, $0x1;
	s14 =	sadd.s32 s19, s12  }
0xa4: {  	[timem:s20], [sflag:s15] =	dma.local [hbm:s14], s13  }
0xa5: {  	_ =	swait.ge [sflag:s15], s13  }
0xa6: {  	s13 =	ssub.s32 $0x0, s13;
	[sflag:s15] =	ssyncset.done $0x0  }
0xa7: {  	[sflag:s15] =	ssyncadd.s32 s13;
	_ =	sdelay $0x1  }
0xa8: {  	s21 =	simm.s32 $0x1B8B  }
0xa9: {  	_ =	swait.ge [sflag:s21], $0x1  }
0xaa: {  	[sflag:s21] =	ssyncset.done $0x0  }
0xab: {  	s23 =	simm.s32 $0x1B8E;
	s22 =	sld [smem:$0x3FFE];
	[sflag:s21] =	ssyncadd.s32 $0xFFFFFFFF  }
0xac: {  	s24 =	simm.s32 $execute0_lowered;
	[smem:$0x3FD2] =	sst s23  }
0xad: {  	s14 =	sshll.u32 s24, $0x1;
	_ =	strace $0x80000046;
	[dreg:$0x1] =	wrdreg $0xFFFFFFFF  }
0xae: {  	s25 =	simm.s32 $_size_execute0_lowered;
	s12 =	sadd.s32 s12, s14;
	[dreg:$0x0] =	wrdreg $0x0  }
0xaf: {  	s14 =	sshll.u32 s25, $0x1;
	[dreg:$0x2] =	wrdreg s12  }
0xb0: {  	[dreg:$0x3] =	wrdreg s14  }
0xb1: {  	[dreg:$0x4] =	wrdreg $0xC0  }
0xb2: {  	_ =	task [dreg:s20], $0x5FFFF  }
0xb3: {  	[dreg:$0x1] =	wrdreg $0xFFFFFFFF  }
0xb4: {  	[dreg:$0x0] =	wrdreg $0x60  }
0xb5: {  	[dreg:$0x2] =	wrdreg s22  }
0xb6: {  	[dreg:$0x3] =	wrdreg s6  }
0xb7: {  	[dreg:$0x4] =	wrdreg s8  }
0xb8: {  	[dreg:$0x5] =	wrdreg s7  }
0xb9: {  	[dreg:$0x6] =	wrdreg s9  }
0xba: {  	[dreg:$0x7] =	wrdreg s10  }
0xbb: {  	[dreg:$0x8] =	wrdreg s16  }
0xbc: {  	[dreg:$0x9] =	wrdreg s2  }
0xbd: {  	[dreg:$0xa] =	wrdreg s3  }
0xbe: {  	[dreg:$0xb] =	wrdreg s4  }
0xbf: {  	[dreg:$0xc] =	wrdreg s5  }
0xc0: {  	[dreg:$0xd] =	wrdreg s11  }
0xc1: {  	[dreg:$0xe] =	wrdreg $0x1F2800  }
0xc2: {  	[dreg:$0xf] =	wrdreg $0x9  }
0xc3: {  	_ =	task.clear_ibuf [dreg:s20], $0x10FFFF;
	_ =	strace $0x90000046  }
0xc4: {  	s26 =	simm.s32 $0x9;
	_ =	strace $0x80000048  }
0xc5: {  	_ =	swait.ge [sflag:s26], $0x1  }
0xc6: {  	[sflag:s26] =	ssyncadd.s32 $0xFFFFFFFF  }
0xc7: {  	_ =	strace $0x90000048  }
0xc8: {  	_ =	sfence  }
0xc9: {  	s28 =	sld [smem:$0x0];
	_ =	sdelay $0x1  }
0xca: {  	s29 =	srdreg.scid  }
0xcb: {  	s30 =	sshll.u32 s29, $0xD;
	s31 =	sshrl.u32 s29, $0x2  }
0xcc: {  	s2 =	sand.u32 $0x1, s29;
	s3 =	sand.u32 $0x4000, s30;
	s1 =	sadd.s32 s31, s28  }
0xcd: {  	s2 =	sor.u32 s3, s2;
	s1 =	sshll.u32 s1, $0x11  }
0xce: {  	s1 =	sor.u32 s1, s2  }
0xcf: {  	s1 =	sadd.s32 $0x8F2B, s1  }
0xd0: {  	[sflag:s1] =	ssyncadd.remote.s32 $0x1  }
0xd1: {  	_ =	sfence.sel $0xFFFF  }
0xd2: {  	[dreg:$0x0] =	wrdreg $0xFFFFFFFF;
	(pc) =	sbr.abs _section_cstart, $3  }
0xd3: {  	[dreg:$0x1] =	wrdreg $0xFFFFFFFF  }
0xd4: {  	_ =	task.clear_ibuf [dreg:s20], $0x2FFFF;
	_ =	strace $0x9FFFFFFF  }
0xd5: {  	(tm) =	ssettm $0x7FFFFFFF  }
tec
execute0_lowered:
.L_overlay_start_1:
0x0: {  	(tag) =	ssettag $0x1  }
0x1: {  	s8 =	rddreg [dreg:$0x0]  }
0x2: {  	s2 =	rddreg [dreg:$0x1]  }
0x3: {  	s4 =	rddreg [dreg:$0x2]  }
0x4: {  	s6 =	rddreg [dreg:$0x3]  }
0x5: {  	s23 =	rddreg [dreg:$0x4]  }
0x6: {  	s24 =	rddreg [dreg:$0x5]  }
0x7: {  	s25 =	rddreg [dreg:$0x6];
	s0 =	stileid.u32  }
0x8: {  	s22 =	rddreg [dreg:$0x7];
	s1 =	smul.u32 $0x60, s0  }
0x9: {  	s21 =	rddreg [dreg:$0x8]  }
0xa: {  	s20 =	rddreg [dreg:$0x9];
	s18 =	smin.u32 s1, $0x4DC  }
0xb: {  	s16 =	rddreg [dreg:$0xa];
	s5 =	smul.u32 $0x32, s18  }
0xc: {  	s15 =	rddreg [dreg:$0xb]  }
0xd: {  	s17 =	rddreg [dreg:$0xc];
	s3 =	simm.s32 $0x0;
	s5 =	sshrl.u32 s5, $0x3  }
0xe: {  	[smem:$0x7FF] =	sst s3;
	s5 =	sadd.s32 s5, s8  }
0xf: {  	s1 =	rddreg [dreg:$0xd];
	_ =	strace $0x80000047;
	s5 =	sadd.s32 $0x2400, s5  }
0x10: {  	[tilespmem:s3], [sflag:$0x1] =	stream.linear.gather [hbm4b:s5+s3], $0x12C0, $0x38;
	[tilespmem:$0x1F428] =	vst v63  }
0x11: {  	s11 =	simm.s32 $0x1300  }
0x12: {  	[tilespmem:s11], [sflag:$0x1] =	stream.linear.gather [hbm4b:s2+s3], $0x580, $0x38;
	[tilespmem:$0x1F428] =	vst v63  }
0x13: {  	s19 =	simm.s32 $0x1880;
	s12 =	sadd.s32 $0x4E00, s8  }
0x14: {  	[tilespmem:s19], [sflag:$0x1] =	stream.linear.gather [hbm4b:s12+s3], $0x1A80, $0x38;
	[tilespmem:$0x1F428] =	vst v63  }
0x15: {  	s9 =	simm.s32 $0x3300;
	s13 =	sadd.s32 $0x400, s8  }
0x16: {  	[tilespmem:s9], [sflag:$0x2] =	stream.linear.gather [hbm4b:s13+s3], $0x580, $0x38;
	[tilespmem:$0x1F428] =	vst v63  }
0x17: {  	s10 =	simm.s32 $0x3880;
	s14 =	sadd.s32 $0x600, s8  }
0x18: {  	[tilespmem:s10], [sflag:$0x2] =	stream.linear.gather [hbm4b:s14+s3], $0x580, $0x38;
	[tilespmem:$0x1F428] =	vst v63  }
0x19: {  	s26 =	sadd.s32 $0x200, s8;
	s11 =	simm.s32 $0x3E00  }
0x1a: {  	[tilespmem:s11], [sflag:$0x2] =	stream.linear.gather [hbm4b:s26+s3], $0x580, $0x38;
	[tilespmem:$0x1F428] =	vst v63  }
0x1b: {  	s12 =	simm.s32 $0x4380  }
0x1c: {  	[tilespmem:s12], [sflag:$0x2] =	stream.linear.gather [hbm4b:s4+s3], $0x580, $0x38;
	[tilespmem:$0x1F428] =	vst v63  }
0x1d: {  	s28 =	sadd.s32 $0x4600, s8;
	s13 =	simm.s32 $0x4900  }
0x1e: {  	[tilespmem:s13], [sflag:$0x2] =	stream.linear.gather [hbm4b:s28+s3], $0x1A80, $0x38;
	[tilespmem:$0x1F428] =	vst v63  }
0x1f: {  	s29 =	sadd.s32 $0x4A00, s8;
	s14 =	simm.s32 $0x6380  }
0x20: {  	[tilespmem:s14], [sflag:$0x2] =	stream.linear.gather [hbm4b:s29+s3], $0x1A80, $0x38;
	[tilespmem:$0x1F428] =	vst v63  }
0x21: {  	s4 =	simm.s32 $0x7E00  }
0x22: {  	[tilespmem:s4], [sflag:$0x2] =	stream.linear.gather [hbm4b:s8+s3], $0x300, $0x38;
	[tilespmem:$0x1F428] =	vst v63  }
0x23: {  	s30 =	sadd.s32 $0xC00, s8;
	s2 =	simm.s32 $0x8100  }
0x24: {  	[tilespmem:s2], [sflag:$0x2] =	stream.linear.gather [hbm4b:s30+s3], $0xE80, $0x38;
	[tilespmem:$0x1F428] =	vst v63  }
0x25: {  	s7 =	sadd.s32 $0xE00, s8;
	s5 =	simm.s32 $0x8F80  }
0x26: {  	[tilespmem:s5], [sflag:$0x2] =	stream.linear.gather [hbm4b:s7+s3], $0xAC00, $0x38;
	[tilespmem:$0x1F428] =	vst v63  }
0x27: {  	s7 =	simm.s32 $0x13B80  }
0x28: {  	[tilespmem:s7], [sflag:$0x2] =	stream.linear.gather [hbm4b:s6+s3], $0x1080, $0x38;
	[tilespmem:$0x1F428] =	vst v63  }
0x29: {  	s26 =	sadd.s32 $0x800, s8;
	s6 =	simm.s32 $0x14C00  }
0x2a: {  	[tilespmem:s6], [sflag:$0x2] =	stream.linear.gather [hbm4b:s26+s3], $0x1080, $0x38;
	[tilespmem:$0x1F428] =	vst v63  }
0x2b: {  	s31 =	sadd.s32 $0x5200, s8;
	s8 =	simm.s32 $0x15C80  }
0x2c: {  	[tilespmem:s8], [sflag:$0x2] =	stream.linear.gather [hbm4b:s31+s3], $0x5080, $0x38;
	[tilespmem:$0x1F428] =	vst v63  }
0x2d: {  	s28 =	simm.s32 $0x1AD08  }
0x2e: {  	[tilespmem:s28], [sflag:$0x2] =	stream.linear.gather [hbm4b:s23+s3], $0x5, $0x38;
	[tilespmem:$0x1F428] =	vst v63  }
0x2f: {  	s29 =	simm.s32 $0x1AD88;
	s23 =	sshll.u32 s0, $0x7  }
0x30: {  	[tilespmem:s29], [sflag:$0x2] =	stream.linear.gather [hbm4b:s24+s3], $0x5, $0x38;
	[tilespmem:$0x1F428] =	vst v63  }
0x31: {  	s31 =	simm.s32 $0x1AE00;
	s30 =	sadd.s32 s25, s23  }
0x32: {  	[tilespmem:s31], [sflag:$0x2] =	stream.linear.gather [hbm4b:s30+s3], $0x400, $0x38;
	[tilespmem:$0x1F428] =	vst v63  }
0x33: {  	s26 =	simm.s32 $0x1B200;
	s22 =	sadd.s32 s22, s23  }
0x34: {  	[tilespmem:s26], [sflag:$0x2] =	stream.linear.gather [hbm4b:s22+s3], $0x400, $0x38;
	[tilespmem:$0x1F428] =	vst v63  }
0x35: {  	s28 =	simm.s32 $0x1B600;
	s21 =	sadd.s32 s21, s23  }
0x36: {  	[tilespmem:s28], [sflag:$0x2] =	stream.linear.gather [hbm4b:s21+s3], $0x400, $0x38;
	[tilespmem:$0x1F428] =	vst v63  }
0x37: {  	s20 =	sadd.s32 s20, s23;
	s29 =	simm.s32 $0x1BA00  }
0x38: {  	[tilespmem:s29], [sflag:$0x2] =	stream.linear.gather [hbm4b:s20+s3], $0x400, $0x38;
	[tilespmem:$0x1F428] =	vst v63  }
0x39: {  	s16 =	sadd.s32 s16, s23;
	s30 =	simm.s32 $0x1BE00;
	s31 =	simm.s32 $0x1  }
0x3a: {  	[tilespmem:s30], [sflag:$0x2] =	stream.linear.gather [hbm4b:s16+s3], $0x400, $0x38;
	[tilespmem:$0x1F428] =	vst v63  }
0x3b: {  	_ =	swait.ge [sflag:s31], $0x12C0  }
0x3c: {  	[sflag:s31] =	ssyncset.done $0x0  }
0x3d: {  	[sflag:s31] =	ssyncadd.s32 $0xFFFFED40  }
0x3e: {  	p0 =	sgt.u32 s0, $0xD;
	_ =	swait.ge [sflag:s31], $0x580  }
.Ltmp0:
0x3f: {  	[sflag:s31] =	ssyncset.done $0x0;
	(pc) =	sbr.rel @p0 .LBB2_26-.Ltmp0, $4  }
0x40: {  	[sflag:s31] =	ssyncadd.s32 $0xFFFFFA80  }
0x41: {  	_ =	swait.ge [sflag:s31], $0x1A80  }
0x42: {  	[sflag:s31] =	ssyncset.done $0x0  }
0x43: {  	v0 =	vlaneseq.u32;
	s16 =	smul.u32 $0x280, s0;
	[sflag:s31] =	ssyncadd.s32 $0xFFFFE580  }
0x44: {  	v7 =	vmul.u32 $0x32, v0;
	_ =	sdelay $0x1  }
0x45: {  	s25 =	simm.s32 $0x2;
	v1 =	vadd.s32 s3, v7  }
0x46: {  	s20 =	simm.s32 $0x1;
	v4 =	vadd.s32 s25, v7  }
0x47: {  	v2 =	vadd.s32 s20, v7;
	_ =	sdelay $0x2  }
0x48: {  	v1 =	vld.idx.msk [tilespmem:v1+s3+$0x0], $0xffff  }
0x49: {  	v4 =	vld.idx.msk [tilespmem:v4+s3+$0x0], $0xffff  }
0x4a: {  	s24 =	simm.s32 $0x3;
	v2 =	vld.idx.msk [tilespmem:v2+s3+$0x0], $0xffff  }
0x4b: {  	v3 =	vadd.s32 s24, v7  }
0x4c: {  	s30 =	simm.s32 $0x7  }
0x4d: {  	v23 =	vadd.s32 s30, v7;
	v1 =	vmul.u32 $0x5, v1  }
0x4e: {  	v4 =	vmul.u32 $0x5, v4  }
0x4f: {  	v9 =	vmul.u32 $0x5, v2  }
0x50: {  	v3 =	vld.idx.msk [tilespmem:v3+s3+$0x0], $0xffff  }
0x51: {  	v5 =	vadd.s32 $0x1, v1  }
0x52: {  	v23 =	vld.idx.msk [tilespmem:v23+s3+$0x0], $0xffff;
	v6 =	vadd.s32 $0x2, v1  }
0x53: {  	v8 =	vadd.s32 $0x3, v1;
	v2 =	vadd.s32 $0x4, v1;
	v1 =	vld.idx.msk [tilespmem:v1+s19+$0x0], $0xffff  }
0x54: {  	v28 =	vld.idx.msk [tilespmem:v4+s19+$0x0], $0xffff  }
0x55: {  	v11 =	vmul.u32 $0x5, v3;
	v3 =	vadd.s32 $0x2, v9;
	v35 =	vld.idx.msk [tilespmem:v9+s19+$0x0], $0xffff  }
0x56: {  	v10 =	vadd.s32 $0x3, v9;
	v12 =	vld.idx.msk [tilespmem:v5+s19+$0x0], $0xffff  }
0x57: {  	v14 =	vadd.s32 $0x2, v11;
	v13 =	vld.idx.msk [tilespmem:v6+s19+$0x0], $0xffff  }
0x58: {  	v5 =	vadd.s32 $0x3, v11;
	v8 =	vld.idx.msk [tilespmem:v8+s19+$0x0], $0xffff  }
0x59: {  	s26 =	simm.s32 $0x4;
	v15 =	vld.idx.msk [tilespmem:v2+s19+$0x0], $0xffff;
	v2 =	vadd.s32 $0x1, v4  }
0x5a: {  	v16 =	vld.idx.msk [tilespmem:v3+s19+$0x0], $0xffff;
	v3 =	vadd.s32 s26, v7  }
0x5b: {  	v20 =	vadd.s32 $0x3, v4;
	v10 =	vld.idx.msk [tilespmem:v10+s19+$0x0], $0xffff  }
0x5c: {  	v21 =	vadd.s32 $0x4, v4;
	v14 =	vld.idx.msk [tilespmem:v14+s19+$0x0], $0xffff  }
0x5d: {  	s28 =	simm.s32 $0x5;
	v6 =	vadd.s32 $0x4, v9;
	v17 =	vld.idx.msk [tilespmem:v5+s19+$0x0], $0xffff  }
0x5e: {  	v5 =	vadd.s32 s28, v7;
	v19 =	vld.idx.msk [tilespmem:v2+s19+$0x0], $0xffff  }
0x5f: {  	v2 =	vadd.s32 $0x2, v4;
	v3 =	vld.idx.msk [tilespmem:v3+s3+$0x0], $0xffff  }
0x60: {  	v26 =	vor.u32 $0x20, v0;
	v25 =	vadd.s32 $0x4, v11;
	v20 =	vld.idx.msk [tilespmem:v20+s19+$0x0], $0xffff  }
0x61: {  	s29 =	simm.s32 $0x6;
	v30 =	vimm.f32 $0.0e+00;
	v27 =	vadd.s32 $0x1, v9;
	v32 =	vadd.s32 $0x1, v11;
	v21 =	vld.idx.msk [tilespmem:v21+s19+$0x0], $0xffff  }
0x62: {  	v33 =	vadd.f32 v1, v30;
	v18 =	vld.idx.msk [tilespmem:v6+s19+$0x0], $0xffff;
	v6 =	vadd.s32 s29, v7;
	v8 =	vadd.f32 v8, v30  }
0x63: {  	v4 =	vor.u32 $0x10, v0;
	v13 =	vadd.f32 v13, v30;
	v15 =	vadd.f32 v15, v30;
	v22 =	vld.idx.msk [tilespmem:v5+s3+$0x0], $0xffff  }
0x64: {  	v9 =	vadd.f32 v12, v30;
	v29 =	vld.idx.msk [tilespmem:v2+s19+$0x0], $0xffff;
	v5 =	vadd.s32 s18, v4;
	v31 =	vmul.u32 $0x5, v3  }
0x65: {  	v25 =	vld.idx.msk [tilespmem:v25+s19+$0x0], $0xffff;
	v4 =	vadd.s32 s18, v26;
	v2 =	vor.u32 $0x30, v0;
	v26 =	vor.u32 $0x40, v0  }
0x66: {  	v27 =	vld.idx.msk [tilespmem:v27+s19+$0x0], $0xffff;
	v3 =	vadd.s32 s18, v2;
	v2 =	vadd.s32 s18, v26;
	v26 =	vadd.s32 $0x1, v31  }
0x67: {  	v10 =	vadd.f32 v10, v8;
	v13 =	vadd.f32 v16, v13;
	v16 =	vld.idx.msk [tilespmem:v11+s19+$0x0], $0xffff;
	v34 =	vadd.s32 $0x2, v31  }
0x68: {  	v24 =	vld.idx.msk [tilespmem:v6+s3+$0x0], $0xffff;
	v11 =	vadd.f32 v18, v15;
	v30 =	vadd.s32 $0x3, v31;
	v8 =	vmul.u32 $0x5, v22  }
0x69: {  	v1 =	vor.u32 $0x50, v0;
	v18 =	vadd.s32 $0x4, v31;
	v12 =	vadd.f32 v29, v13;
	v29 =	vld.idx.msk [tilespmem:v32+s19+$0x0], $0xffff  }
0x6a: {  	v20 =	vadd.f32 v20, v10;
	v21 =	vadd.f32 v21, v11;
	v10 =	vld.idx.msk [tilespmem:v31+s19+$0x0], $0xffff;
	v31 =	vadd.s32 $0x3, v8  }
0x6b: {  	v11 =	vld.idx.msk [tilespmem:v26+s19+$0x0], $0xffff;
	v63 =	vadd.s32 $0x2, v8;
	v26 =	vadd.f32 v27, v9;
	v9 =	vmul.u32 $0x5, v23  }
0x6c: {  	v1 =	vadd.s32 s18, v1;
	v20 =	vadd.f32 v17, v20;
	v13 =	vadd.f32 v14, v12;
	v15 =	vld.idx.msk [tilespmem:v34+s19+$0x0], $0xffff  }
0x6d: {  	s31 =	smul.u32 $0x780, s0;
	v14 =	vadd.f32 v25, v21;
	v22 =	vld.idx.msk [tilespmem:v30+s19+$0x0], $0xffff;
	v21 =	vmul.u32 $0x5, v24;
	v27 =	vadd.s32 $0x3, v9  }
0x6e: {  	v30 =	vadd.f32 v35, v33;
	v17 =	vld.idx.msk [tilespmem:v18+s19+$0x0], $0xffff;
	v25 =	vadd.s32 $0x4, v8;
	v18 =	vadd.f32 v19, v26  }
0x6f: {  	v6 =	vadd.s32 s18, v0;
	s18 =	sshrl.u32 s31, $0x2;
	v12 =	vadd.s32 $0x1, v8;
	v24 =	vadd.s32 $0x2, v9;
	v23 =	vld.idx.msk [tilespmem:v31+s19+$0x0], $0xffff  }
0x70: {  	s20 =	simm.s32 $0x8;
	s18 =	sadd.s32 s18, s17;
	v26 =	vadd.s32 $0x1, v21;
	v28 =	vadd.f32 v28, v30;
	v18 =	vadd.f32 v29, v18;
	v19 =	vld.idx.msk [tilespmem:v63+s19+$0x0], $0xffff  }
.LBB2_2:
0x71: {  	s21 =	sadd.s32 $0x1, s20  }
0x72: {  	v29 =	vadd.s32 s20, v7;
	p0 =	slt.u32 s20, $0x2C;
	v27 =	vld.idx.msk [tilespmem:v27+s19+$0x0], $0xffff;
	v16 =	vadd.f32 v16, v28;
	s22 =	smov.u32 s20;
	s20 =	sadd.s32 $0x4, s20  }
0x73: {  	v28 =	vadd.s32 s21, v7;
	s21 =	sadd.s32 $0x2, s22;
	v25 =	vld.idx.msk [tilespmem:v25+s19+$0x0], $0xffff  }
0x74: {  	v20 =	vadd.f32 v22, v20;
	v30 =	vadd.s32 s21, v7;
	v22 =	vld.idx.msk [tilespmem:v24+s19+$0x0], $0xffff  }
0x75: {  	v24 =	vadd.s32 $0x2, v21;
	v26 =	vld.idx.msk [tilespmem:v26+s19+$0x0], $0xffff  }
0x76: {  	v20 =	vadd.f32 v23, v20;
	v23 =	vadd.s32 $0x3, v21;
	v31 =	vld.idx.msk [tilespmem:v21+s19+$0x0], $0xffff  }
0x77: {  	s21 =	sadd.s32 $0x3, s22;
	v21 =	vadd.s32 $0x4, v21;
	v29 =	vld.idx.msk [tilespmem:v29+s3+$0x0], $0xffff  }
0x78: {  	v32 =	vadd.s32 s21, v7;
	v28 =	vld.idx.msk [tilespmem:v28+s3+$0x0], $0xffff  }
0x79: {  	v33 =	vadd.s32 $0x4, v9;
	v30 =	vld.idx.msk [tilespmem:v30+s3+$0x0], $0xffff  }
0x7a: {  	v24 =	vld.idx.msk [tilespmem:v24+s19+$0x0], $0xffff  }
0x7b: {  	v23 =	vld.idx.msk [tilespmem:v23+s19+$0x0], $0xffff  }
0x7c: {  	v13 =	vadd.f32 v15, v13;
	v15 =	vld.idx.msk [tilespmem:v21+s19+$0x0], $0xffff  }
0x7d: {  	v21 =	vmul.u32 $0x5, v29;
	v29 =	vld.idx.msk [tilespmem:v32+s3+$0x0], $0xffff;
	v32 =	vadd.s32 $0x1, v9  }
0x7e: {  	v14 =	vadd.f32 v17, v14;
	v13 =	vadd.f32 v19, v13;
	v17 =	vld.idx.msk [tilespmem:v33+s19+$0x0], $0xffff  }
0x7f: {  	v18 =	vadd.f32 v11, v18;
	v19 =	vadd.s32 $0x1, v21;
	v33 =	vadd.f32 v10, v16;
	v34 =	vld.idx.msk [tilespmem:v12+s19+$0x0], $0xffff  }
0x80: {  	v35 =	vadd.s32 $0x2, v21;
	v10 =	vadd.f32 v25, v14;
	v11 =	vadd.f32 v24, v13;
	v36 =	vld.idx.msk [tilespmem:v8+s19+$0x0], $0xffff  }
0x81: {  	v25 =	vadd.s32 $0x3, v21;
	v8 =	vmul.u32 $0x5, v28;
	v14 =	vadd.f32 v23, v20;
	v16 =	vld.idx.msk [tilespmem:v9+s19+$0x0], $0xffff  }
0x82: {  	v23 =	vadd.s32 $0x4, v21;
	v15 =	vadd.f32 v15, v10;
	v13 =	vadd.f32 v22, v11;
	v32 =	vld.idx.msk [tilespmem:v32+s19+$0x0], $0xffff  }
0x83: {  	v12 =	vadd.s32 $0x1, v8;
	v28 =	vadd.s32 $0x3, v8;
	v9 =	vmul.u32 $0x5, v29;
	v10 =	vld.idx.msk [tilespmem:v21+s19+$0x0], $0xffff  }
0x84: {  	v20 =	vadd.f32 v27, v14;
	v14 =	vadd.f32 v17, v15;
	v11 =	vld.idx.msk [tilespmem:v19+s19+$0x0], $0xffff;
	v19 =	vadd.s32 $0x2, v8  }
.Ltmp1:
0x85: {  	v24 =	vadd.s32 $0x2, v9;
	v27 =	vadd.s32 $0x3, v9;
	v18 =	vadd.f32 v34, v18;
	v15 =	vld.idx.msk [tilespmem:v35+s19+$0x0], $0xffff;
	(pc) =	sbr.rel @p0 .LBB2_2-.Ltmp1, $4  }
0x86: {  	v21 =	vmul.u32 $0x5, v30;
	v29 =	vadd.f32 v36, v33;
	v22 =	vld.idx.msk [tilespmem:v25+s19+$0x0], $0xffff;
	v25 =	vadd.s32 $0x4, v8  }
0x87: {  	v18 =	vadd.f32 v26, v18;
	v17 =	vld.idx.msk [tilespmem:v23+s19+$0x0], $0xffff  }
0x88: {  	v26 =	vadd.s32 $0x1, v21;
	v23 =	vld.idx.msk [tilespmem:v28+s19+$0x0], $0xffff;
	v28 =	vadd.f32 v31, v29  }
0x89: {  	v18 =	vadd.f32 v32, v18;
	v19 =	vld.idx.msk [tilespmem:v19+s19+$0x0], $0xffff  }
0x8a: {  	_ =	sdelay $0x3  }
0x8b: {  	v7 =	vld.idx.msk [tilespmem:v27+s19+$0x0], $0xffff;
	v58 =	vadd.s32 $0x2, v21  }
0x8c: {  	v25 =	vld.idx.msk [tilespmem:v25+s19+$0x0], $0xffff;
	v29 =	vadd.s32 $0x3, v21  }
0x8d: {  	v26 =	vld.idx.msk [tilespmem:v26+s19+$0x0], $0xffff  }
0x8e: {  	v30 =	vld.idx.msk [tilespmem:v21+s19+$0x0], $0xffff;
	v59 =	vadd.s32 $0x4, v21  }
0x8f: {  	v12 =	vld.idx.msk [tilespmem:v12+s19+$0x0], $0xffff  }
0x90: {  	v31 =	vadd.s32 $0x4, v9;
	v27 =	vld.idx.msk [tilespmem:v58+s19+$0x0], $0xffff  }
0x91: {  	v60 =	vadd.s32 $0x1, v9;
	v16 =	vadd.f32 v16, v28;
	v29 =	vld.idx.msk [tilespmem:v29+s19+$0x0], $0xffff  }
0x92: {  	v13 =	vadd.f32 v15, v13;
	v8 =	vld.idx.msk [tilespmem:v8+s19+$0x0], $0xffff;
	v20 =	vadd.f32 v22, v20  }
0x93: {  	v11 =	vadd.f32 v11, v18;
	v14 =	vadd.f32 v17, v14;
	v61 =	vld.idx.msk [tilespmem:v59+s19+$0x0], $0xffff  }
0x94: {  	v63 =	vld.idx.msk [tilespmem:v9+s19+$0x0], $0xffff;
	v15 =	vadd.f32 v23, v20;
	v13 =	vadd.f32 v19, v13  }
0x95: {  	v10 =	vadd.f32 v10, v16;
	v62 =	vld.idx.msk [tilespmem:v31+s19+$0x0], $0xffff;
	v14 =	vadd.f32 v25, v14  }
0x96: {  	v9 =	vadd.f32 v27, v13;
	v13 =	vadd.f32 v29, v15;
	v15 =	vld.idx.msk [tilespmem:v60+s19+$0x0], $0xffff  }
0x97: {  	v24 =	vld.idx.msk [tilespmem:v24+s19+$0x0], $0xffff;
	v11 =	vadd.f32 v12, v11;
	v8 =	vadd.f32 v8, v10  }
0x98: {  	v10 =	vadd.f32 v61, v14  }
0x99: {  	v11 =	vadd.f32 v26, v11;
	v12 =	vadd.f32 v30, v8  }
0x9a: {  	v8 =	vadd.f32 v7, v13;
	v7 =	vadd.f32 v62, v10;
	v13 =	vlaneseq.u32  }
0x9b: {  	v10 =	vadd.f32 v15, v11;
	v11 =	vadd.f32 v63, v12;
	v12 =	vmul.u32 $0x32, v13  }
0x9c: {  	s20 =	simm.s32 $0x0;
	s21 =	simm.s32 $0x1880;
	s19 =	simm.s32 $0x30;
	v9 =	vadd.f32 v24, v9  }
.LBB2_4:
0x9d: {  	v13 =	vadd.s32 s19, v12;
	_ =	sdelay $0x4  }
0x9e: {  	v13 =	vld.idx.msk [tilespmem:v13+s20+$0x0], $0xffff;
	_ =	sdelay $0x4  }
0x9f: {  	v13 =	vmul.u32 $0x5, v13;
	_ =	sdelay $0x1  }
0xa0: {  	v14 =	vadd.s32 $0x1, v13  }
0xa1: {  	v15 =	vadd.s32 $0x2, v13  }
0xa2: {  	v16 =	vadd.s32 $0x3, v13  }
0xa3: {  	v17 =	vadd.s32 $0x4, v13  }
0xa4: {  	v13 =	vld.idx.msk [tilespmem:v13+s21+$0x0], $0xffff  }
0xa5: {  	v14 =	vld.idx.msk [tilespmem:v14+s21+$0x0], $0xffff  }
0xa6: {  	v15 =	vld.idx.msk [tilespmem:v15+s21+$0x0], $0xffff  }
0xa7: {  	v16 =	vld.idx.msk [tilespmem:v16+s21+$0x0], $0xffff  }
0xa8: {  	p0 =	sne.s32 s19, $0x31;
	v17 =	vld.idx.msk [tilespmem:v17+s21+$0x0], $0xffff  }
.Ltmp2:
0xa9: {  	_ = 	snop;
	(pc) =	sbr.rel @p0 .LBB2_4-.Ltmp2, $4  }
0xaa: {  	_ = 	snop  }
0xab: {  	v11 =	vadd.f32 v13, v11  }
0xac: {  	v10 =	vadd.f32 v14, v10;
	v9 =	vadd.f32 v15, v9  }
0xad: {  	s19 =	sadd.s32 $0x1, s19;
	v8 =	vadd.f32 v16, v8;
	v7 =	vadd.f32 v17, v7  }
0xae: {  	_ =	sdelay $0x2  }
0xaf: {  	s19 =	simm.s32 $0x1300  }
0xb0: {  	v6 =	vld.idx.msk [tilespmem:v6+s19+$0x0], $0xffff;
	_ =	sdelay $0x4  }
0xb1: {  	v6 =	vcvt.s32.f32 v6;
	_ =	sdelay $0x1  }
0xb2: {  	v12 =	vand.u32 $0x7FFFFF, v6  }
0xb3: {  	v12 =	vor.u32 $0x3F800000, v12  }
0xb4: {  	v13 =	vmul.f32 $5.000000000e-01, v12  }
0xb5: {  	vm0 =	vgt.f32 v12, $1.414213540e+00  }
0xb6: {  	v12 =	vsel vm0, v13, v12  }
0xb7: {  	v13 =	vadd.f32 $1.000000000e+00, v12;
	_ =	sdelay $0x1  }
0xb8: {  	(erf) = vrcp.f32 v13;
	_ =	sdelay $0x7  }
0xb9: {  	v12 =	vadd.f32 $-1.000000000e+00, v12  }
0xba: {  	v13 =	vpop (erf)  }
0xbb: {  	v12 =	vmul.f32 v13, v12;
	_ =	sdelay $0x1  }
0xbc: {  	v13 =	vmul.f32 v12, v12;
	_ =	sdelay $0x1  }
0xbd: {  	v14 =	vmul.f32 $2.222222240e-01, v13;
	_ =	sdelay $0x1  }
0xbe: {  	v14 =	vadd.f32 $2.857142980e-01, v14;
	_ =	sdelay $0x1  }
0xbf: {  	v14 =	vmul.f32 v14, v13;
	_ =	sdelay $0x1  }
0xc0: {  	v14 =	vadd.f32 $4.000000060e-01, v14;
	_ =	sdelay $0x1  }
0xc1: {  	v14 =	vmul.f32 v14, v13;
	_ =	sdelay $0x1  }
0xc2: {  	v15 =	vimm.s32 $0x0;
	v14 =	vadd.f32 $6.666666860e-01, v14  }
0xc3: {  	v6 =	vshrl.u32 v6, $0x17;
	v15 =	vsel vm0, $0x1, v15  }
0xc4: {  	v6 =	vadd.s32 v15, v6;
	v13 =	vmul.f32 v14, v13  }
0xc5: {  	v6 =	vadd.s32 $0xFFFFFF81, v6  }
0xc6: {  	v6 =	vcvt.s32.f32 v6;
	v13 =	vadd.f32 $2.000000000e+00, v13;
	_ =	sdelay $0x1  }
0xc7: {  	v6 =	vmul.f32 $6.931471820e-01, v6;
	v12 =	vmul.f32 v13, v12;
	_ =	sdelay $0x1  }
0xc8: {  	v6 =	vadd.f32 v12, v6;
	_ =	sdelay $0x1  }
0xc9: {  	v6 =	vmul.f32 $-5.000000000e-01, v6;
	_ =	sdelay $0x1  }
0xca: {  	v6 =	vmul.f32 $1.442695020e+00, v6;
	_ =	sdelay $0x1  }
0xcb: {  	(erf) = vpow2.f32 v6;
	_ =	sdelay $0x4  }
0xcc: {  	v6 =	vlaneseq.u32  }
0xcd: {  	v12 =	vmul.u32 $0x5, v6;
	_ =	sdelay $0x1  }
0xce: {  	v13 =	vadd.s32 $0x1, v12  }
0xcf: {  	v6 =	vmul.u32 $0x32, v6;
	v15 =	vadd.s32 $0x2, v12;
	v14 =	vpop (erf)  }
0xd0: {  	v16 =	vadd.s32 $0x3, v12;
	v11 =	vmul.f32 v14, v11  }
0xd1: {  	s24 =	simm.s32 $0x1DC80;
	s20 =	simm.s32 $0x0;
	v17 =	vadd.s32 $0x4, v12;
	v6 =	vadd.s32 $0x320, v6;
	v10 =	vmul.f32 v14, v10  }
0xd2: {  	v9 =	vmul.f32 v14, v9;
	[tilespmem:v12+s24+$0x0] =	vst.idx.msk $0xffff, v11;
	v11 =	vadd.s32 s20, v6  }
0xd3: {  	v8 =	vmul.f32 v14, v8;
	[tilespmem:v13+s24+$0x0] =	vst.idx.msk $0xffff, v10  }
0xd4: {  	v7 =	vmul.f32 v14, v7;
	[tilespmem:v15+s24+$0x0] =	vst.idx.msk $0xffff, v9  }
0xd5: {  	s28 =	simm.s32 $0x4;
	[tilespmem:v16+s24+$0x0] =	vst.idx.msk $0xffff, v8  }
0xd6: {  	s26 =	simm.s32 $0x2;
	v21 =	vadd.s32 s28, v6;
	[tilespmem:v17+s24+$0x0] =	vst.idx.msk $0xffff, v7  }
0xd7: {  	s29 =	simm.s32 $0x5;
	v10 =	vadd.s32 s26, v6;
	v8 =	vld.idx.msk [tilespmem:v11+s20+$0x0], $0xffff  }
0xd8: {  	s25 =	simm.s32 $0x3;
	v22 =	vadd.s32 s29, v6  }
0xd9: {  	s30 =	simm.s32 $0x6;
	v9 =	vadd.s32 s25, v6  }
0xda: {  	s31 =	simm.s32 $0x7;
	v23 =	vadd.s32 s30, v6  }
0xdb: {  	s21 =	simm.s32 $0x1;
	v26 =	vadd.s32 s31, v6;
	v21 =	vld.idx.msk [tilespmem:v21+s20+$0x0], $0xffff  }
0xdc: {  	v7 =	vadd.s32 s21, v6;
	v10 =	vld.idx.msk [tilespmem:v10+s20+$0x0], $0xffff;
	v8 =	vmul.u32 $0x5, v8  }
0xdd: {  	v22 =	vld.idx.msk [tilespmem:v22+s20+$0x0], $0xffff  }
0xde: {  	v9 =	vld.idx.msk [tilespmem:v9+s20+$0x0], $0xffff;
	v11 =	vadd.s32 $0x1, v8  }
0xdf: {  	v23 =	vld.idx.msk [tilespmem:v23+s20+$0x0], $0xffff;
	v12 =	vadd.s32 $0x2, v8  }
0xe0: {  	v26 =	vld.idx.msk [tilespmem:v26+s20+$0x0], $0xffff;
	v13 =	vadd.s32 $0x3, v8  }
0xe1: {  	s19 =	simm.s32 $0x1880;
	v7 =	vld.idx.msk [tilespmem:v7+s20+$0x0], $0xffff;
	v10 =	vmul.u32 $0x5, v10;
	v14 =	vadd.s32 $0x4, v8  }
0xe2: {  	v8 =	vld.idx.msk [tilespmem:v8+s19+$0x0], $0xffff  }
0xe3: {  	v9 =	vmul.u32 $0x5, v9;
	v20 =	vadd.s32 $0x1, v10;
	v11 =	vld.idx.msk [tilespmem:v11+s19+$0x0], $0xffff  }
0xe4: {  	v25 =	vadd.s32 $0x3, v10;
	v12 =	vld.idx.msk [tilespmem:v12+s19+$0x0], $0xffff  }
0xe5: {  	v17 =	vadd.s32 $0x3, v9;
	v13 =	vld.idx.msk [tilespmem:v13+s19+$0x0], $0xffff  }
0xe6: {  	v7 =	vmul.u32 $0x5, v7;
	v19 =	vadd.s32 $0x2, v9;
	v14 =	vld.idx.msk [tilespmem:v14+s19+$0x0], $0xffff  }
0xe7: {  	v27 =	vld.idx.msk [tilespmem:v10+s19+$0x0], $0xffff  }
0xe8: {  	v15 =	vadd.s32 $0x3, v7;
	v24 =	vld.idx.msk [tilespmem:v20+s19+$0x0], $0xffff  }
0xe9: {  	v16 =	vadd.s32 $0x2, v7;
	v25 =	vld.idx.msk [tilespmem:v25+s19+$0x0], $0xffff  }
0xea: {  	v18 =	vadd.s32 $0x4, v7;
	v17 =	vld.idx.msk [tilespmem:v17+s19+$0x0], $0xffff  }
0xeb: {  	v29 =	vadd.s32 $0x1, v7;
	v19 =	vld.idx.msk [tilespmem:v19+s19+$0x0], $0xffff  }
0xec: {  	v20 =	vadd.s32 $0x2, v10;
	v34 =	vld.idx.msk [tilespmem:v7+s19+$0x0], $0xffff  }
0xed: {  	v10 =	vadd.s32 $0x4, v10;
	v15 =	vld.idx.msk [tilespmem:v15+s19+$0x0], $0xffff  }
0xee: {  	v28 =	vadd.s32 $0x4, v9;
	v16 =	vld.idx.msk [tilespmem:v16+s19+$0x0], $0xffff  }
0xef: {  	v31 =	vadd.s32 $0x1, v9;
	v18 =	vld.idx.msk [tilespmem:v18+s19+$0x0], $0xffff  }
0xf0: {  	v30 =	vimm.f32 $0.0e+00;
	v21 =	vmul.u32 $0x5, v21;
	v29 =	vld.idx.msk [tilespmem:v29+s19+$0x0], $0xffff  }
0xf1: {  	v7 =	vmul.u32 $0x5, v22;
	v22 =	vadd.f32 v8, v30;
	v20 =	vld.idx.msk [tilespmem:v20+s19+$0x0], $0xffff  }
0xf2: {  	v33 =	vadd.s32 $0x2, v21;
	v13 =	vadd.f32 v13, v30;
	v12 =	vadd.f32 v12, v30;
	v10 =	vld.idx.msk [tilespmem:v10+s19+$0x0], $0xffff  }
0xf3: {  	v32 =	vadd.s32 $0x1, v21;
	v28 =	vld.idx.msk [tilespmem:v28+s19+$0x0], $0xffff;
	v14 =	vadd.f32 v14, v30;
	v30 =	vadd.f32 v11, v30  }
0xf4: {  	v31 =	vld.idx.msk [tilespmem:v31+s19+$0x0], $0xffff;
	v35 =	vadd.s32 $0x3, v7;
	v13 =	vadd.f32 v15, v13;
	v12 =	vadd.f32 v16, v12  }
0xf5: {  	v63 =	vadd.s32 $0x2, v7;
	v16 =	vadd.s32 $0x3, v21;
	v15 =	vld.idx.msk [tilespmem:v9+s19+$0x0], $0xffff;
	v8 =	vadd.f32 v18, v14  }
0xf6: {  	v18 =	vadd.s32 $0x4, v21;
	v9 =	vld.idx.msk [tilespmem:v21+s19+$0x0], $0xffff;
	v11 =	vadd.f32 v20, v12;
	v13 =	vadd.f32 v25, v13  }
0xf7: {  	v14 =	vld.idx.msk [tilespmem:v33+s19+$0x0], $0xffff;
	v20 =	vadd.f32 v10, v8;
	v25 =	vadd.f32 v29, v30;
	v8 =	vmul.u32 $0x5, v26  }
0xf8: {  	v10 =	vld.idx.msk [tilespmem:v32+s19+$0x0], $0xffff;
	v12 =	vadd.f32 v19, v11;
	v19 =	vadd.f32 v17, v13  }
0xf9: {  	v13 =	vadd.f32 v28, v20;
	v17 =	vadd.f32 v34, v22;
	v26 =	vadd.s32 $0x3, v8;
	v22 =	vld.idx.msk [tilespmem:v35+s19+$0x0], $0xffff  }
0xfa: {  	v20 =	vmul.u32 $0x5, v23;
	v28 =	vadd.f32 v24, v25;
	v24 =	vadd.s32 $0x4, v7;
	v21 =	vld.idx.msk [tilespmem:v16+s19+$0x0], $0xffff  }
0xfb: {  	v11 =	vadd.s32 $0x1, v7;
	v23 =	vadd.s32 $0x2, v8;
	v16 =	vld.idx.msk [tilespmem:v18+s19+$0x0], $0xffff  }
0xfc: {  	s21 =	simm.s32 $0x8;
	v18 =	vld.idx.msk [tilespmem:v63+s19+$0x0], $0xffff;
	v25 =	vadd.s32 $0x1, v20;
	v27 =	vadd.f32 v27, v17;
	v17 =	vadd.f32 v31, v28  }
.LBB2_6:
0xfd: {  	s22 =	sadd.s32 $0x1, s21  }
0xfe: {  	v28 =	vadd.s32 s21, v6;
	p0 =	slt.u32 s21, $0x2C;
	v26 =	vld.idx.msk [tilespmem:v26+s19+$0x0], $0xffff;
	v15 =	vadd.f32 v15, v27;
	s23 =	smov.u32 s21;
	s21 =	sadd.s32 $0x4, s21  }
0xff: {  	v27 =	vadd.s32 s22, v6;
	s22 =	sadd.s32 $0x2, s23;
	v24 =	vld.idx.msk [tilespmem:v24+s19+$0x0], $0xffff  }
0x100: {  	v19 =	vadd.f32 v21, v19;
	v29 =	vadd.s32 s22, v6;
	v21 =	vld.idx.msk [tilespmem:v23+s19+$0x0], $0xffff  }
0x101: {  	v23 =	vadd.s32 $0x2, v20;
	v25 =	vld.idx.msk [tilespmem:v25+s19+$0x0], $0xffff  }
0x102: {  	v19 =	vadd.f32 v22, v19;
	v22 =	vadd.s32 $0x3, v20;
	v30 =	vld.idx.msk [tilespmem:v20+s19+$0x0], $0xffff  }
0x103: {  	s22 =	sadd.s32 $0x3, s23;
	v20 =	vadd.s32 $0x4, v20;
	v28 =	vld.idx.msk [tilespmem:v28+s20+$0x0], $0xffff  }
0x104: {  	v31 =	vadd.s32 s22, v6;
	v27 =	vld.idx.msk [tilespmem:v27+s20+$0x0], $0xffff  }
0x105: {  	v32 =	vadd.s32 $0x4, v8;
	v29 =	vld.idx.msk [tilespmem:v29+s20+$0x0], $0xffff  }
0x106: {  	v23 =	vld.idx.msk [tilespmem:v23+s19+$0x0], $0xffff  }
0x107: {  	v22 =	vld.idx.msk [tilespmem:v22+s19+$0x0], $0xffff  }
0x108: {  	v12 =	vadd.f32 v14, v12;
	v14 =	vld.idx.msk [tilespmem:v20+s19+$0x0], $0xffff  }
0x109: {  	v20 =	vmul.u32 $0x5, v28;
	v28 =	vld.idx.msk [tilespmem:v31+s20+$0x0], $0xffff;
	v31 =	vadd.s32 $0x1, v8  }
0x10a: {  	v13 =	vadd.f32 v16, v13;
	v12 =	vadd.f32 v18, v12;
	v16 =	vld.idx.msk [tilespmem:v32+s19+$0x0], $0xffff  }
0x10b: {  	v17 =	vadd.f32 v10, v17;
	v18 =	vadd.s32 $0x1, v20;
	v32 =	vadd.f32 v9, v15;
	v33 =	vld.idx.msk [tilespmem:v11+s19+$0x0], $0xffff  }
0x10c: {  	v34 =	vadd.s32 $0x2, v20;
	v9 =	vadd.f32 v24, v13;
	v10 =	vadd.f32 v23, v12;
	v35 =	vld.idx.msk [tilespmem:v7+s19+$0x0], $0xffff  }
0x10d: {  	v24 =	vadd.s32 $0x3, v20;
	v7 =	vmul.u32 $0x5, v27;
	v13 =	vadd.f32 v22, v19;
	v15 =	vld.idx.msk [tilespmem:v8+s19+$0x0], $0xffff  }
0x10e: {  	v22 =	vadd.s32 $0x4, v20;
	v14 =	vadd.f32 v14, v9;
	v12 =	vadd.f32 v21, v10;
	v31 =	vld.idx.msk [tilespmem:v31+s19+$0x0], $0xffff  }
0x10f: {  	v11 =	vadd.s32 $0x1, v7;
	v27 =	vadd.s32 $0x3, v7;
	v8 =	vmul.u32 $0x5, v28;
	v9 =	vld.idx.msk [tilespmem:v20+s19+$0x0], $0xffff  }
0x110: {  	v19 =	vadd.f32 v26, v13;
	v13 =	vadd.f32 v16, v14;
	v10 =	vld.idx.msk [tilespmem:v18+s19+$0x0], $0xffff;
	v18 =	vadd.s32 $0x2, v7  }
.Ltmp3:
0x111: {  	v23 =	vadd.s32 $0x2, v8;
	v26 =	vadd.s32 $0x3, v8;
	v17 =	vadd.f32 v33, v17;
	v14 =	vld.idx.msk [tilespmem:v34+s19+$0x0], $0xffff;
	(pc) =	sbr.rel @p0 .LBB2_6-.Ltmp3, $4  }
0x112: {  	v20 =	vmul.u32 $0x5, v29;
	v28 =	vadd.f32 v35, v32;
	v21 =	vld.idx.msk [tilespmem:v24+s19+$0x0], $0xffff;
	v24 =	vadd.s32 $0x4, v7  }
0x113: {  	v17 =	vadd.f32 v25, v17;
	v16 =	vld.idx.msk [tilespmem:v22+s19+$0x0], $0xffff  }
0x114: {  	v25 =	vadd.s32 $0x1, v20;
	v22 =	vld.idx.msk [tilespmem:v27+s19+$0x0], $0xffff;
	v27 =	vadd.f32 v30, v28  }
0x115: {  	v17 =	vadd.f32 v31, v17;
	v18 =	vld.idx.msk [tilespmem:v18+s19+$0x0], $0xffff  }
0x116: {  	_ =	sdelay $0x3  }
0x117: {  	v26 =	vld.idx.msk [tilespmem:v26+s19+$0x0], $0xffff  }
0x118: {  	v24 =	vld.idx.msk [tilespmem:v24+s19+$0x0], $0xffff  }
0x119: {  	v6 =	vadd.s32 $0x2, v20;
	v23 =	vld.idx.msk [tilespmem:v23+s19+$0x0], $0xffff  }
0x11a: {  	v28 =	vadd.s32 $0x3, v20;
	v25 =	vld.idx.msk [tilespmem:v25+s19+$0x0], $0xffff  }
0x11b: {  	v29 =	vld.idx.msk [tilespmem:v20+s19+$0x0], $0xffff;
	v56 =	vadd.s32 $0x4, v20  }
0x11c: {  	v11 =	vld.idx.msk [tilespmem:v11+s19+$0x0], $0xffff  }
0x11d: {  	v30 =	vadd.s32 $0x4, v8;
	v7 =	vld.idx.msk [tilespmem:v7+s19+$0x0], $0xffff  }
0x11e: {  	v57 =	vadd.s32 $0x1, v8;
	v15 =	vadd.f32 v15, v27;
	v6 =	vld.idx.msk [tilespmem:v6+s19+$0x0], $0xffff  }
0x11f: {  	v12 =	vadd.f32 v14, v12;
	v19 =	vadd.f32 v21, v19;
	v28 =	vld.idx.msk [tilespmem:v28+s19+$0x0], $0xffff  }
0x120: {  	v10 =	vadd.f32 v10, v17;
	v13 =	vadd.f32 v16, v13;
	v59 =	vld.idx.msk [tilespmem:v56+s19+$0x0], $0xffff  }
0x121: {  	v61 =	vld.idx.msk [tilespmem:v8+s19+$0x0], $0xffff;
	v9 =	vadd.f32 v9, v15;
	v58 =	vadd.f32 v22, v19  }
0x122: {  	v12 =	vadd.f32 v18, v12;
	v60 =	vld.idx.msk [tilespmem:v30+s19+$0x0], $0xffff;
	v10 =	vadd.f32 v11, v10  }
0x123: {  	v13 =	vadd.f32 v24, v13;
	v62 =	vld.idx.msk [tilespmem:v57+s19+$0x0], $0xffff;
	v7 =	vadd.f32 v7, v9  }
0x124: {  	v10 =	vadd.f32 v25, v10;
	v6 =	vadd.f32 v6, v12  }
0x125: {  	v11 =	vlaneseq.u32;
	v8 =	vadd.f32 v28, v58;
	v9 =	vadd.f32 v59, v13  }
0x126: {  	v11 =	vmul.u32 $0x32, v11;
	v63 =	vadd.f32 v29, v7;
	v6 =	vadd.f32 v23, v6  }
0x127: {  	v8 =	vadd.f32 v26, v8;
	v7 =	vadd.f32 v60, v9  }
0x128: {  	s20 =	simm.s32 $0x0;
	s21 =	simm.s32 $0x1880;
	s19 =	simm.s32 $0x30;
	v11 =	vadd.s32 $0x320, v11;
	v9 =	vadd.f32 v62, v10;
	v10 =	vadd.f32 v61, v63  }
.LBB2_8:
0x129: {  	v12 =	vadd.s32 s19, v11;
	_ =	sdelay $0x4  }
0x12a: {  	v12 =	vld.idx.msk [tilespmem:v12+s20+$0x0], $0xffff;
	_ =	sdelay $0x4  }
0x12b: {  	v12 =	vmul.u32 $0x5, v12;
	_ =	sdelay $0x1  }
0x12c: {  	v13 =	vadd.s32 $0x1, v12  }
0x12d: {  	v14 =	vadd.s32 $0x2, v12  }
0x12e: {  	v15 =	vadd.s32 $0x3, v12  }
0x12f: {  	v16 =	vadd.s32 $0x4, v12  }
0x130: {  	v12 =	vld.idx.msk [tilespmem:v12+s21+$0x0], $0xffff  }
0x131: {  	v13 =	vld.idx.msk [tilespmem:v13+s21+$0x0], $0xffff  }
0x132: {  	v14 =	vld.idx.msk [tilespmem:v14+s21+$0x0], $0xffff  }
0x133: {  	v15 =	vld.idx.msk [tilespmem:v15+s21+$0x0], $0xffff  }
0x134: {  	p0 =	sne.s32 s19, $0x31;
	v16 =	vld.idx.msk [tilespmem:v16+s21+$0x0], $0xffff  }
.Ltmp4:
0x135: {  	_ = 	snop;
	(pc) =	sbr.rel @p0 .LBB2_8-.Ltmp4, $4  }
0x136: {  	_ = 	snop  }
0x137: {  	v10 =	vadd.f32 v12, v10  }
0x138: {  	v9 =	vadd.f32 v13, v9;
	v6 =	vadd.f32 v14, v6  }
0x139: {  	s19 =	sadd.s32 $0x1, s19;
	v8 =	vadd.f32 v15, v8;
	v7 =	vadd.f32 v16, v7  }
0x13a: {  	_ =	sdelay $0x2  }
0x13b: {  	s19 =	simm.s32 $0x1300  }
0x13c: {  	v5 =	vld.idx.msk [tilespmem:v5+s19+$0x0], $0xffff;
	_ =	sdelay $0x4  }
0x13d: {  	v5 =	vcvt.s32.f32 v5;
	_ =	sdelay $0x1  }
0x13e: {  	v11 =	vand.u32 $0x7FFFFF, v5  }
0x13f: {  	v11 =	vor.u32 $0x3F800000, v11  }
0x140: {  	v12 =	vmul.f32 $5.000000000e-01, v11  }
0x141: {  	vm0 =	vgt.f32 v11, $1.414213540e+00  }
0x142: {  	v11 =	vsel vm0, v12, v11  }
0x143: {  	v12 =	vadd.f32 $1.000000000e+00, v11;
	_ =	sdelay $0x1  }
0x144: {  	(erf) = vrcp.f32 v12;
	_ =	sdelay $0x7  }
0x145: {  	v11 =	vadd.f32 $-1.000000000e+00, v11  }
0x146: {  	v12 =	vpop (erf)  }
0x147: {  	v11 =	vmul.f32 v12, v11;
	_ =	sdelay $0x1  }
0x148: {  	v12 =	vmul.f32 v11, v11;
	_ =	sdelay $0x1  }
0x149: {  	v13 =	vmul.f32 $2.222222240e-01, v12;
	_ =	sdelay $0x1  }
0x14a: {  	v13 =	vadd.f32 $2.857142980e-01, v13;
	_ =	sdelay $0x1  }
0x14b: {  	v13 =	vmul.f32 v13, v12;
	_ =	sdelay $0x1  }
0x14c: {  	v13 =	vadd.f32 $4.000000060e-01, v13;
	_ =	sdelay $0x1  }
0x14d: {  	v13 =	vmul.f32 v13, v12;
	_ =	sdelay $0x1  }
0x14e: {  	v14 =	vimm.s32 $0x0;
	v13 =	vadd.f32 $6.666666860e-01, v13  }
0x14f: {  	v5 =	vshrl.u32 v5, $0x17;
	v14 =	vsel vm0, $0x1, v14  }
0x150: {  	v5 =	vadd.s32 v14, v5;
	v12 =	vmul.f32 v13, v12  }
0x151: {  	v5 =	vadd.s32 $0xFFFFFF81, v5  }
0x152: {  	v5 =	vcvt.s32.f32 v5;
	v12 =	vadd.f32 $2.000000000e+00, v12;
	_ =	sdelay $0x1  }
0x153: {  	v5 =	vmul.f32 $6.931471820e-01, v5;
	v11 =	vmul.f32 v12, v11;
	_ =	sdelay $0x1  }
0x154: {  	v5 =	vadd.f32 v11, v5;
	_ =	sdelay $0x1  }
0x155: {  	v5 =	vmul.f32 $-5.000000000e-01, v5;
	_ =	sdelay $0x1  }
0x156: {  	v5 =	vmul.f32 $1.442695020e+00, v5;
	_ =	sdelay $0x1  }
0x157: {  	(erf) = vpow2.f32 v5;
	_ =	sdelay $0x3  }
0x158: {  	v5 =	vlaneseq.u32  }
0x159: {  	v11 =	vmul.u32 $0x5, v5;
	_ =	sdelay $0x1  }
0x15a: {  	v12 =	vadd.s32 $0x50, v11  }
0x15b: {  	v13 =	vadd.s32 $0x51, v11  }
0x15c: {  	v5 =	vmul.u32 $0x32, v5;
	v15 =	vadd.s32 $0x52, v11;
	v14 =	vpop (erf)  }
0x15d: {  	v16 =	vadd.s32 $0x53, v11;
	v10 =	vmul.f32 v14, v10  }
0x15e: {  	s24 =	simm.s32 $0x1DC80;
	s20 =	simm.s32 $0x0;
	v11 =	vadd.s32 $0x54, v11;
	v5 =	vadd.s32 $0x640, v5;
	v9 =	vmul.f32 v14, v9  }
0x15f: {  	v6 =	vmul.f32 v14, v6;
	[tilespmem:v12+s24+$0x0] =	vst.idx.msk $0xffff, v10;
	v10 =	vadd.s32 s20, v5  }
0x160: {  	v8 =	vmul.f32 v14, v8;
	[tilespmem:v13+s24+$0x0] =	vst.idx.msk $0xffff, v9  }
0x161: {  	[tilespmem:v15+s24+$0x0] =	vst.idx.msk $0xffff, v6;
	v6 =	vmul.f32 v14, v7  }
0x162: {  	s28 =	simm.s32 $0x4;
	[tilespmem:v16+s24+$0x0] =	vst.idx.msk $0xffff, v8  }
0x163: {  	s26 =	simm.s32 $0x2;
	v20 =	vadd.s32 s28, v5;
	[tilespmem:v11+s24+$0x0] =	vst.idx.msk $0xffff, v6  }
0x164: {  	s29 =	simm.s32 $0x5;
	v9 =	vadd.s32 s26, v5;
	v7 =	vld.idx.msk [tilespmem:v10+s20+$0x0], $0xffff  }
0x165: {  	s25 =	simm.s32 $0x3;
	v21 =	vadd.s32 s29, v5  }
0x166: {  	s30 =	simm.s32 $0x6;
	v8 =	vadd.s32 s25, v5  }
0x167: {  	s31 =	simm.s32 $0x7;
	v22 =	vadd.s32 s30, v5  }
0x168: {  	s21 =	simm.s32 $0x1;
	v25 =	vadd.s32 s31, v5;
	v20 =	vld.idx.msk [tilespmem:v20+s20+$0x0], $0xffff  }
0x169: {  	v6 =	vadd.s32 s21, v5;
	v9 =	vld.idx.msk [tilespmem:v9+s20+$0x0], $0xffff;
	v7 =	vmul.u32 $0x5, v7  }
0x16a: {  	v21 =	vld.idx.msk [tilespmem:v21+s20+$0x0], $0xffff  }
0x16b: {  	v8 =	vld.idx.msk [tilespmem:v8+s20+$0x0], $0xffff;
	v10 =	vadd.s32 $0x1, v7  }
0x16c: {  	v22 =	vld.idx.msk [tilespmem:v22+s20+$0x0], $0xffff;
	v11 =	vadd.s32 $0x2, v7  }
0x16d: {  	v25 =	vld.idx.msk [tilespmem:v25+s20+$0x0], $0xffff;
	v12 =	vadd.s32 $0x3, v7  }
0x16e: {  	s19 =	simm.s32 $0x1880;
	v6 =	vld.idx.msk [tilespmem:v6+s20+$0x0], $0xffff;
	v9 =	vmul.u32 $0x5, v9;
	v13 =	vadd.s32 $0x4, v7  }
0x16f: {  	v7 =	vld.idx.msk [tilespmem:v7+s19+$0x0], $0xffff  }
0x170: {  	v8 =	vmul.u32 $0x5, v8;
	v19 =	vadd.s32 $0x1, v9;
	v10 =	vld.idx.msk [tilespmem:v10+s19+$0x0], $0xffff  }
0x171: {  	v24 =	vadd.s32 $0x3, v9;
	v11 =	vld.idx.msk [tilespmem:v11+s19+$0x0], $0xffff  }
0x172: {  	v16 =	vadd.s32 $0x3, v8;
	v12 =	vld.idx.msk [tilespmem:v12+s19+$0x0], $0xffff  }
0x173: {  	v6 =	vmul.u32 $0x5, v6;
	v18 =	vadd.s32 $0x2, v8;
	v13 =	vld.idx.msk [tilespmem:v13+s19+$0x0], $0xffff  }
0x174: {  	v26 =	vld.idx.msk [tilespmem:v9+s19+$0x0], $0xffff  }
0x175: {  	v14 =	vadd.s32 $0x3, v6;
	v23 =	vld.idx.msk [tilespmem:v19+s19+$0x0], $0xffff  }
0x176: {  	v15 =	vadd.s32 $0x2, v6;
	v24 =	vld.idx.msk [tilespmem:v24+s19+$0x0], $0xffff  }
0x177: {  	v17 =	vadd.s32 $0x4, v6;
	v16 =	vld.idx.msk [tilespmem:v16+s19+$0x0], $0xffff  }
0x178: {  	v28 =	vadd.s32 $0x1, v6;
	v18 =	vld.idx.msk [tilespmem:v18+s19+$0x0], $0xffff  }
0x179: {  	v19 =	vadd.s32 $0x2, v9;
	v33 =	vld.idx.msk [tilespmem:v6+s19+$0x0], $0xffff  }
0x17a: {  	v9 =	vadd.s32 $0x4, v9;
	v14 =	vld.idx.msk [tilespmem:v14+s19+$0x0], $0xffff  }
0x17b: {  	v27 =	vadd.s32 $0x4, v8;
	v15 =	vld.idx.msk [tilespmem:v15+s19+$0x0], $0xffff  }
0x17c: {  	v30 =	vadd.s32 $0x1, v8;
	v17 =	vld.idx.msk [tilespmem:v17+s19+$0x0], $0xffff  }
0x17d: {  	v29 =	vimm.f32 $0.0e+00;
	v20 =	vmul.u32 $0x5, v20;
	v28 =	vld.idx.msk [tilespmem:v28+s19+$0x0], $0xffff  }
0x17e: {  	v6 =	vmul.u32 $0x5, v21;
	v21 =	vadd.f32 v7, v29;
	v19 =	vld.idx.msk [tilespmem:v19+s19+$0x0], $0xffff  }
0x17f: {  	v32 =	vadd.s32 $0x2, v20;
	v12 =	vadd.f32 v12, v29;
	v11 =	vadd.f32 v11, v29;
	v9 =	vld.idx.msk [tilespmem:v9+s19+$0x0], $0xffff  }
0x180: {  	v31 =	vadd.s32 $0x1, v20;
	v27 =	vld.idx.msk [tilespmem:v27+s19+$0x0], $0xffff;
	v13 =	vadd.f32 v13, v29;
	v29 =	vadd.f32 v10, v29  }
0x181: {  	v30 =	vld.idx.msk [tilespmem:v30+s19+$0x0], $0xffff;
	v34 =	vadd.s32 $0x3, v6;
	v12 =	vadd.f32 v14, v12;
	v11 =	vadd.f32 v15, v11  }
0x182: {  	v63 =	vadd.s32 $0x2, v6;
	v15 =	vadd.s32 $0x3, v20;
	v14 =	vld.idx.msk [tilespmem:v8+s19+$0x0], $0xffff;
	v7 =	vadd.f32 v17, v13  }
0x183: {  	v17 =	vadd.s32 $0x4, v20;
	v8 =	vld.idx.msk [tilespmem:v20+s19+$0x0], $0xffff;
	v10 =	vadd.f32 v19, v11;
	v12 =	vadd.f32 v24, v12  }
0x184: {  	v13 =	vld.idx.msk [tilespmem:v32+s19+$0x0], $0xffff;
	v19 =	vadd.f32 v9, v7;
	v24 =	vadd.f32 v28, v29;
	v7 =	vmul.u32 $0x5, v25  }
0x185: {  	v9 =	vld.idx.msk [tilespmem:v31+s19+$0x0], $0xffff;
	v11 =	vadd.f32 v18, v10;
	v18 =	vadd.f32 v16, v12  }
0x186: {  	v12 =	vadd.f32 v27, v19;
	v16 =	vadd.f32 v33, v21;
	v25 =	vadd.s32 $0x3, v7;
	v21 =	vld.idx.msk [tilespmem:v34+s19+$0x0], $0xffff  }
0x187: {  	v19 =	vmul.u32 $0x5, v22;
	v27 =	vadd.f32 v23, v24;
	v23 =	vadd.s32 $0x4, v6;
	v20 =	vld.idx.msk [tilespmem:v15+s19+$0x0], $0xffff  }
0x188: {  	v10 =	vadd.s32 $0x1, v6;
	v22 =	vadd.s32 $0x2, v7;
	v15 =	vld.idx.msk [tilespmem:v17+s19+$0x0], $0xffff  }
0x189: {  	s21 =	simm.s32 $0x8;
	v17 =	vld.idx.msk [tilespmem:v63+s19+$0x0], $0xffff;
	v24 =	vadd.s32 $0x1, v19;
	v26 =	vadd.f32 v26, v16;
	v16 =	vadd.f32 v30, v27  }
.LBB2_10:
0x18a: {  	s22 =	sadd.s32 $0x1, s21  }
0x18b: {  	v27 =	vadd.s32 s21, v5;
	p0 =	slt.u32 s21, $0x2C;
	v25 =	vld.idx.msk [tilespmem:v25+s19+$0x0], $0xffff;
	v14 =	vadd.f32 v14, v26;
	s23 =	smov.u32 s21;
	s21 =	sadd.s32 $0x4, s21  }
0x18c: {  	v26 =	vadd.s32 s22, v5;
	s22 =	sadd.s32 $0x2, s23;
	v23 =	vld.idx.msk [tilespmem:v23+s19+$0x0], $0xffff  }
0x18d: {  	v18 =	vadd.f32 v20, v18;
	v28 =	vadd.s32 s22, v5;
	v20 =	vld.idx.msk [tilespmem:v22+s19+$0x0], $0xffff  }
0x18e: {  	v22 =	vadd.s32 $0x2, v19;
	v24 =	vld.idx.msk [tilespmem:v24+s19+$0x0], $0xffff  }
0x18f: {  	v18 =	vadd.f32 v21, v18;
	v21 =	vadd.s32 $0x3, v19;
	v29 =	vld.idx.msk [tilespmem:v19+s19+$0x0], $0xffff  }
0x190: {  	s22 =	sadd.s32 $0x3, s23;
	v19 =	vadd.s32 $0x4, v19;
	v27 =	vld.idx.msk [tilespmem:v27+s20+$0x0], $0xffff  }
0x191: {  	v30 =	vadd.s32 s22, v5;
	v26 =	vld.idx.msk [tilespmem:v26+s20+$0x0], $0xffff  }
0x192: {  	v31 =	vadd.s32 $0x4, v7;
	v28 =	vld.idx.msk [tilespmem:v28+s20+$0x0], $0xffff  }
0x193: {  	v22 =	vld.idx.msk [tilespmem:v22+s19+$0x0], $0xffff  }
0x194: {  	v21 =	vld.idx.msk [tilespmem:v21+s19+$0x0], $0xffff  }
0x195: {  	v11 =	vadd.f32 v13, v11;
	v13 =	vld.idx.msk [tilespmem:v19+s19+$0x0], $0xffff  }
0x196: {  	v19 =	vmul.u32 $0x5, v27;
	v27 =	vld.idx.msk [tilespmem:v30+s20+$0x0], $0xffff;
	v30 =	vadd.s32 $0x1, v7  }
0x197: {  	v12 =	vadd.f32 v15, v12;
	v11 =	vadd.f32 v17, v11;
	v15 =	vld.idx.msk [tilespmem:v31+s19+$0x0], $0xffff  }
0x198: {  	v16 =	vadd.f32 v9, v16;
	v17 =	vadd.s32 $0x1, v19;
	v31 =	vadd.f32 v8, v14;
	v32 =	vld.idx.msk [tilespmem:v10+s19+$0x0], $0xffff  }
0x199: {  	v33 =	vadd.s32 $0x2, v19;
	v8 =	vadd.f32 v23, v12;
	v9 =	vadd.f32 v22, v11;
	v34 =	vld.idx.msk [tilespmem:v6+s19+$0x0], $0xffff  }
0x19a: {  	v23 =	vadd.s32 $0x3, v19;
	v6 =	vmul.u32 $0x5, v26;
	v12 =	vadd.f32 v21, v18;
	v14 =	vld.idx.msk [tilespmem:v7+s19+$0x0], $0xffff  }
0x19b: {  	v21 =	vadd.s32 $0x4, v19;
	v13 =	vadd.f32 v13, v8;
	v11 =	vadd.f32 v20, v9;
	v30 =	vld.idx.msk [tilespmem:v30+s19+$0x0], $0xffff  }
0x19c: {  	v10 =	vadd.s32 $0x1, v6;
	v26 =	vadd.s32 $0x3, v6;
	v7 =	vmul.u32 $0x5, v27;
	v8 =	vld.idx.msk [tilespmem:v19+s19+$0x0], $0xffff  }
0x19d: {  	v18 =	vadd.f32 v25, v12;
	v12 =	vadd.f32 v15, v13;
	v9 =	vld.idx.msk [tilespmem:v17+s19+$0x0], $0xffff;
	v17 =	vadd.s32 $0x2, v6  }
.Ltmp5:
0x19e: {  	v22 =	vadd.s32 $0x2, v7;
	v25 =	vadd.s32 $0x3, v7;
	v16 =	vadd.f32 v32, v16;
	v13 =	vld.idx.msk [tilespmem:v33+s19+$0x0], $0xffff;
	(pc) =	sbr.rel @p0 .LBB2_10-.Ltmp5, $4  }
0x19f: {  	v19 =	vmul.u32 $0x5, v28;
	v27 =	vadd.f32 v34, v31;
	v20 =	vld.idx.msk [tilespmem:v23+s19+$0x0], $0xffff;
	v23 =	vadd.s32 $0x4, v6  }
0x1a0: {  	v16 =	vadd.f32 v24, v16;
	v15 =	vld.idx.msk [tilespmem:v21+s19+$0x0], $0xffff  }
0x1a1: {  	v24 =	vadd.s32 $0x1, v19;
	v21 =	vld.idx.msk [tilespmem:v26+s19+$0x0], $0xffff;
	v26 =	vadd.f32 v29, v27  }
0x1a2: {  	v16 =	vadd.f32 v30, v16;
	v17 =	vld.idx.msk [tilespmem:v17+s19+$0x0], $0xffff  }
0x1a3: {  	_ =	sdelay $0x3  }
0x1a4: {  	v25 =	vld.idx.msk [tilespmem:v25+s19+$0x0], $0xffff  }
0x1a5: {  	v23 =	vld.idx.msk [tilespmem:v23+s19+$0x0], $0xffff  }
0x1a6: {  	v5 =	vadd.s32 $0x2, v19;
	v22 =	vld.idx.msk [tilespmem:v22+s19+$0x0], $0xffff  }
0x1a7: {  	v27 =	vadd.s32 $0x3, v19;
	v24 =	vld.idx.msk [tilespmem:v24+s19+$0x0], $0xffff  }
0x1a8: {  	v28 =	vld.idx.msk [tilespmem:v19+s19+$0x0], $0xffff;
	v57 =	vadd.s32 $0x4, v19  }
0x1a9: {  	v10 =	vld.idx.msk [tilespmem:v10+s19+$0x0], $0xffff  }
0x1aa: {  	v29 =	vadd.s32 $0x4, v7;
	v6 =	vld.idx.msk [tilespmem:v6+s19+$0x0], $0xffff  }
0x1ab: {  	v58 =	vadd.s32 $0x1, v7;
	v14 =	vadd.f32 v14, v26;
	v5 =	vld.idx.msk [tilespmem:v5+s19+$0x0], $0xffff  }
0x1ac: {  	v11 =	vadd.f32 v13, v11;
	v18 =	vadd.f32 v20, v18;
	v27 =	vld.idx.msk [tilespmem:v27+s19+$0x0], $0xffff  }
0x1ad: {  	v9 =	vadd.f32 v9, v16;
	v12 =	vadd.f32 v15, v12;
	v60 =	vld.idx.msk [tilespmem:v57+s19+$0x0], $0xffff  }
0x1ae: {  	v62 =	vld.idx.msk [tilespmem:v7+s19+$0x0], $0xffff;
	v8 =	vadd.f32 v8, v14;
	v11 =	vadd.f32 v17, v11  }
0x1af: {  	v59 =	vadd.f32 v21, v18;
	v61 =	vld.idx.msk [tilespmem:v29+s19+$0x0], $0xffff;
	v9 =	vadd.f32 v10, v9  }
0x1b0: {  	v12 =	vadd.f32 v23, v12;
	v5 =	vadd.f32 v5, v11;
	v11 =	vld.idx.msk [tilespmem:v58+s19+$0x0], $0xffff  }
0x1b1: {  	v6 =	vadd.f32 v6, v8;
	v9 =	vadd.f32 v24, v9  }
0x1b2: {  	v10 =	vlaneseq.u32;
	v7 =	vadd.f32 v27, v59;
	v8 =	vadd.f32 v60, v12  }
0x1b3: {  	v10 =	vmul.u32 $0x32, v10;
	v63 =	vadd.f32 v28, v6;
	v5 =	vadd.f32 v22, v5  }
0x1b4: {  	v7 =	vadd.f32 v25, v7;
	v6 =	vadd.f32 v61, v8  }
0x1b5: {  	s20 =	simm.s32 $0x0;
	s21 =	simm.s32 $0x1880;
	v10 =	vadd.s32 $0x640, v10;
	s19 =	simm.s32 $0x30;
	v8 =	vadd.f32 v11, v9;
	v9 =	vadd.f32 v62, v63  }
.LBB2_12:
0x1b6: {  	v11 =	vadd.s32 s19, v10;
	_ =	sdelay $0x4  }
0x1b7: {  	v11 =	vld.idx.msk [tilespmem:v11+s20+$0x0], $0xffff;
	_ =	sdelay $0x4  }
0x1b8: {  	v11 =	vmul.u32 $0x5, v11;
	_ =	sdelay $0x1  }
0x1b9: {  	v12 =	vadd.s32 $0x1, v11  }
0x1ba: {  	v13 =	vadd.s32 $0x2, v11  }
0x1bb: {  	v14 =	vadd.s32 $0x3, v11  }
0x1bc: {  	v15 =	vadd.s32 $0x4, v11  }
0x1bd: {  	v11 =	vld.idx.msk [tilespmem:v11+s21+$0x0], $0xffff  }
0x1be: {  	v12 =	vld.idx.msk [tilespmem:v12+s21+$0x0], $0xffff  }
0x1bf: {  	v13 =	vld.idx.msk [tilespmem:v13+s21+$0x0], $0xffff  }
0x1c0: {  	v14 =	vld.idx.msk [tilespmem:v14+s21+$0x0], $0xffff  }
0x1c1: {  	p0 =	sne.s32 s19, $0x31;
	v15 =	vld.idx.msk [tilespmem:v15+s21+$0x0], $0xffff  }
.Ltmp6:
0x1c2: {  	_ = 	snop;
	(pc) =	sbr.rel @p0 .LBB2_12-.Ltmp6, $4  }
0x1c3: {  	_ = 	snop  }
0x1c4: {  	v9 =	vadd.f32 v11, v9  }
0x1c5: {  	v8 =	vadd.f32 v12, v8;
	v5 =	vadd.f32 v13, v5  }
0x1c6: {  	s19 =	sadd.s32 $0x1, s19;
	v7 =	vadd.f32 v14, v7;
	v6 =	vadd.f32 v15, v6  }
0x1c7: {  	_ =	sdelay $0x2  }
0x1c8: {  	s19 =	simm.s32 $0x1300  }
0x1c9: {  	v4 =	vld.idx.msk [tilespmem:v4+s19+$0x0], $0xffff;
	_ =	sdelay $0x4  }
0x1ca: {  	v4 =	vcvt.s32.f32 v4;
	_ =	sdelay $0x1  }
0x1cb: {  	v10 =	vand.u32 $0x7FFFFF, v4  }
0x1cc: {  	v10 =	vor.u32 $0x3F800000, v10  }
0x1cd: {  	v11 =	vmul.f32 $5.000000000e-01, v10  }
0x1ce: {  	vm0 =	vgt.f32 v10, $1.414213540e+00  }
0x1cf: {  	v10 =	vsel vm0, v11, v10  }
0x1d0: {  	v11 =	vadd.f32 $1.000000000e+00, v10;
	_ =	sdelay $0x1  }
0x1d1: {  	(erf) = vrcp.f32 v11;
	_ =	sdelay $0x7  }
0x1d2: {  	v10 =	vadd.f32 $-1.000000000e+00, v10  }
0x1d3: {  	v11 =	vpop (erf)  }
0x1d4: {  	v10 =	vmul.f32 v11, v10;
	_ =	sdelay $0x1  }
0x1d5: {  	v11 =	vmul.f32 v10, v10;
	_ =	sdelay $0x1  }
0x1d6: {  	v12 =	vmul.f32 $2.222222240e-01, v11;
	_ =	sdelay $0x1  }
0x1d7: {  	v12 =	vadd.f32 $2.857142980e-01, v12;
	_ =	sdelay $0x1  }
0x1d8: {  	v12 =	vmul.f32 v12, v11;
	_ =	sdelay $0x1  }
0x1d9: {  	v12 =	vadd.f32 $4.000000060e-01, v12;
	_ =	sdelay $0x1  }
0x1da: {  	v12 =	vmul.f32 v12, v11;
	_ =	sdelay $0x1  }
0x1db: {  	v13 =	vimm.s32 $0x0;
	v12 =	vadd.f32 $6.666666860e-01, v12  }
0x1dc: {  	v4 =	vshrl.u32 v4, $0x17;
	v13 =	vsel vm0, $0x1, v13  }
0x1dd: {  	v4 =	vadd.s32 v13, v4;
	v11 =	vmul.f32 v12, v11  }
0x1de: {  	v4 =	vadd.s32 $0xFFFFFF81, v4  }
0x1df: {  	v4 =	vcvt.s32.f32 v4;
	v11 =	vadd.f32 $2.000000000e+00, v11;
	_ =	sdelay $0x1  }
0x1e0: {  	v4 =	vmul.f32 $6.931471820e-01, v4;
	v10 =	vmul.f32 v11, v10;
	_ =	sdelay $0x1  }
0x1e1: {  	v4 =	vadd.f32 v10, v4;
	_ =	sdelay $0x1  }
0x1e2: {  	v4 =	vmul.f32 $-5.000000000e-01, v4;
	_ =	sdelay $0x1  }
0x1e3: {  	v4 =	vmul.f32 $1.442695020e+00, v4;
	_ =	sdelay $0x1  }
0x1e4: {  	(erf) = vpow2.f32 v4;
	_ =	sdelay $0x3  }
0x1e5: {  	v4 =	vlaneseq.u32  }
0x1e6: {  	v10 =	vmul.u32 $0x5, v4;
	_ =	sdelay $0x1  }
0x1e7: {  	v11 =	vadd.s32 $0xA0, v10  }
0x1e8: {  	v12 =	vadd.s32 $0xA1, v10  }
0x1e9: {  	v4 =	vmul.u32 $0x32, v4;
	v14 =	vadd.s32 $0xA2, v10;
	v13 =	vpop (erf)  }
0x1ea: {  	v15 =	vadd.s32 $0xA3, v10;
	v9 =	vmul.f32 v13, v9  }
0x1eb: {  	s24 =	simm.s32 $0x1DC80;
	s20 =	simm.s32 $0x0;
	v10 =	vadd.s32 $0xA4, v10;
	v4 =	vadd.s32 $0x960, v4;
	v8 =	vmul.f32 v13, v8  }
0x1ec: {  	v5 =	vmul.f32 v13, v5;
	[tilespmem:v11+s24+$0x0] =	vst.idx.msk $0xffff, v9;
	v9 =	vadd.s32 s20, v4  }
0x1ed: {  	v7 =	vmul.f32 v13, v7;
	[tilespmem:v12+s24+$0x0] =	vst.idx.msk $0xffff, v8  }
0x1ee: {  	[tilespmem:v14+s24+$0x0] =	vst.idx.msk $0xffff, v5;
	v5 =	vmul.f32 v13, v6  }
0x1ef: {  	s28 =	simm.s32 $0x4;
	[tilespmem:v15+s24+$0x0] =	vst.idx.msk $0xffff, v7  }
0x1f0: {  	s26 =	simm.s32 $0x2;
	v19 =	vadd.s32 s28, v4;
	[tilespmem:v10+s24+$0x0] =	vst.idx.msk $0xffff, v5  }
0x1f1: {  	s29 =	simm.s32 $0x5;
	v8 =	vadd.s32 s26, v4;
	v6 =	vld.idx.msk [tilespmem:v9+s20+$0x0], $0xffff  }
0x1f2: {  	s25 =	simm.s32 $0x3;
	v20 =	vadd.s32 s29, v4  }
0x1f3: {  	s30 =	simm.s32 $0x6;
	v7 =	vadd.s32 s25, v4  }
0x1f4: {  	s31 =	simm.s32 $0x7;
	v21 =	vadd.s32 s30, v4  }
0x1f5: {  	s21 =	simm.s32 $0x1;
	v24 =	vadd.s32 s31, v4;
	v19 =	vld.idx.msk [tilespmem:v19+s20+$0x0], $0xffff  }
0x1f6: {  	v5 =	vadd.s32 s21, v4;
	v8 =	vld.idx.msk [tilespmem:v8+s20+$0x0], $0xffff;
	v6 =	vmul.u32 $0x5, v6  }
0x1f7: {  	v20 =	vld.idx.msk [tilespmem:v20+s20+$0x0], $0xffff  }
0x1f8: {  	v7 =	vld.idx.msk [tilespmem:v7+s20+$0x0], $0xffff;
	v9 =	vadd.s32 $0x1, v6  }
0x1f9: {  	v21 =	vld.idx.msk [tilespmem:v21+s20+$0x0], $0xffff;
	v10 =	vadd.s32 $0x2, v6  }
0x1fa: {  	v24 =	vld.idx.msk [tilespmem:v24+s20+$0x0], $0xffff;
	v11 =	vadd.s32 $0x3, v6  }
0x1fb: {  	s19 =	simm.s32 $0x1880;
	v5 =	vld.idx.msk [tilespmem:v5+s20+$0x0], $0xffff;
	v8 =	vmul.u32 $0x5, v8;
	v12 =	vadd.s32 $0x4, v6  }
0x1fc: {  	v6 =	vld.idx.msk [tilespmem:v6+s19+$0x0], $0xffff  }
0x1fd: {  	v7 =	vmul.u32 $0x5, v7;
	v18 =	vadd.s32 $0x1, v8;
	v9 =	vld.idx.msk [tilespmem:v9+s19+$0x0], $0xffff  }
0x1fe: {  	v23 =	vadd.s32 $0x3, v8;
	v10 =	vld.idx.msk [tilespmem:v10+s19+$0x0], $0xffff  }
0x1ff: {  	v15 =	vadd.s32 $0x3, v7;
	v11 =	vld.idx.msk [tilespmem:v11+s19+$0x0], $0xffff  }
0x200: {  	v5 =	vmul.u32 $0x5, v5;
	v17 =	vadd.s32 $0x2, v7;
	v12 =	vld.idx.msk [tilespmem:v12+s19+$0x0], $0xffff  }
0x201: {  	v25 =	vld.idx.msk [tilespmem:v8+s19+$0x0], $0xffff  }
0x202: {  	v13 =	vadd.s32 $0x3, v5;
	v22 =	vld.idx.msk [tilespmem:v18+s19+$0x0], $0xffff  }
0x203: {  	v14 =	vadd.s32 $0x2, v5;
	v23 =	vld.idx.msk [tilespmem:v23+s19+$0x0], $0xffff  }
0x204: {  	v16 =	vadd.s32 $0x4, v5;
	v15 =	vld.idx.msk [tilespmem:v15+s19+$0x0], $0xffff  }
0x205: {  	v27 =	vadd.s32 $0x1, v5;
	v17 =	vld.idx.msk [tilespmem:v17+s19+$0x0], $0xffff  }
0x206: {  	v18 =	vadd.s32 $0x2, v8;
	v32 =	vld.idx.msk [tilespmem:v5+s19+$0x0], $0xffff  }
0x207: {  	v8 =	vadd.s32 $0x4, v8;
	v13 =	vld.idx.msk [tilespmem:v13+s19+$0x0], $0xffff  }
0x208: {  	v26 =	vadd.s32 $0x4, v7;
	v14 =	vld.idx.msk [tilespmem:v14+s19+$0x0], $0xffff  }
0x209: {  	v29 =	vadd.s32 $0x1, v7;
	v16 =	vld.idx.msk [tilespmem:v16+s19+$0x0], $0xffff  }
0x20a: {  	v28 =	vimm.f32 $0.0e+00;
	v19 =	vmul.u32 $0x5, v19;
	v27 =	vld.idx.msk [tilespmem:v27+s19+$0x0], $0xffff  }
0x20b: {  	v5 =	vmul.u32 $0x5, v20;
	v20 =	vadd.f32 v6, v28;
	v18 =	vld.idx.msk [tilespmem:v18+s19+$0x0], $0xffff  }
0x20c: {  	v31 =	vadd.s32 $0x2, v19;
	v11 =	vadd.f32 v11, v28;
	v10 =	vadd.f32 v10, v28;
	v8 =	vld.idx.msk [tilespmem:v8+s19+$0x0], $0xffff  }
0x20d: {  	v30 =	vadd.s32 $0x1, v19;
	v26 =	vld.idx.msk [tilespmem:v26+s19+$0x0], $0xffff;
	v12 =	vadd.f32 v12, v28;
	v28 =	vadd.f32 v9, v28  }
0x20e: {  	v29 =	vld.idx.msk [tilespmem:v29+s19+$0x0], $0xffff;
	v33 =	vadd.s32 $0x3, v5;
	v11 =	vadd.f32 v13, v11;
	v10 =	vadd.f32 v14, v10  }
0x20f: {  	v63 =	vadd.s32 $0x2, v5;
	v14 =	vadd.s32 $0x3, v19;
	v13 =	vld.idx.msk [tilespmem:v7+s19+$0x0], $0xffff;
	v6 =	vadd.f32 v16, v12  }
0x210: {  	v16 =	vadd.s32 $0x4, v19;
	v7 =	vld.idx.msk [tilespmem:v19+s19+$0x0], $0xffff;
	v9 =	vadd.f32 v18, v10;
	v11 =	vadd.f32 v23, v11  }
0x211: {  	v12 =	vld.idx.msk [tilespmem:v31+s19+$0x0], $0xffff;
	v18 =	vadd.f32 v8, v6;
	v23 =	vadd.f32 v27, v28;
	v6 =	vmul.u32 $0x5, v24  }
0x212: {  	v8 =	vld.idx.msk [tilespmem:v30+s19+$0x0], $0xffff;
	v10 =	vadd.f32 v17, v9;
	v17 =	vadd.f32 v15, v11  }
0x213: {  	v11 =	vadd.f32 v26, v18;
	v15 =	vadd.f32 v32, v20;
	v24 =	vadd.s32 $0x3, v6;
	v20 =	vld.idx.msk [tilespmem:v33+s19+$0x0], $0xffff  }
0x214: {  	v18 =	vmul.u32 $0x5, v21;
	v26 =	vadd.f32 v22, v23;
	v22 =	vadd.s32 $0x4, v5;
	v19 =	vld.idx.msk [tilespmem:v14+s19+$0x0], $0xffff  }
0x215: {  	v9 =	vadd.s32 $0x1, v5;
	v21 =	vadd.s32 $0x2, v6;
	v14 =	vld.idx.msk [tilespmem:v16+s19+$0x0], $0xffff  }
0x216: {  	s21 =	simm.s32 $0x8;
	v16 =	vld.idx.msk [tilespmem:v63+s19+$0x0], $0xffff;
	v23 =	vadd.s32 $0x1, v18;
	v25 =	vadd.f32 v25, v15;
	v15 =	vadd.f32 v29, v26  }
.LBB2_14:
0x217: {  	s22 =	sadd.s32 $0x1, s21  }
0x218: {  	v26 =	vadd.s32 s21, v4;
	p0 =	slt.u32 s21, $0x2C;
	v24 =	vld.idx.msk [tilespmem:v24+s19+$0x0], $0xffff;
	v13 =	vadd.f32 v13, v25;
	s23 =	smov.u32 s21;
	s21 =	sadd.s32 $0x4, s21  }
0x219: {  	v25 =	vadd.s32 s22, v4;
	s22 =	sadd.s32 $0x2, s23;
	v22 =	vld.idx.msk [tilespmem:v22+s19+$0x0], $0xffff  }
0x21a: {  	v17 =	vadd.f32 v19, v17;
	v27 =	vadd.s32 s22, v4;
	v19 =	vld.idx.msk [tilespmem:v21+s19+$0x0], $0xffff  }
0x21b: {  	v21 =	vadd.s32 $0x2, v18;
	v23 =	vld.idx.msk [tilespmem:v23+s19+$0x0], $0xffff  }
0x21c: {  	v17 =	vadd.f32 v20, v17;
	v20 =	vadd.s32 $0x3, v18;
	v28 =	vld.idx.msk [tilespmem:v18+s19+$0x0], $0xffff  }
0x21d: {  	s22 =	sadd.s32 $0x3, s23;
	v18 =	vadd.s32 $0x4, v18;
	v26 =	vld.idx.msk [tilespmem:v26+s20+$0x0], $0xffff  }
0x21e: {  	v29 =	vadd.s32 s22, v4;
	v25 =	vld.idx.msk [tilespmem:v25+s20+$0x0], $0xffff  }
0x21f: {  	v30 =	vadd.s32 $0x4, v6;
	v27 =	vld.idx.msk [tilespmem:v27+s20+$0x0], $0xffff  }
0x220: {  	v21 =	vld.idx.msk [tilespmem:v21+s19+$0x0], $0xffff  }
0x221: {  	v20 =	vld.idx.msk [tilespmem:v20+s19+$0x0], $0xffff  }
0x222: {  	v10 =	vadd.f32 v12, v10;
	v12 =	vld.idx.msk [tilespmem:v18+s19+$0x0], $0xffff  }
0x223: {  	v18 =	vmul.u32 $0x5, v26;
	v26 =	vld.idx.msk [tilespmem:v29+s20+$0x0], $0xffff;
	v29 =	vadd.s32 $0x1, v6  }
0x224: {  	v11 =	vadd.f32 v14, v11;
	v10 =	vadd.f32 v16, v10;
	v14 =	vld.idx.msk [tilespmem:v30+s19+$0x0], $0xffff  }
0x225: {  	v15 =	vadd.f32 v8, v15;
	v16 =	vadd.s32 $0x1, v18;
	v30 =	vadd.f32 v7, v13;
	v31 =	vld.idx.msk [tilespmem:v9+s19+$0x0], $0xffff  }
0x226: {  	v32 =	vadd.s32 $0x2, v18;
	v7 =	vadd.f32 v22, v11;
	v8 =	vadd.f32 v21, v10;
	v33 =	vld.idx.msk [tilespmem:v5+s19+$0x0], $0xffff  }
0x227: {  	v22 =	vadd.s32 $0x3, v18;
	v5 =	vmul.u32 $0x5, v25;
	v11 =	vadd.f32 v20, v17;
	v13 =	vld.idx.msk [tilespmem:v6+s19+$0x0], $0xffff  }
0x228: {  	v20 =	vadd.s32 $0x4, v18;
	v12 =	vadd.f32 v12, v7;
	v10 =	vadd.f32 v19, v8;
	v29 =	vld.idx.msk [tilespmem:v29+s19+$0x0], $0xffff  }
0x229: {  	v9 =	vadd.s32 $0x1, v5;
	v25 =	vadd.s32 $0x3, v5;
	v6 =	vmul.u32 $0x5, v26;
	v7 =	vld.idx.msk [tilespmem:v18+s19+$0x0], $0xffff  }
0x22a: {  	v17 =	vadd.f32 v24, v11;
	v11 =	vadd.f32 v14, v12;
	v8 =	vld.idx.msk [tilespmem:v16+s19+$0x0], $0xffff;
	v16 =	vadd.s32 $0x2, v5  }
.Ltmp7:
0x22b: {  	v21 =	vadd.s32 $0x2, v6;
	v24 =	vadd.s32 $0x3, v6;
	v15 =	vadd.f32 v31, v15;
	v12 =	vld.idx.msk [tilespmem:v32+s19+$0x0], $0xffff;
	(pc) =	sbr.rel @p0 .LBB2_14-.Ltmp7, $4  }
0x22c: {  	v18 =	vmul.u32 $0x5, v27;
	v26 =	vadd.f32 v33, v30;
	v19 =	vld.idx.msk [tilespmem:v22+s19+$0x0], $0xffff;
	v22 =	vadd.s32 $0x4, v5  }
0x22d: {  	v15 =	vadd.f32 v23, v15;
	v14 =	vld.idx.msk [tilespmem:v20+s19+$0x0], $0xffff  }
0x22e: {  	v23 =	vadd.s32 $0x1, v18;
	v20 =	vld.idx.msk [tilespmem:v25+s19+$0x0], $0xffff;
	v25 =	vadd.f32 v28, v26  }
0x22f: {  	v15 =	vadd.f32 v29, v15;
	v16 =	vld.idx.msk [tilespmem:v16+s19+$0x0], $0xffff  }
0x230: {  	_ =	sdelay $0x3  }
0x231: {  	v24 =	vld.idx.msk [tilespmem:v24+s19+$0x0], $0xffff  }
0x232: {  	v22 =	vld.idx.msk [tilespmem:v22+s19+$0x0], $0xffff  }
0x233: {  	v4 =	vadd.s32 $0x2, v18;
	v21 =	vld.idx.msk [tilespmem:v21+s19+$0x0], $0xffff  }
0x234: {  	v26 =	vadd.s32 $0x3, v18;
	v23 =	vld.idx.msk [tilespmem:v23+s19+$0x0], $0xffff  }
0x235: {  	v27 =	vld.idx.msk [tilespmem:v18+s19+$0x0], $0xffff;
	v58 =	vadd.s32 $0x4, v18  }
0x236: {  	v9 =	vld.idx.msk [tilespmem:v9+s19+$0x0], $0xffff  }
0x237: {  	v28 =	vadd.s32 $0x4, v6;
	v5 =	vld.idx.msk [tilespmem:v5+s19+$0x0], $0xffff  }
0x238: {  	v59 =	vadd.s32 $0x1, v6;
	v13 =	vadd.f32 v13, v25;
	v4 =	vld.idx.msk [tilespmem:v4+s19+$0x0], $0xffff  }
0x239: {  	v10 =	vadd.f32 v12, v10;
	v17 =	vadd.f32 v19, v17;
	v26 =	vld.idx.msk [tilespmem:v26+s19+$0x0], $0xffff  }
0x23a: {  	v8 =	vadd.f32 v8, v15;
	v11 =	vadd.f32 v14, v11;
	v61 =	vld.idx.msk [tilespmem:v58+s19+$0x0], $0xffff  }
0x23b: {  	v63 =	vld.idx.msk [tilespmem:v6+s19+$0x0], $0xffff;
	v7 =	vadd.f32 v7, v13;
	v10 =	vadd.f32 v16, v10  }
0x23c: {  	v60 =	vadd.f32 v20, v17;
	v62 =	vld.idx.msk [tilespmem:v28+s19+$0x0], $0xffff;
	v8 =	vadd.f32 v9, v8  }
0x23d: {  	v11 =	vadd.f32 v22, v11;
	v4 =	vadd.f32 v4, v10;
	v10 =	vld.idx.msk [tilespmem:v59+s19+$0x0], $0xffff  }
0x23e: {  	v5 =	vadd.f32 v5, v7;
	v8 =	vadd.f32 v23, v8  }
0x23f: {  	v9 =	vlaneseq.u32;
	v6 =	vadd.f32 v26, v60;
	v7 =	vadd.f32 v61, v11  }
0x240: {  	v9 =	vmul.u32 $0x32, v9;
	v11 =	vadd.f32 v27, v5;
	v4 =	vadd.f32 v21, v4  }
0x241: {  	v6 =	vadd.f32 v24, v6;
	v5 =	vadd.f32 v62, v7  }
0x242: {  	s20 =	simm.s32 $0x0;
	s21 =	simm.s32 $0x1880;
	v9 =	vadd.s32 $0x960, v9;
	s19 =	simm.s32 $0x30;
	v7 =	vadd.f32 v10, v8;
	v8 =	vadd.f32 v63, v11  }
.LBB2_16:
0x243: {  	v10 =	vadd.s32 s19, v9;
	_ =	sdelay $0x4  }
0x244: {  	v10 =	vld.idx.msk [tilespmem:v10+s20+$0x0], $0xffff;
	_ =	sdelay $0x4  }
0x245: {  	v10 =	vmul.u32 $0x5, v10;
	_ =	sdelay $0x1  }
0x246: {  	v11 =	vadd.s32 $0x1, v10  }
0x247: {  	v12 =	vadd.s32 $0x2, v10  }
0x248: {  	v13 =	vadd.s32 $0x3, v10  }
0x249: {  	v14 =	vadd.s32 $0x4, v10  }
0x24a: {  	v10 =	vld.idx.msk [tilespmem:v10+s21+$0x0], $0xffff  }
0x24b: {  	v11 =	vld.idx.msk [tilespmem:v11+s21+$0x0], $0xffff  }
0x24c: {  	v12 =	vld.idx.msk [tilespmem:v12+s21+$0x0], $0xffff  }
0x24d: {  	v13 =	vld.idx.msk [tilespmem:v13+s21+$0x0], $0xffff  }
0x24e: {  	p0 =	sne.s32 s19, $0x31;
	v14 =	vld.idx.msk [tilespmem:v14+s21+$0x0], $0xffff  }
.Ltmp8:
0x24f: {  	_ = 	snop;
	(pc) =	sbr.rel @p0 .LBB2_16-.Ltmp8, $4  }
0x250: {  	_ = 	snop  }
0x251: {  	v8 =	vadd.f32 v10, v8  }
0x252: {  	v7 =	vadd.f32 v11, v7;
	v4 =	vadd.f32 v12, v4  }
0x253: {  	s19 =	sadd.s32 $0x1, s19;
	v6 =	vadd.f32 v13, v6;
	v5 =	vadd.f32 v14, v5  }
0x254: {  	_ =	sdelay $0x2  }
0x255: {  	s19 =	simm.s32 $0x1300  }
0x256: {  	v3 =	vld.idx.msk [tilespmem:v3+s19+$0x0], $0xffff;
	_ =	sdelay $0x4  }
0x257: {  	v3 =	vcvt.s32.f32 v3;
	_ =	sdelay $0x1  }
0x258: {  	v9 =	vand.u32 $0x7FFFFF, v3  }
0x259: {  	v9 =	vor.u32 $0x3F800000, v9  }
0x25a: {  	v10 =	vmul.f32 $5.000000000e-01, v9  }
0x25b: {  	vm0 =	vgt.f32 v9, $1.414213540e+00  }
0x25c: {  	v9 =	vsel vm0, v10, v9  }
0x25d: {  	v10 =	vadd.f32 $1.000000000e+00, v9;
	_ =	sdelay $0x1  }
0x25e: {  	(erf) = vrcp.f32 v10;
	_ =	sdelay $0x7  }
0x25f: {  	v9 =	vadd.f32 $-1.000000000e+00, v9  }
0x260: {  	v10 =	vpop (erf)  }
0x261: {  	v9 =	vmul.f32 v10, v9;
	_ =	sdelay $0x1  }
0x262: {  	v10 =	vmul.f32 v9, v9;
	_ =	sdelay $0x1  }
0x263: {  	v11 =	vmul.f32 $2.222222240e-01, v10;
	_ =	sdelay $0x1  }
0x264: {  	v11 =	vadd.f32 $2.857142980e-01, v11;
	_ =	sdelay $0x1  }
0x265: {  	v11 =	vmul.f32 v11, v10;
	_ =	sdelay $0x1  }
0x266: {  	v11 =	vadd.f32 $4.000000060e-01, v11;
	_ =	sdelay $0x1  }
0x267: {  	v11 =	vmul.f32 v11, v10;
	_ =	sdelay $0x1  }
0x268: {  	v12 =	vimm.s32 $0x0;
	v11 =	vadd.f32 $6.666666860e-01, v11  }
0x269: {  	v3 =	vshrl.u32 v3, $0x17;
	v12 =	vsel vm0, $0x1, v12  }
0x26a: {  	v3 =	vadd.s32 v12, v3;
	v10 =	vmul.f32 v11, v10  }
0x26b: {  	v3 =	vadd.s32 $0xFFFFFF81, v3  }
0x26c: {  	v3 =	vcvt.s32.f32 v3;
	v10 =	vadd.f32 $2.000000000e+00, v10;
	_ =	sdelay $0x1  }
0x26d: {  	v3 =	vmul.f32 $6.931471820e-01, v3;
	v9 =	vmul.f32 v10, v9;
	_ =	sdelay $0x1  }
0x26e: {  	v3 =	vadd.f32 v9, v3;
	_ =	sdelay $0x1  }
0x26f: {  	v3 =	vmul.f32 $-5.000000000e-01, v3;
	_ =	sdelay $0x1  }
0x270: {  	v3 =	vmul.f32 $1.442695020e+00, v3;
	_ =	sdelay $0x1  }
0x271: {  	(erf) = vpow2.f32 v3;
	_ =	sdelay $0x3  }
0x272: {  	v3 =	vlaneseq.u32  }
0x273: {  	v9 =	vmul.u32 $0x5, v3;
	_ =	sdelay $0x1  }
0x274: {  	v10 =	vadd.s32 $0xF0, v9  }
0x275: {  	v11 =	vadd.s32 $0xF1, v9  }
0x276: {  	v3 =	vmul.u32 $0x32, v3;
	v13 =	vadd.s32 $0xF2, v9;
	v12 =	vpop (erf)  }
0x277: {  	v14 =	vadd.s32 $0xF3, v9;
	v8 =	vmul.f32 v12, v8  }
0x278: {  	s24 =	simm.s32 $0x1DC80;
	s20 =	simm.s32 $0x0;
	v9 =	vadd.s32 $0xF4, v9;
	v3 =	vadd.s32 $0xC80, v3;
	v7 =	vmul.f32 v12, v7  }
0x279: {  	v4 =	vmul.f32 v12, v4;
	[tilespmem:v10+s24+$0x0] =	vst.idx.msk $0xffff, v8;
	v8 =	vadd.s32 s20, v3  }
0x27a: {  	v6 =	vmul.f32 v12, v6;
	[tilespmem:v11+s24+$0x0] =	vst.idx.msk $0xffff, v7  }
0x27b: {  	[tilespmem:v13+s24+$0x0] =	vst.idx.msk $0xffff, v4;
	v4 =	vmul.f32 v12, v5  }
0x27c: {  	s28 =	simm.s32 $0x4;
	[tilespmem:v14+s24+$0x0] =	vst.idx.msk $0xffff, v6  }
0x27d: {  	s26 =	simm.s32 $0x2;
	v18 =	vadd.s32 s28, v3;
	[tilespmem:v9+s24+$0x0] =	vst.idx.msk $0xffff, v4  }
0x27e: {  	s29 =	simm.s32 $0x5;
	v7 =	vadd.s32 s26, v3;
	v5 =	vld.idx.msk [tilespmem:v8+s20+$0x0], $0xffff  }
0x27f: {  	s25 =	simm.s32 $0x3;
	v19 =	vadd.s32 s29, v3  }
0x280: {  	s30 =	simm.s32 $0x6;
	v6 =	vadd.s32 s25, v3  }
0x281: {  	s31 =	simm.s32 $0x7;
	v20 =	vadd.s32 s30, v3  }
0x282: {  	s21 =	simm.s32 $0x1;
	v23 =	vadd.s32 s31, v3;
	v18 =	vld.idx.msk [tilespmem:v18+s20+$0x0], $0xffff  }
0x283: {  	v4 =	vadd.s32 s21, v3;
	v7 =	vld.idx.msk [tilespmem:v7+s20+$0x0], $0xffff;
	v5 =	vmul.u32 $0x5, v5  }
0x284: {  	v19 =	vld.idx.msk [tilespmem:v19+s20+$0x0], $0xffff  }
0x285: {  	v6 =	vld.idx.msk [tilespmem:v6+s20+$0x0], $0xffff;
	v8 =	vadd.s32 $0x1, v5  }
0x286: {  	v20 =	vld.idx.msk [tilespmem:v20+s20+$0x0], $0xffff;
	v9 =	vadd.s32 $0x2, v5  }
0x287: {  	v23 =	vld.idx.msk [tilespmem:v23+s20+$0x0], $0xffff;
	v10 =	vadd.s32 $0x3, v5  }
0x288: {  	s19 =	simm.s32 $0x1880;
	v4 =	vld.idx.msk [tilespmem:v4+s20+$0x0], $0xffff;
	v7 =	vmul.u32 $0x5, v7;
	v11 =	vadd.s32 $0x4, v5  }
0x289: {  	v5 =	vld.idx.msk [tilespmem:v5+s19+$0x0], $0xffff  }
0x28a: {  	v6 =	vmul.u32 $0x5, v6;
	v17 =	vadd.s32 $0x1, v7;
	v8 =	vld.idx.msk [tilespmem:v8+s19+$0x0], $0xffff  }
0x28b: {  	v22 =	vadd.s32 $0x3, v7;
	v9 =	vld.idx.msk [tilespmem:v9+s19+$0x0], $0xffff  }
0x28c: {  	v14 =	vadd.s32 $0x3, v6;
	v10 =	vld.idx.msk [tilespmem:v10+s19+$0x0], $0xffff  }
0x28d: {  	v4 =	vmul.u32 $0x5, v4;
	v16 =	vadd.s32 $0x2, v6;
	v11 =	vld.idx.msk [tilespmem:v11+s19+$0x0], $0xffff  }
0x28e: {  	v24 =	vld.idx.msk [tilespmem:v7+s19+$0x0], $0xffff  }
0x28f: {  	v12 =	vadd.s32 $0x3, v4;
	v21 =	vld.idx.msk [tilespmem:v17+s19+$0x0], $0xffff  }
0x290: {  	v13 =	vadd.s32 $0x2, v4;
	v22 =	vld.idx.msk [tilespmem:v22+s19+$0x0], $0xffff  }
0x291: {  	v15 =	vadd.s32 $0x4, v4;
	v14 =	vld.idx.msk [tilespmem:v14+s19+$0x0], $0xffff  }
0x292: {  	v26 =	vadd.s32 $0x1, v4;
	v16 =	vld.idx.msk [tilespmem:v16+s19+$0x0], $0xffff  }
0x293: {  	v17 =	vadd.s32 $0x2, v7;
	v31 =	vld.idx.msk [tilespmem:v4+s19+$0x0], $0xffff  }
0x294: {  	v7 =	vadd.s32 $0x4, v7;
	v12 =	vld.idx.msk [tilespmem:v12+s19+$0x0], $0xffff  }
0x295: {  	v25 =	vadd.s32 $0x4, v6;
	v13 =	vld.idx.msk [tilespmem:v13+s19+$0x0], $0xffff  }
0x296: {  	v28 =	vadd.s32 $0x1, v6;
	v15 =	vld.idx.msk [tilespmem:v15+s19+$0x0], $0xffff  }
0x297: {  	v27 =	vimm.f32 $0.0e+00;
	v18 =	vmul.u32 $0x5, v18;
	v26 =	vld.idx.msk [tilespmem:v26+s19+$0x0], $0xffff  }
0x298: {  	v4 =	vmul.u32 $0x5, v19;
	v19 =	vadd.f32 v5, v27;
	v17 =	vld.idx.msk [tilespmem:v17+s19+$0x0], $0xffff  }
0x299: {  	v30 =	vadd.s32 $0x2, v18;
	v10 =	vadd.f32 v10, v27;
	v9 =	vadd.f32 v9, v27;
	v7 =	vld.idx.msk [tilespmem:v7+s19+$0x0], $0xffff  }
0x29a: {  	v29 =	vadd.s32 $0x1, v18;
	v25 =	vld.idx.msk [tilespmem:v25+s19+$0x0], $0xffff;
	v11 =	vadd.f32 v11, v27;
	v27 =	vadd.f32 v8, v27  }
0x29b: {  	v28 =	vld.idx.msk [tilespmem:v28+s19+$0x0], $0xffff;
	v32 =	vadd.s32 $0x3, v4;
	v10 =	vadd.f32 v12, v10;
	v9 =	vadd.f32 v13, v9  }
0x29c: {  	v63 =	vadd.s32 $0x2, v4;
	v13 =	vadd.s32 $0x3, v18;
	v12 =	vld.idx.msk [tilespmem:v6+s19+$0x0], $0xffff;
	v5 =	vadd.f32 v15, v11  }
0x29d: {  	v15 =	vadd.s32 $0x4, v18;
	v6 =	vld.idx.msk [tilespmem:v18+s19+$0x0], $0xffff;
	v8 =	vadd.f32 v17, v9;
	v10 =	vadd.f32 v22, v10  }
0x29e: {  	v11 =	vld.idx.msk [tilespmem:v30+s19+$0x0], $0xffff;
	v17 =	vadd.f32 v7, v5;
	v22 =	vadd.f32 v26, v27;
	v5 =	vmul.u32 $0x5, v23  }
0x29f: {  	v7 =	vld.idx.msk [tilespmem:v29+s19+$0x0], $0xffff;
	v9 =	vadd.f32 v16, v8;
	v16 =	vadd.f32 v14, v10  }
0x2a0: {  	v10 =	vadd.f32 v25, v17;
	v14 =	vadd.f32 v31, v19;
	v23 =	vadd.s32 $0x3, v5;
	v19 =	vld.idx.msk [tilespmem:v32+s19+$0x0], $0xffff  }
0x2a1: {  	v17 =	vmul.u32 $0x5, v20;
	v25 =	vadd.f32 v21, v22;
	v21 =	vadd.s32 $0x4, v4;
	v18 =	vld.idx.msk [tilespmem:v13+s19+$0x0], $0xffff  }
0x2a2: {  	v8 =	vadd.s32 $0x1, v4;
	v20 =	vadd.s32 $0x2, v5;
	v13 =	vld.idx.msk [tilespmem:v15+s19+$0x0], $0xffff  }
0x2a3: {  	s21 =	simm.s32 $0x8;
	v15 =	vld.idx.msk [tilespmem:v63+s19+$0x0], $0xffff;
	v22 =	vadd.s32 $0x1, v17;
	v24 =	vadd.f32 v24, v14;
	v14 =	vadd.f32 v28, v25  }
.LBB2_18:
0x2a4: {  	s22 =	sadd.s32 $0x1, s21  }
0x2a5: {  	v25 =	vadd.s32 s21, v3;
	p0 =	slt.u32 s21, $0x2C;
	v23 =	vld.idx.msk [tilespmem:v23+s19+$0x0], $0xffff;
	v12 =	vadd.f32 v12, v24;
	s23 =	smov.u32 s21;
	s21 =	sadd.s32 $0x4, s21  }
0x2a6: {  	v24 =	vadd.s32 s22, v3;
	s22 =	sadd.s32 $0x2, s23;
	v21 =	vld.idx.msk [tilespmem:v21+s19+$0x0], $0xffff  }
0x2a7: {  	v16 =	vadd.f32 v18, v16;
	v26 =	vadd.s32 s22, v3;
	v18 =	vld.idx.msk [tilespmem:v20+s19+$0x0], $0xffff  }
0x2a8: {  	v20 =	vadd.s32 $0x2, v17;
	v22 =	vld.idx.msk [tilespmem:v22+s19+$0x0], $0xffff  }
0x2a9: {  	v16 =	vadd.f32 v19, v16;
	v19 =	vadd.s32 $0x3, v17;
	v27 =	vld.idx.msk [tilespmem:v17+s19+$0x0], $0xffff  }
0x2aa: {  	s22 =	sadd.s32 $0x3, s23;
	v17 =	vadd.s32 $0x4, v17;
	v25 =	vld.idx.msk [tilespmem:v25+s20+$0x0], $0xffff  }
0x2ab: {  	v28 =	vadd.s32 s22, v3;
	v24 =	vld.idx.msk [tilespmem:v24+s20+$0x0], $0xffff  }
0x2ac: {  	v29 =	vadd.s32 $0x4, v5;
	v26 =	vld.idx.msk [tilespmem:v26+s20+$0x0], $0xffff  }
0x2ad: {  	v20 =	vld.idx.msk [tilespmem:v20+s19+$0x0], $0xffff  }
0x2ae: {  	v19 =	vld.idx.msk [tilespmem:v19+s19+$0x0], $0xffff  }
0x2af: {  	v9 =	vadd.f32 v11, v9;
	v11 =	vld.idx.msk [tilespmem:v17+s19+$0x0], $0xffff  }
0x2b0: {  	v17 =	vmul.u32 $0x5, v25;
	v25 =	vld.idx.msk [tilespmem:v28+s20+$0x0], $0xffff;
	v28 =	vadd.s32 $0x1, v5  }
0x2b1: {  	v10 =	vadd.f32 v13, v10;
	v9 =	vadd.f32 v15, v9;
	v13 =	vld.idx.msk [tilespmem:v29+s19+$0x0], $0xffff  }
0x2b2: {  	v14 =	vadd.f32 v7, v14;
	v15 =	vadd.s32 $0x1, v17;
	v29 =	vadd.f32 v6, v12;
	v30 =	vld.idx.msk [tilespmem:v8+s19+$0x0], $0xffff  }
0x2b3: {  	v31 =	vadd.s32 $0x2, v17;
	v6 =	vadd.f32 v21, v10;
	v7 =	vadd.f32 v20, v9;
	v32 =	vld.idx.msk [tilespmem:v4+s19+$0x0], $0xffff  }
0x2b4: {  	v21 =	vadd.s32 $0x3, v17;
	v4 =	vmul.u32 $0x5, v24;
	v10 =	vadd.f32 v19, v16;
	v12 =	vld.idx.msk [tilespmem:v5+s19+$0x0], $0xffff  }
0x2b5: {  	v19 =	vadd.s32 $0x4, v17;
	v11 =	vadd.f32 v11, v6;
	v9 =	vadd.f32 v18, v7;
	v28 =	vld.idx.msk [tilespmem:v28+s19+$0x0], $0xffff  }
0x2b6: {  	v8 =	vadd.s32 $0x1, v4;
	v24 =	vadd.s32 $0x3, v4;
	v5 =	vmul.u32 $0x5, v25;
	v6 =	vld.idx.msk [tilespmem:v17+s19+$0x0], $0xffff  }
0x2b7: {  	v16 =	vadd.f32 v23, v10;
	v10 =	vadd.f32 v13, v11;
	v7 =	vld.idx.msk [tilespmem:v15+s19+$0x0], $0xffff;
	v15 =	vadd.s32 $0x2, v4  }
.Ltmp9:
0x2b8: {  	v20 =	vadd.s32 $0x2, v5;
	v23 =	vadd.s32 $0x3, v5;
	v14 =	vadd.f32 v30, v14;
	v11 =	vld.idx.msk [tilespmem:v31+s19+$0x0], $0xffff;
	(pc) =	sbr.rel @p0 .LBB2_18-.Ltmp9, $4  }
0x2b9: {  	v17 =	vmul.u32 $0x5, v26;
	v25 =	vadd.f32 v32, v29;
	v18 =	vld.idx.msk [tilespmem:v21+s19+$0x0], $0xffff;
	v21 =	vadd.s32 $0x4, v4  }
0x2ba: {  	v14 =	vadd.f32 v22, v14;
	v13 =	vld.idx.msk [tilespmem:v19+s19+$0x0], $0xffff  }
0x2bb: {  	v22 =	vadd.s32 $0x1, v17;
	v19 =	vld.idx.msk [tilespmem:v24+s19+$0x0], $0xffff;
	v24 =	vadd.f32 v27, v25  }
0x2bc: {  	v14 =	vadd.f32 v28, v14;
	v15 =	vld.idx.msk [tilespmem:v15+s19+$0x0], $0xffff  }
0x2bd: {  	_ =	sdelay $0x3  }
0x2be: {  	v23 =	vld.idx.msk [tilespmem:v23+s19+$0x0], $0xffff  }
0x2bf: {  	v21 =	vld.idx.msk [tilespmem:v21+s19+$0x0], $0xffff  }
0x2c0: {  	v3 =	vadd.s32 $0x2, v17;
	v20 =	vld.idx.msk [tilespmem:v20+s19+$0x0], $0xffff  }
0x2c1: {  	v25 =	vadd.s32 $0x3, v17;
	v22 =	vld.idx.msk [tilespmem:v22+s19+$0x0], $0xffff  }
0x2c2: {  	v26 =	vld.idx.msk [tilespmem:v17+s19+$0x0], $0xffff;
	v59 =	vadd.s32 $0x4, v17  }
0x2c3: {  	v8 =	vld.idx.msk [tilespmem:v8+s19+$0x0], $0xffff  }
0x2c4: {  	v27 =	vadd.s32 $0x4, v5;
	v4 =	vld.idx.msk [tilespmem:v4+s19+$0x0], $0xffff  }
0x2c5: {  	v60 =	vadd.s32 $0x1, v5;
	v12 =	vadd.f32 v12, v24;
	v3 =	vld.idx.msk [tilespmem:v3+s19+$0x0], $0xffff  }
0x2c6: {  	v9 =	vadd.f32 v11, v9;
	v16 =	vadd.f32 v18, v16;
	v25 =	vld.idx.msk [tilespmem:v25+s19+$0x0], $0xffff  }
0x2c7: {  	v7 =	vadd.f32 v7, v14;
	v10 =	vadd.f32 v13, v10;
	v61 =	vld.idx.msk [tilespmem:v59+s19+$0x0], $0xffff  }
0x2c8: {  	v63 =	vld.idx.msk [tilespmem:v5+s19+$0x0], $0xffff;
	v6 =	vadd.f32 v6, v12;
	v9 =	vadd.f32 v15, v9  }
0x2c9: {  	v11 =	vadd.f32 v19, v16;
	v62 =	vld.idx.msk [tilespmem:v27+s19+$0x0], $0xffff;
	v7 =	vadd.f32 v8, v7  }
0x2ca: {  	v10 =	vadd.f32 v21, v10;
	v3 =	vadd.f32 v3, v9;
	v9 =	vld.idx.msk [tilespmem:v60+s19+$0x0], $0xffff  }
0x2cb: {  	v4 =	vadd.f32 v4, v6;
	v7 =	vadd.f32 v22, v7  }
0x2cc: {  	v8 =	vlaneseq.u32;
	v5 =	vadd.f32 v25, v11;
	v6 =	vadd.f32 v61, v10  }
0x2cd: {  	v8 =	vmul.u32 $0x32, v8;
	v10 =	vadd.f32 v26, v4;
	v3 =	vadd.f32 v20, v3  }
0x2ce: {  	v5 =	vadd.f32 v23, v5;
	v4 =	vadd.f32 v62, v6  }
0x2cf: {  	s20 =	simm.s32 $0x0;
	s21 =	simm.s32 $0x1880;
	v8 =	vadd.s32 $0xC80, v8;
	s19 =	simm.s32 $0x30;
	v6 =	vadd.f32 v9, v7;
	v7 =	vadd.f32 v63, v10  }
.LBB2_20:
0x2d0: {  	v9 =	vadd.s32 s19, v8;
	_ =	sdelay $0x4  }
0x2d1: {  	v9 =	vld.idx.msk [tilespmem:v9+s20+$0x0], $0xffff;
	_ =	sdelay $0x4  }
0x2d2: {  	v9 =	vmul.u32 $0x5, v9;
	_ =	sdelay $0x1  }
0x2d3: {  	v10 =	vadd.s32 $0x1, v9  }
0x2d4: {  	v11 =	vadd.s32 $0x2, v9  }
0x2d5: {  	v12 =	vadd.s32 $0x3, v9  }
0x2d6: {  	v13 =	vadd.s32 $0x4, v9  }
0x2d7: {  	v9 =	vld.idx.msk [tilespmem:v9+s21+$0x0], $0xffff  }
0x2d8: {  	v10 =	vld.idx.msk [tilespmem:v10+s21+$0x0], $0xffff  }
0x2d9: {  	v11 =	vld.idx.msk [tilespmem:v11+s21+$0x0], $0xffff  }
0x2da: {  	v12 =	vld.idx.msk [tilespmem:v12+s21+$0x0], $0xffff  }
0x2db: {  	p0 =	sne.s32 s19, $0x31;
	v13 =	vld.idx.msk [tilespmem:v13+s21+$0x0], $0xffff  }
.Ltmp10:
0x2dc: {  	_ = 	snop;
	(pc) =	sbr.rel @p0 .LBB2_20-.Ltmp10, $4  }
0x2dd: {  	_ = 	snop  }
0x2de: {  	v7 =	vadd.f32 v9, v7  }
0x2df: {  	v6 =	vadd.f32 v10, v6;
	v3 =	vadd.f32 v11, v3  }
0x2e0: {  	s19 =	sadd.s32 $0x1, s19;
	v5 =	vadd.f32 v12, v5;
	v4 =	vadd.f32 v13, v4  }
0x2e1: {  	_ =	sdelay $0x2  }
0x2e2: {  	s19 =	simm.s32 $0x1300  }
0x2e3: {  	v2 =	vld.idx.msk [tilespmem:v2+s19+$0x0], $0xffff;
	_ =	sdelay $0x4  }
0x2e4: {  	v2 =	vcvt.s32.f32 v2;
	_ =	sdelay $0x1  }
0x2e5: {  	v8 =	vand.u32 $0x7FFFFF, v2  }
0x2e6: {  	v8 =	vor.u32 $0x3F800000, v8  }
0x2e7: {  	v9 =	vmul.f32 $5.000000000e-01, v8  }
0x2e8: {  	vm0 =	vgt.f32 v8, $1.414213540e+00  }
0x2e9: {  	v8 =	vsel vm0, v9, v8  }
0x2ea: {  	v9 =	vadd.f32 $1.000000000e+00, v8;
	_ =	sdelay $0x1  }
0x2eb: {  	(erf) = vrcp.f32 v9;
	_ =	sdelay $0x7  }
0x2ec: {  	v8 =	vadd.f32 $-1.000000000e+00, v8  }
0x2ed: {  	v9 =	vpop (erf)  }
0x2ee: {  	v8 =	vmul.f32 v9, v8;
	_ =	sdelay $0x1  }
0x2ef: {  	v9 =	vmul.f32 v8, v8;
	_ =	sdelay $0x1  }
0x2f0: {  	v10 =	vmul.f32 $2.222222240e-01, v9;
	_ =	sdelay $0x1  }
0x2f1: {  	v10 =	vadd.f32 $2.857142980e-01, v10;
	_ =	sdelay $0x1  }
0x2f2: {  	v10 =	vmul.f32 v10, v9;
	_ =	sdelay $0x1  }
0x2f3: {  	v10 =	vadd.f32 $4.000000060e-01, v10;
	_ =	sdelay $0x1  }
0x2f4: {  	v10 =	vmul.f32 v10, v9;
	_ =	sdelay $0x1  }
0x2f5: {  	v11 =	vimm.s32 $0x0;
	v10 =	vadd.f32 $6.666666860e-01, v10  }
0x2f6: {  	v2 =	vshrl.u32 v2, $0x17;
	v11 =	vsel vm0, $0x1, v11  }
0x2f7: {  	v2 =	vadd.s32 v11, v2;
	v9 =	vmul.f32 v10, v9  }
0x2f8: {  	v2 =	vadd.s32 $0xFFFFFF81, v2  }
0x2f9: {  	v2 =	vcvt.s32.f32 v2;
	v9 =	vadd.f32 $2.000000000e+00, v9;
	_ =	sdelay $0x1  }
0x2fa: {  	v2 =	vmul.f32 $6.931471820e-01, v2;
	v8 =	vmul.f32 v9, v8;
	_ =	sdelay $0x1  }
0x2fb: {  	v2 =	vadd.f32 v8, v2;
	_ =	sdelay $0x1  }
0x2fc: {  	v2 =	vmul.f32 $-5.000000000e-01, v2;
	_ =	sdelay $0x1  }
0x2fd: {  	v2 =	vmul.f32 $1.442695020e+00, v2;
	_ =	sdelay $0x1  }
0x2fe: {  	(erf) = vpow2.f32 v2;
	_ =	sdelay $0x3  }
0x2ff: {  	v2 =	vlaneseq.u32  }
0x300: {  	v8 =	vmul.u32 $0x5, v2;
	_ =	sdelay $0x1  }
0x301: {  	v9 =	vadd.s32 $0x140, v8  }
0x302: {  	v10 =	vadd.s32 $0x141, v8  }
0x303: {  	v2 =	vmul.u32 $0x32, v2;
	v12 =	vadd.s32 $0x142, v8;
	v11 =	vpop (erf)  }
0x304: {  	v13 =	vadd.s32 $0x143, v8;
	v7 =	vmul.f32 v11, v7  }
0x305: {  	s24 =	simm.s32 $0x1DC80;
	s20 =	simm.s32 $0x0;
	v8 =	vadd.s32 $0x144, v8;
	v2 =	vadd.s32 $0xFA0, v2;
	v6 =	vmul.f32 v11, v6  }
0x306: {  	v3 =	vmul.f32 v11, v3;
	[tilespmem:v9+s24+$0x0] =	vst.idx.msk $0xffff, v7;
	v7 =	vadd.s32 s20, v2  }
0x307: {  	v5 =	vmul.f32 v11, v5;
	[tilespmem:v10+s24+$0x0] =	vst.idx.msk $0xffff, v6  }
0x308: {  	[tilespmem:v12+s24+$0x0] =	vst.idx.msk $0xffff, v3;
	v3 =	vmul.f32 v11, v4  }
0x309: {  	s28 =	simm.s32 $0x4;
	[tilespmem:v13+s24+$0x0] =	vst.idx.msk $0xffff, v5  }
0x30a: {  	s26 =	simm.s32 $0x2;
	v17 =	vadd.s32 s28, v2;
	[tilespmem:v8+s24+$0x0] =	vst.idx.msk $0xffff, v3  }
0x30b: {  	s29 =	simm.s32 $0x5;
	v6 =	vadd.s32 s26, v2;
	v4 =	vld.idx.msk [tilespmem:v7+s20+$0x0], $0xffff  }
0x30c: {  	s25 =	simm.s32 $0x3;
	v18 =	vadd.s32 s29, v2  }
0x30d: {  	s30 =	simm.s32 $0x6;
	v5 =	vadd.s32 s25, v2  }
0x30e: {  	s31 =	simm.s32 $0x7;
	v19 =	vadd.s32 s30, v2  }
0x30f: {  	s21 =	simm.s32 $0x1;
	v22 =	vadd.s32 s31, v2;
	v17 =	vld.idx.msk [tilespmem:v17+s20+$0x0], $0xffff  }
0x310: {  	v3 =	vadd.s32 s21, v2;
	v6 =	vld.idx.msk [tilespmem:v6+s20+$0x0], $0xffff;
	v4 =	vmul.u32 $0x5, v4  }
0x311: {  	v18 =	vld.idx.msk [tilespmem:v18+s20+$0x0], $0xffff  }
0x312: {  	v5 =	vld.idx.msk [tilespmem:v5+s20+$0x0], $0xffff;
	v7 =	vadd.s32 $0x1, v4  }
0x313: {  	v19 =	vld.idx.msk [tilespmem:v19+s20+$0x0], $0xffff;
	v8 =	vadd.s32 $0x2, v4  }
0x314: {  	v22 =	vld.idx.msk [tilespmem:v22+s20+$0x0], $0xffff;
	v9 =	vadd.s32 $0x3, v4  }
0x315: {  	s19 =	simm.s32 $0x1880;
	v3 =	vld.idx.msk [tilespmem:v3+s20+$0x0], $0xffff;
	v6 =	vmul.u32 $0x5, v6;
	v10 =	vadd.s32 $0x4, v4  }
0x316: {  	v4 =	vld.idx.msk [tilespmem:v4+s19+$0x0], $0xffff  }
0x317: {  	v5 =	vmul.u32 $0x5, v5;
	v16 =	vadd.s32 $0x1, v6;
	v7 =	vld.idx.msk [tilespmem:v7+s19+$0x0], $0xffff  }
0x318: {  	v21 =	vadd.s32 $0x3, v6;
	v8 =	vld.idx.msk [tilespmem:v8+s19+$0x0], $0xffff  }
0x319: {  	v13 =	vadd.s32 $0x3, v5;
	v9 =	vld.idx.msk [tilespmem:v9+s19+$0x0], $0xffff  }
0x31a: {  	v3 =	vmul.u32 $0x5, v3;
	v15 =	vadd.s32 $0x2, v5;
	v10 =	vld.idx.msk [tilespmem:v10+s19+$0x0], $0xffff  }
0x31b: {  	v23 =	vld.idx.msk [tilespmem:v6+s19+$0x0], $0xffff  }
0x31c: {  	v11 =	vadd.s32 $0x3, v3;
	v20 =	vld.idx.msk [tilespmem:v16+s19+$0x0], $0xffff  }
0x31d: {  	v12 =	vadd.s32 $0x2, v3;
	v21 =	vld.idx.msk [tilespmem:v21+s19+$0x0], $0xffff  }
0x31e: {  	v14 =	vadd.s32 $0x4, v3;
	v13 =	vld.idx.msk [tilespmem:v13+s19+$0x0], $0xffff  }
0x31f: {  	v25 =	vadd.s32 $0x1, v3;
	v15 =	vld.idx.msk [tilespmem:v15+s19+$0x0], $0xffff  }
0x320: {  	v16 =	vadd.s32 $0x2, v6;
	v30 =	vld.idx.msk [tilespmem:v3+s19+$0x0], $0xffff  }
0x321: {  	v6 =	vadd.s32 $0x4, v6;
	v11 =	vld.idx.msk [tilespmem:v11+s19+$0x0], $0xffff  }
0x322: {  	v24 =	vadd.s32 $0x4, v5;
	v12 =	vld.idx.msk [tilespmem:v12+s19+$0x0], $0xffff  }
0x323: {  	v27 =	vadd.s32 $0x1, v5;
	v14 =	vld.idx.msk [tilespmem:v14+s19+$0x0], $0xffff  }
0x324: {  	v26 =	vimm.f32 $0.0e+00;
	v17 =	vmul.u32 $0x5, v17;
	v25 =	vld.idx.msk [tilespmem:v25+s19+$0x0], $0xffff  }
0x325: {  	v3 =	vmul.u32 $0x5, v18;
	v18 =	vadd.f32 v4, v26;
	v16 =	vld.idx.msk [tilespmem:v16+s19+$0x0], $0xffff  }
0x326: {  	v29 =	vadd.s32 $0x2, v17;
	v9 =	vadd.f32 v9, v26;
	v8 =	vadd.f32 v8, v26;
	v6 =	vld.idx.msk [tilespmem:v6+s19+$0x0], $0xffff  }
0x327: {  	v28 =	vadd.s32 $0x1, v17;
	v24 =	vld.idx.msk [tilespmem:v24+s19+$0x0], $0xffff;
	v10 =	vadd.f32 v10, v26;
	v26 =	vadd.f32 v7, v26  }
0x328: {  	v27 =	vld.idx.msk [tilespmem:v27+s19+$0x0], $0xffff;
	v31 =	vadd.s32 $0x3, v3;
	v9 =	vadd.f32 v11, v9;
	v8 =	vadd.f32 v12, v8  }
0x329: {  	v62 =	vadd.s32 $0x2, v3;
	v12 =	vadd.s32 $0x3, v17;
	v11 =	vld.idx.msk [tilespmem:v5+s19+$0x0], $0xffff;
	v4 =	vadd.f32 v14, v10  }
0x32a: {  	v14 =	vadd.s32 $0x4, v17;
	v5 =	vld.idx.msk [tilespmem:v17+s19+$0x0], $0xffff;
	v7 =	vadd.f32 v16, v8;
	v9 =	vadd.f32 v21, v9  }
0x32b: {  	v10 =	vld.idx.msk [tilespmem:v29+s19+$0x0], $0xffff;
	v16 =	vadd.f32 v6, v4;
	v21 =	vadd.f32 v25, v26;
	v4 =	vmul.u32 $0x5, v22  }
0x32c: {  	v6 =	vld.idx.msk [tilespmem:v28+s19+$0x0], $0xffff;
	v8 =	vadd.f32 v15, v7;
	v15 =	vadd.f32 v13, v9  }
0x32d: {  	v9 =	vadd.f32 v24, v16;
	v13 =	vadd.f32 v30, v18;
	v22 =	vadd.s32 $0x3, v4;
	v18 =	vld.idx.msk [tilespmem:v31+s19+$0x0], $0xffff  }
0x32e: {  	v16 =	vmul.u32 $0x5, v19;
	v63 =	vadd.f32 v20, v21;
	v20 =	vadd.s32 $0x4, v3;
	v17 =	vld.idx.msk [tilespmem:v12+s19+$0x0], $0xffff  }
0x32f: {  	v7 =	vadd.s32 $0x1, v3;
	v19 =	vadd.s32 $0x2, v4;
	v12 =	vld.idx.msk [tilespmem:v14+s19+$0x0], $0xffff  }
0x330: {  	s21 =	simm.s32 $0x8;
	v14 =	vld.idx.msk [tilespmem:v62+s19+$0x0], $0xffff;
	v21 =	vadd.s32 $0x1, v16;
	v23 =	vadd.f32 v23, v13;
	v13 =	vadd.f32 v27, v63  }
.LBB2_22:
0x331: {  	s22 =	sadd.s32 $0x1, s21  }
0x332: {  	v24 =	vadd.s32 s21, v2;
	p0 =	slt.u32 s21, $0x2C;
	v22 =	vld.idx.msk [tilespmem:v22+s19+$0x0], $0xffff;
	v11 =	vadd.f32 v11, v23;
	s23 =	smov.u32 s21;
	s21 =	sadd.s32 $0x4, s21  }
0x333: {  	v23 =	vadd.s32 s22, v2;
	s22 =	sadd.s32 $0x2, s23;
	v20 =	vld.idx.msk [tilespmem:v20+s19+$0x0], $0xffff  }
0x334: {  	v15 =	vadd.f32 v17, v15;
	v25 =	vadd.s32 s22, v2;
	v17 =	vld.idx.msk [tilespmem:v19+s19+$0x0], $0xffff  }
0x335: {  	v19 =	vadd.s32 $0x2, v16;
	v21 =	vld.idx.msk [tilespmem:v21+s19+$0x0], $0xffff  }
0x336: {  	v15 =	vadd.f32 v18, v15;
	v18 =	vadd.s32 $0x3, v16;
	v26 =	vld.idx.msk [tilespmem:v16+s19+$0x0], $0xffff  }
0x337: {  	s22 =	sadd.s32 $0x3, s23;
	v16 =	vadd.s32 $0x4, v16;
	v24 =	vld.idx.msk [tilespmem:v24+s20+$0x0], $0xffff  }
0x338: {  	v27 =	vadd.s32 s22, v2;
	v23 =	vld.idx.msk [tilespmem:v23+s20+$0x0], $0xffff  }
0x339: {  	v28 =	vadd.s32 $0x4, v4;
	v25 =	vld.idx.msk [tilespmem:v25+s20+$0x0], $0xffff  }
0x33a: {  	v19 =	vld.idx.msk [tilespmem:v19+s19+$0x0], $0xffff  }
0x33b: {  	v18 =	vld.idx.msk [tilespmem:v18+s19+$0x0], $0xffff  }
0x33c: {  	v8 =	vadd.f32 v10, v8;
	v10 =	vld.idx.msk [tilespmem:v16+s19+$0x0], $0xffff  }
0x33d: {  	v16 =	vmul.u32 $0x5, v24;
	v24 =	vld.idx.msk [tilespmem:v27+s20+$0x0], $0xffff;
	v27 =	vadd.s32 $0x1, v4  }
0x33e: {  	v9 =	vadd.f32 v12, v9;
	v8 =	vadd.f32 v14, v8;
	v12 =	vld.idx.msk [tilespmem:v28+s19+$0x0], $0xffff  }
0x33f: {  	v13 =	vadd.f32 v6, v13;
	v14 =	vadd.s32 $0x1, v16;
	v28 =	vadd.f32 v5, v11;
	v29 =	vld.idx.msk [tilespmem:v7+s19+$0x0], $0xffff  }
0x340: {  	v30 =	vadd.s32 $0x2, v16;
	v5 =	vadd.f32 v20, v9;
	v6 =	vadd.f32 v19, v8;
	v31 =	vld.idx.msk [tilespmem:v3+s19+$0x0], $0xffff  }
0x341: {  	v20 =	vadd.s32 $0x3, v16;
	v3 =	vmul.u32 $0x5, v23;
	v9 =	vadd.f32 v18, v15;
	v11 =	vld.idx.msk [tilespmem:v4+s19+$0x0], $0xffff  }
0x342: {  	v18 =	vadd.s32 $0x4, v16;
	v10 =	vadd.f32 v10, v5;
	v8 =	vadd.f32 v17, v6;
	v27 =	vld.idx.msk [tilespmem:v27+s19+$0x0], $0xffff  }
0x343: {  	v7 =	vadd.s32 $0x1, v3;
	v23 =	vadd.s32 $0x3, v3;
	v4 =	vmul.u32 $0x5, v24;
	v5 =	vld.idx.msk [tilespmem:v16+s19+$0x0], $0xffff  }
0x344: {  	v15 =	vadd.f32 v22, v9;
	v9 =	vadd.f32 v12, v10;
	v6 =	vld.idx.msk [tilespmem:v14+s19+$0x0], $0xffff;
	v14 =	vadd.s32 $0x2, v3  }
.Ltmp11:
0x345: {  	v19 =	vadd.s32 $0x2, v4;
	v22 =	vadd.s32 $0x3, v4;
	v13 =	vadd.f32 v29, v13;
	v10 =	vld.idx.msk [tilespmem:v30+s19+$0x0], $0xffff;
	(pc) =	sbr.rel @p0 .LBB2_22-.Ltmp11, $4  }
0x346: {  	v16 =	vmul.u32 $0x5, v25;
	v24 =	vadd.f32 v31, v28;
	v17 =	vld.idx.msk [tilespmem:v20+s19+$0x0], $0xffff;
	v20 =	vadd.s32 $0x4, v3  }
0x347: {  	v13 =	vadd.f32 v21, v13;
	v12 =	vld.idx.msk [tilespmem:v18+s19+$0x0], $0xffff  }
0x348: {  	v21 =	vadd.s32 $0x1, v16;
	v18 =	vld.idx.msk [tilespmem:v23+s19+$0x0], $0xffff;
	v23 =	vadd.f32 v26, v24  }
0x349: {  	v13 =	vadd.f32 v27, v13;
	v14 =	vld.idx.msk [tilespmem:v14+s19+$0x0], $0xffff  }
0x34a: {  	_ =	sdelay $0x3  }
0x34b: {  	v22 =	vld.idx.msk [tilespmem:v22+s19+$0x0], $0xffff  }
0x34c: {  	v20 =	vld.idx.msk [tilespmem:v20+s19+$0x0], $0xffff  }
0x34d: {  	v2 =	vadd.s32 $0x2, v16;
	v19 =	vld.idx.msk [tilespmem:v19+s19+$0x0], $0xffff  }
0x34e: {  	v24 =	vadd.s32 $0x3, v16;
	v21 =	vld.idx.msk [tilespmem:v21+s19+$0x0], $0xffff  }
0x34f: {  	v25 =	vld.idx.msk [tilespmem:v16+s19+$0x0], $0xffff;
	v57 =	vadd.s32 $0x4, v16  }
0x350: {  	v7 =	vld.idx.msk [tilespmem:v7+s19+$0x0], $0xffff  }
0x351: {  	v26 =	vadd.s32 $0x4, v4;
	v3 =	vld.idx.msk [tilespmem:v3+s19+$0x0], $0xffff  }
0x352: {  	v58 =	vadd.s32 $0x1, v4;
	v11 =	vadd.f32 v11, v23;
	v2 =	vld.idx.msk [tilespmem:v2+s19+$0x0], $0xffff  }
0x353: {  	v8 =	vadd.f32 v10, v8;
	v15 =	vadd.f32 v17, v15;
	v24 =	vld.idx.msk [tilespmem:v24+s19+$0x0], $0xffff  }
0x354: {  	v6 =	vadd.f32 v6, v13;
	v9 =	vadd.f32 v12, v9;
	v60 =	vld.idx.msk [tilespmem:v57+s19+$0x0], $0xffff  }
0x355: {  	v62 =	vld.idx.msk [tilespmem:v4+s19+$0x0], $0xffff;
	v5 =	vadd.f32 v5, v11;
	v8 =	vadd.f32 v14, v8  }
0x356: {  	v59 =	vadd.f32 v18, v15;
	v61 =	vld.idx.msk [tilespmem:v26+s19+$0x0], $0xffff;
	v6 =	vadd.f32 v7, v6  }
0x357: {  	v9 =	vadd.f32 v20, v9;
	v2 =	vadd.f32 v2, v8;
	v8 =	vld.idx.msk [tilespmem:v58+s19+$0x0], $0xffff  }
0x358: {  	v3 =	vadd.f32 v3, v5;
	v6 =	vadd.f32 v21, v6  }
0x359: {  	v7 =	vlaneseq.u32;
	v4 =	vadd.f32 v24, v59;
	v5 =	vadd.f32 v60, v9  }
0x35a: {  	v7 =	vmul.u32 $0x32, v7;
	v63 =	vadd.f32 v25, v3;
	v2 =	vadd.f32 v19, v2  }
0x35b: {  	v4 =	vadd.f32 v22, v4;
	v3 =	vadd.f32 v61, v5  }
0x35c: {  	s20 =	simm.s32 $0x0;
	s21 =	simm.s32 $0x1880;
	v7 =	vadd.s32 $0xFA0, v7;
	s19 =	simm.s32 $0x30;
	v5 =	vadd.f32 v8, v6;
	v6 =	vadd.f32 v62, v63  }
.LBB2_24:
0x35d: {  	v8 =	vadd.s32 s19, v7;
	_ =	sdelay $0x4  }
0x35e: {  	v8 =	vld.idx.msk [tilespmem:v8+s20+$0x0], $0xffff;
	_ =	sdelay $0x4  }
0x35f: {  	v8 =	vmul.u32 $0x5, v8;
	_ =	sdelay $0x1  }
0x360: {  	v9 =	vadd.s32 $0x1, v8  }
0x361: {  	v10 =	vadd.s32 $0x2, v8  }
0x362: {  	v11 =	vadd.s32 $0x3, v8  }
0x363: {  	v12 =	vadd.s32 $0x4, v8  }
0x364: {  	v8 =	vld.idx.msk [tilespmem:v8+s21+$0x0], $0xffff  }
0x365: {  	v9 =	vld.idx.msk [tilespmem:v9+s21+$0x0], $0xffff  }
0x366: {  	v10 =	vld.idx.msk [tilespmem:v10+s21+$0x0], $0xffff  }
0x367: {  	v11 =	vld.idx.msk [tilespmem:v11+s21+$0x0], $0xffff  }
0x368: {  	p0 =	sne.s32 s19, $0x31;
	v12 =	vld.idx.msk [tilespmem:v12+s21+$0x0], $0xffff  }
.Ltmp12:
0x369: {  	_ = 	snop;
	(pc) =	sbr.rel @p0 .LBB2_24-.Ltmp12, $4  }
0x36a: {  	_ = 	snop  }
0x36b: {  	v6 =	vadd.f32 v8, v6  }
0x36c: {  	v5 =	vadd.f32 v9, v5;
	v2 =	vadd.f32 v10, v2  }
0x36d: {  	s19 =	sadd.s32 $0x1, s19;
	v4 =	vadd.f32 v11, v4;
	v3 =	vadd.f32 v12, v3  }
0x36e: {  	_ =	sdelay $0x2  }
0x36f: {  	s19 =	simm.s32 $0x1300  }
0x370: {  	v1 =	vld.idx.msk [tilespmem:v1+s19+$0x0], $0xffff;
	_ =	sdelay $0x4  }
0x371: {  	v1 =	vcvt.s32.f32 v1;
	_ =	sdelay $0x1  }
0x372: {  	v7 =	vand.u32 $0x7FFFFF, v1  }
0x373: {  	v7 =	vor.u32 $0x3F800000, v7  }
0x374: {  	v8 =	vmul.f32 $5.000000000e-01, v7  }
0x375: {  	vm0 =	vgt.f32 v7, $1.414213540e+00  }
0x376: {  	v7 =	vsel vm0, v8, v7  }
0x377: {  	v8 =	vadd.f32 $1.000000000e+00, v7;
	_ =	sdelay $0x1  }
0x378: {  	(erf) = vrcp.f32 v8;
	_ =	sdelay $0x7  }
0x379: {  	v7 =	vadd.f32 $-1.000000000e+00, v7  }
0x37a: {  	v8 =	vpop (erf)  }
0x37b: {  	v7 =	vmul.f32 v8, v7;
	_ =	sdelay $0x1  }
0x37c: {  	v8 =	vmul.f32 v7, v7;
	_ =	sdelay $0x1  }
0x37d: {  	v9 =	vmul.f32 $2.222222240e-01, v8;
	_ =	sdelay $0x1  }
0x37e: {  	v9 =	vadd.f32 $2.857142980e-01, v9;
	_ =	sdelay $0x1  }
0x37f: {  	v9 =	vmul.f32 v9, v8;
	_ =	sdelay $0x1  }
0x380: {  	v9 =	vadd.f32 $4.000000060e-01, v9;
	_ =	sdelay $0x1  }
0x381: {  	v9 =	vmul.f32 v9, v8;
	_ =	sdelay $0x1  }
0x382: {  	v10 =	vimm.s32 $0x0;
	v9 =	vadd.f32 $6.666666860e-01, v9  }
0x383: {  	v1 =	vshrl.u32 v1, $0x17;
	v10 =	vsel vm0, $0x1, v10  }
0x384: {  	v1 =	vadd.s32 v10, v1;
	v8 =	vmul.f32 v9, v8  }
0x385: {  	v1 =	vadd.s32 $0xFFFFFF81, v1  }
0x386: {  	v1 =	vcvt.s32.f32 v1;
	v8 =	vadd.f32 $2.000000000e+00, v8;
	_ =	sdelay $0x1  }
0x387: {  	v1 =	vmul.f32 $6.931471820e-01, v1;
	v7 =	vmul.f32 v8, v7;
	_ =	sdelay $0x1  }
0x388: {  	v1 =	vadd.f32 v7, v1;
	_ =	sdelay $0x1  }
0x389: {  	v1 =	vmul.f32 $-5.000000000e-01, v1;
	_ =	sdelay $0x1  }
0x38a: {  	v1 =	vmul.f32 $1.442695020e+00, v1;
	_ =	sdelay $0x1  }
0x38b: {  	(erf) = vpow2.f32 v1;
	_ =	sdelay $0x3  }
0x38c: {  	v1 =	vlaneseq.u32  }
0x38d: {  	v1 =	vmul.u32 $0x5, v1;
	_ =	sdelay $0x1  }
0x38e: {  	v60 =	vadd.s32 $0x190, v1  }
0x38f: {  	v61 =	vadd.s32 $0x191, v1  }
0x390: {  	v63 =	vadd.s32 $0x192, v1;
	v62 =	vpop (erf)  }
0x391: {  	v11 =	vadd.s32 $0x193, v1;
	v6 =	vmul.f32 v62, v6  }
0x392: {  	s30 =	simm.s32 $0x1DC80;
	v1 =	vadd.s32 $0x194, v1;
	v5 =	vmul.f32 v62, v5  }
0x393: {  	v2 =	vmul.f32 v62, v2;
	[tilespmem:v60+s30+$0x0] =	vst.idx.msk $0xffff, v6  }
0x394: {  	v4 =	vmul.f32 v62, v4;
	[tilespmem:v61+s30+$0x0] =	vst.idx.msk $0xffff, v5  }
0x395: {  	[tilespmem:v63+s30+$0x0] =	vst.idx.msk $0xffff, v2;
	v2 =	vmul.f32 v62, v3  }
0x396: {  	[tilespmem:v11+s30+$0x0] =	vst.idx.msk $0xffff, v4  }
0x397: {  	s31 =	simm.s32 $0x3;
	[tilespmem:v1+s30+$0x0] =	vst.idx.msk $0xffff, v2  }
0x398: {  	[spmem:s18] =	stream.linear.scatter [tilespmem:s30], [sflag:$0x3], $0x1E0, $0x38;
	[tilespmem:$0x1F428] =	vst v63  }
0x399: {  	_ =	swait.ge [sflag:s31], $0x1E0  }
0x39a: {  	[sflag:s31] =	ssyncset.done $0x0  }
0x39b: {  	[sflag:s31] =	ssyncadd.s32 $0xFFFFFE20  }
.LBB2_26:
0x39c: {  	[bflag:$0x0] =	sbarrier.arrive $0xFFFF;
	s18 =	simm.s32 $0x1C200;
	s22 =	simm.s32 $0x3  }
0x39d: {  	[tilespmem:s18], [sflag:$0x3] =	stream.linear.gather [spmem:s17], $0x1A80, $0x38;
	[tilespmem:$0x1F428] =	vst v63  }
0x39e: {  	_ =	swait.ge [sflag:s22], $0x1A80  }
0x39f: {  	[sflag:s22] =	ssyncset.done $0x0  }
0x3a0: {  	s23 =	simm.s32 $0x2;
	[sflag:s22] =	ssyncadd.s32 $0xFFFFE580  }
0x3a1: {  	_ =	swait.ge [sflag:s23], $0x580  }
0x3a2: {  	[sflag:s23] =	ssyncset.done $0x0  }
0x3a3: {  	[sflag:s23] =	ssyncadd.s32 $0xFFFFFA80  }
0x3a4: {  	_ =	swait.ge [sflag:s23], $0x580  }
0x3a5: {  	[sflag:s23] =	ssyncset.done $0x0  }
0x3a6: {  	[sflag:s23] =	ssyncadd.s32 $0xFFFFFA80  }
0x3a7: {  	_ =	swait.ge [sflag:s23], $0x580  }
0x3a8: {  	[sflag:s23] =	ssyncset.done $0x0  }
0x3a9: {  	[sflag:s23] =	ssyncadd.s32 $0xFFFFFA80  }
0x3aa: {  	_ =	swait.ge [sflag:s23], $0x580  }
0x3ab: {  	[sflag:s23] =	ssyncset.done $0x0  }
0x3ac: {  	[sflag:s23] =	ssyncadd.s32 $0xFFFFFA80  }
0x3ad: {  	_ =	swait.ge [sflag:s23], $0x1A80  }
0x3ae: {  	[sflag:s23] =	ssyncset.done $0x0  }
0x3af: {  	[sflag:s23] =	ssyncadd.s32 $0xFFFFE580  }
0x3b0: {  	_ =	swait.ge [sflag:s23], $0x1A80  }
0x3b1: {  	[sflag:s23] =	ssyncset.done $0x0  }
0x3b2: {  	[sflag:s23] =	ssyncadd.s32 $0xFFFFE580  }
0x3b3: {  	_ =	swait.ge [sflag:s23], $0x300  }
0x3b4: {  	[sflag:s23] =	ssyncset.done $0x0  }
0x3b5: {  	[sflag:s23] =	ssyncadd.s32 $0xFFFFFD00  }
0x3b6: {  	_ =	swait.ge [sflag:s23], $0xE80  }
0x3b7: {  	[sflag:s23] =	ssyncset.done $0x0  }
0x3b8: {  	[sflag:s23] =	ssyncadd.s32 $0xFFFFF180  }
0x3b9: {  	_ =	swait.ge [sflag:s23], $0xAC00  }
0x3ba: {  	[sflag:s23] =	ssyncset.done $0x0  }
0x3bb: {  	[sflag:s23] =	ssyncadd.s32 $0xFFFF5400  }
0x3bc: {  	_ =	swait.ge [sflag:s23], $0x1080  }
0x3bd: {  	[sflag:s23] =	ssyncset.done $0x0  }
0x3be: {  	[sflag:s23] =	ssyncadd.s32 $0xFFFFEF80  }
0x3bf: {  	_ =	swait.ge [sflag:s23], $0x1080  }
0x3c0: {  	[sflag:s23] =	ssyncset.done $0x0  }
0x3c1: {  	[sflag:s23] =	ssyncadd.s32 $0xFFFFEF80  }
0x3c2: {  	_ =	swait.ge [sflag:s23], $0x5080  }
0x3c3: {  	[sflag:s23] =	ssyncset.done $0x0  }
0x3c4: {  	[sflag:s23] =	ssyncadd.s32 $0xFFFFAF80  }
0x3c5: {  	_ =	swait.ge [sflag:s23], $0x5  }
0x3c6: {  	[sflag:s23] =	ssyncset.done $0x0  }
0x3c7: {  	[sflag:s23] =	ssyncadd.s32 $0xFFFFFFFB  }
0x3c8: {  	_ =	swait.ge [sflag:s23], $0x5  }
0x3c9: {  	[sflag:s23] =	ssyncset.done $0x0  }
0x3ca: {  	[sflag:s23] =	ssyncadd.s32 $0xFFFFFFFB  }
0x3cb: {  	_ =	swait.ge [sflag:s23], $0x400  }
0x3cc: {  	[sflag:s23] =	ssyncset.done $0x0  }
0x3cd: {  	[sflag:s23] =	ssyncadd.s32 $0xFFFFFC00  }
0x3ce: {  	_ =	swait.ge [sflag:s23], $0x400  }
0x3cf: {  	[sflag:s23] =	ssyncset.done $0x0  }
0x3d0: {  	[sflag:s23] =	ssyncadd.s32 $0xFFFFFC00  }
0x3d1: {  	_ =	swait.ge [sflag:s23], $0x400  }
0x3d2: {  	[sflag:s23] =	ssyncset.done $0x0  }
0x3d3: {  	[sflag:s23] =	ssyncadd.s32 $0xFFFFFC00  }
0x3d4: {  	_ =	swait.ge [sflag:s23], $0x400  }
0x3d5: {  	[sflag:s23] =	ssyncset.done $0x0  }
0x3d6: {  	[sflag:s23] =	ssyncadd.s32 $0xFFFFFC00  }
0x3d7: {  	_ =	swait.ge [sflag:s23], $0x400  }
0x3d8: {  	[sflag:s23] =	ssyncset.done $0x0  }
0x3d9: {  	s24 =	simm.s32 $0x1AE10;
	[sflag:s23] =	ssyncadd.s32 $0xFFFFFC00  }
0x3da: {  	v24 =	vld [tilespmem:s24+$0x0];
	_ =	sdelay $0x4  }
0x3db: {  	s19 =	simm.s32 $0x1BA10  }
0x3dc: {  	v1 =	vld [tilespmem:s19+$0x0]  }
0x3dd: {  	v17 =	vld [tilespmem:s24+$0xFFFFFFF0]  }
0x3de: {  	v2 =	vld.idx.msk [tilespmem:v24+s11+$0x0], $0xffff;
	_ =	sdelay $0x2  }
0x3df: {  	v1 =	vcvt.s32.f32 v1;
	_ =	sdelay $0x1  }
0x3e0: {  	v3 =	vld [tilespmem:s19+$0xFFFFFFF0];
	v28 =	vsub.f32 v1, v2;
	_ =	sdelay $0x1  }
0x3e1: {  	v7 =	vimm.s32 $0x9;
	v6 =	vld.idx.msk [tilespmem:v17+s11+$0x0], $0xffff;
	v1 =	vand.u32 $0x7FFFFFFF, v28  }
0x3e2: {  	v2 =	vand.u32 $0x7FFFFF, v1  }
0x3e3: {  	v2 =	vor.u32 $0x3F800000, v2  }
0x3e4: {  	v3 =	vcvt.s32.f32 v3;
	v4 =	vmul.f32 $5.000000000e-01, v2  }
0x3e5: {  	s25 =	simm.s32 $0x1AD00;
	vm1 =	vgt.f32 v2, $1.414213540e+00  }
0x3e6: {  	v27 =	vsub.f32 v3, v6;
	v3 =	vld.idx.msk [tilespmem:v7+s25+$0x0], $0xffff;
	v2 =	vsel vm1, v4, v2;
	v4 =	vimm.s32 $0xA  }
0x3e7: {  	v9 =	vimm.s32 $0xB;
	_ =	sdelay $0x3  }
0x3e8: {  	v5 =	vimm.s32 $0x8;
	[tilespmem:$0x1FF10] =	vst v3;
	v8 =	vadd.f32 $1.000000000e+00, v2;
	v3 =	vld.idx.msk [tilespmem:v4+s25+$0x0], $0xffff  }
0x3e9: {  	v6 =	vld.idx.msk [tilespmem:v9+s25+$0x0], $0xffff  }
0x3ea: {  	(erf) = vrcp.f32 v8;
	_ =	sdelay $0x1  }
0x3eb: {  	v10 =	vimm.s32 $0xC  }
0x3ec: {  	s26 =	simm.s32 $0x1AD80;
	v59 =	vimm.s32 $0x0;
	v61 =	vld.idx.msk [tilespmem:v5+s25+$0x0], $0xffff;
	[tilespmem:$0x1FF20] =	vst v3;
	v3 =	vand.u32 $0x7FFFFFFF, v27  }
0x3ed: {  	v23 =	vld.idx.msk [tilespmem:v5+s26+$0x0], $0xffff;
	v5 =	vmul.u32 $0x5, v17;
	vm0 =	vgt.s32 v17, $0x4DF;
	[tilespmem:$0x1FF30] =	vst v6;
	v6 =	vand.u32 $0x7FFFFF, v3  }
0x3ee: {  	v19 =	vld.idx.msk [tilespmem:v7+s26+$0x0], $0xffff;
	v7 =	vsel vm0, $0x4, v59;
	v6 =	vor.u32 $0x3F800000, v6  }
0x3ef: {  	v57 =	vld.idx.msk [tilespmem:v4+s26+$0x0], $0xffff;
	v4 =	vadd.s32 v17, v7;
	v7 =	vadd.s32 $0x1, v5;
	v8 =	vmul.f32 $5.000000000e-01, v6  }
0x3f0: {  	v62 =	vld.idx.msk [tilespmem:v10+s25+$0x0], $0xffff;
	vm15 =	vgt.f32 v6, $1.414213540e+00  }
0x3f1: {  	v58 =	vld.idx.msk [tilespmem:v9+s26+$0x0], $0xffff;
	v2 =	vadd.f32 $-1.000000000e+00, v2;
	v6 =	vsel vm15, v8, v6  }
0x3f2: {  	v63 =	vld.idx.msk [tilespmem:v10+s26+$0x0], $0xffff;
	v9 =	vpop (erf);
	v8 =	vadd.f32 $1.000000000e+00, v6  }
0x3f3: {  	v22 =	vadd.s32 $0x4, v5;
	v20 =	vld.idx.msk [tilespmem:v5+s14+$0x0], $0xffff;
	v2 =	vmul.f32 v9, v2  }
0x3f4: {  	v11 =	vld.idx.msk [tilespmem:v7+s13+$0x0], $0xffff;
	(erf) = vrcp.f32 v8  }
0x3f5: {  	s28 =	simm.s32 $0x1BE10;
	v56 =	vld.idx.msk [tilespmem:v7+s14+$0x0], $0xffff;
	v10 =	vmul.f32 v2, v2;
	v8 =	vadd.s32 $0x2, v5  }
0x3f6: {  	s20 =	simm.s32 $0x1B210;
	v4 =	vmul.u32 $0x5, v4;
	v29 =	vld [tilespmem:s28+$0x0]  }
0x3f7: {  	v34 =	vld [tilespmem:s20+$0x0];
	v12 =	vmul.f32 $2.222222240e-01, v10  }
0x3f8: {  	v13 =	vadd.s32 $0x1, v4;
	v36 =	vld.idx.msk [tilespmem:v22+s13+$0x0], $0xffff  }
0x3f9: {  	v26 =	vld [tilespmem:s28+$0xFFFFFFF0];
	v12 =	vadd.f32 $2.857142980e-01, v12  }
0x3fa: {  	v32 =	vld.idx.msk [tilespmem:v8+s13+$0x0], $0xffff  }
0x3fb: {  	v37 =	vmul.u32 $0x5, v24;
	v54 =	vld.idx.msk [tilespmem:v8+s14+$0x0], $0xffff;
	v8 =	vmul.f32 v12, v10  }
0x3fc: {  	v16 =	vimm.f32 $1.000000000e+00;
	v39 =	vld.idx.msk [tilespmem:v24+s12+$0x0], $0xffff;
	v6 =	vadd.f32 $-1.000000000e+00, v6  }
0x3fd: {  	v55 =	vand.u32 $0x7FFFFFFF, v16;
	v14 =	vadd.s32 $0x3, v4;
	v33 =	vld.idx.msk [tilespmem:v13+s18+$0x0], $0xffff;
	v8 =	vadd.f32 $4.000000060e-01, v8;
	v13 =	vpop (erf)  }
0x3fe: {  	vm5 =	vgt.s32 v24, $0x4DF;
	v21 =	vadd.s32 $0x3, v5;
	v9 =	vld.idx.msk [tilespmem:v5+s13+$0x0], $0xffff;
	v5 =	vmul.f32 v13, v6  }
0x3ff: {  	v48 =	vsel vm5, $0x4, v59;
	v42 =	vadd.s32 $0x4, v37;
	v44 =	vld.idx.msk [tilespmem:v24+s9+$0x0], $0xffff;
	v8 =	vmul.f32 v8, v10  }
0x400: {  	v41 =	vadd.s32 $0x3, v37;
	v1 =	vshrl.u32 v1, $0x17;
	v45 =	vld.idx.msk [tilespmem:v24+s10+$0x0], $0xffff;
	v30 =	vmul.f32 v5, v5  }
0x401: {  	v7 =	vadd.s32 $0x2, v4;
	v3 =	vshrl.u32 v3, $0x17;
	v50 =	vld.idx.msk [tilespmem:v37+s14+$0x0], $0xffff;
	v8 =	vadd.f32 $6.666666860e-01, v8  }
0x402: {  	v24 =	vadd.s32 v24, v48;
	v6 =	vld.idx.msk [tilespmem:v14+s18+$0x0], $0xffff;
	v14 =	vsel vm1, $0x1, v59;
	v13 =	vmul.f32 $2.222222240e-01, v30  }
0x403: {  	v25 =	vld.idx.msk [tilespmem:v4+s18+$0x0], $0xffff;
	v4 =	vadd.s32 $0x4, v4;
	v1 =	vadd.s32 v14, v1;
	v8 =	vmul.f32 v8, v10  }
0x404: {  	v48 =	vld.idx.msk [tilespmem:v42+s13+$0x0], $0xffff;
	v14 =	vmul.u32 $0x5, v0;
	v1 =	vadd.s32 $0xFFFFFF81, v1;
	v0 =	vadd.f32 $2.857142980e-01, v13  }
0x405: {  	s29 =	simm.s32 $0x1B610;
	v51 =	vld.idx.msk [tilespmem:v41+s13+$0x0], $0xffff;
	v40 =	vsel vm15, $0x1, v59;
	v1 =	vcvt.s32.f32 v1;
	v8 =	vadd.f32 $2.000000000e+00, v8  }
0x406: {  	v3 =	vadd.s32 v40, v3;
	v38 =	vmul.u32 $0x5, v34;
	v10 =	vld [tilespmem:s29+$0x0];
	v0 =	vmul.f32 v0, v30  }
0x407: {  	v40 =	vld.idx.msk [tilespmem:v37+s13+$0x0], $0xffff;
	v43 =	vmul.u32 $0x5, v29;
	v1 =	vmul.f32 $6.931471820e-01, v1;
	v2 =	vmul.f32 v8, v2  }
0x408: {  	v49 =	vadd.s32 $0x2, v37;
	vm4 =	vlt.f32 v27, $0.0e+00;
	v35 =	vld.idx.msk [tilespmem:v34+s4+$0x0], $0xffff;
	v0 =	vadd.f32 $4.000000060e-01, v0  }
0x409: {  	vm2 =	vgt.f32 v27, $0.0e+00;
	v34 =	vmul.u32 $0x3C, v34;
	v12 =	vld.idx.msk [tilespmem:v21+s13+$0x0], $0xffff;
	v1 =	vadd.f32 v2, v1  }
0x40a: {  	v52 =	vand.u32 $0x80000000, v28;
	vm7 =	vlt.f32 v28, $0.0e+00;
	v7 =	vld.idx.msk [tilespmem:v7+s18+$0x0], $0xffff;
	v0 =	vmul.f32 v0, v30  }
0x40b: {  	vm8 =	vgt.f32 v28, $0.0e+00;
	v4 =	vld.idx.msk [tilespmem:v4+s18+$0x0], $0xffff;
	v10 =	vadd.s32 v10, v34;
	v1 =	vmul.f32 $4.000000060e-01, v1  }
0x40c: {  	v37 =	vadd.s32 $0x1, v37;
	v46 =	vld.idx.msk [tilespmem:v38+s2+$0x0], $0xffff;
	v2 =	vand.u32 $0x80000000, v27;
	v0 =	vadd.f32 $6.666666860e-01, v0  }
0x40d: {  	vm6 =	vmor vm2, vm4;
	v47 =	vld.idx.msk [tilespmem:v43+s8+$0x0], $0xffff;
	v2 =	vor.u32 v2, v55;
	v1 =	vmul.f32 $1.442695020e+00, v1  }
0x40e: {  	v8 =	vld.idx.msk [tilespmem:v29+s6+$0x0], $0xffff;
	v2 =	vsel vm6, v2, v27;
	v27 =	vadd.f32 v6, v12;
	v0 =	vmul.f32 v0, v30  }
0x40f: {  	v6 =	vld.idx.msk [tilespmem:v49+s14+$0x0], $0xffff;
	(erf) = vpow2.f32 v1;
	v1 =	vadd.s32 $0xFFFFFF81, v3;
	v3 =	vmul.u32 $0x5, v24  }
0x410: {  	vm0 =	vmor vm8, vm7;
	v10 =	vld.idx.msk [tilespmem:v10+s5+$0x0], $0xffff;
	v24 =	vadd.f32 v7, v32;
	v0 =	vadd.f32 $2.000000000e+00, v0  }
0x411: {  	v7 =	vld.idx.msk [tilespmem:v37+s13+$0x0], $0xffff;
	v32 =	vor.u32 v52, v55;
	v1 =	vcvt.s32.f32 v1;
	v30 =	vadd.f32 v25, v9  }
0x412: {  	v52 =	vld.idx.msk [tilespmem:v37+s14+$0x0], $0xffff;
	v28 =	vsel vm0, v32, v28;
	v0 =	vmul.f32 v0, v5;
	v5 =	vadd.s32 $0x1, v3  }
0x413: {  	s30 =	simm.s32 $0x1AE30;
	v9 =	vld.idx.msk [tilespmem:v41+s14+$0x0], $0xffff;
	v32 =	vadd.f32 v4, v36;
	v4 =	vadd.s32 $0x1, v43;
	v1 =	vmul.f32 $6.931471820e-01, v1  }
0x414: {  	v25 =	vadd.f32 v33, v11;
	v33 =	vld [tilespmem:s30+$0x0];
	v12 =	vadd.s32 $0x3, v3  }
0x415: {  	v41 =	vld.idx.msk [tilespmem:v3+s18+$0x0], $0xffff;
	v0 =	vadd.f32 v0, v1;
	v1 =	vadd.s32 $0x2, v3;
	v3 =	vadd.s32 $0x4, v3  }
0x416: {  	v11 =	vld.idx.msk [tilespmem:v49+s13+$0x0], $0xffff  }
0x417: {  	v5 =	vld.idx.msk [tilespmem:v5+s18+$0x0], $0xffff  }
0x418: {  	v4 =	vld.idx.msk [tilespmem:v4+s8+$0x0], $0xffff;
	v53 =	vpop (erf)  }
0x419: {  	v12 =	vld.idx.msk [tilespmem:v12+s18+$0x0], $0xffff;
	v0 =	vmul.f32 $4.000000060e-01, v0;
	v28 =	vmul.f32 v53, v28;
	v53 =	vadd.s32 $0x1, v38  }
0x41a: {  	v8 =	vadd.f32 v8, v39;
	v39 =	vadd.s32 $0x2, v38;
	v3 =	vld.idx.msk [tilespmem:v3+s18+$0x0], $0xffff  }
0x41b: {  	s17 =	simm.s32 $0x1BA30;
	v0 =	vmul.f32 $1.442695020e+00, v0;
	v41 =	vadd.f32 v41, v40;
	v1 =	vld.idx.msk [tilespmem:v1+s18+$0x0], $0xffff;
	v49 =	vmul.f32 v28, v50  }
0x41c: {  	v37 =	vmul.u32 $0x5, v26;
	v5 =	vadd.f32 v5, v7;
	v7 =	vld [tilespmem:s17+$0x0]  }
0x41d: {  	v50 =	vld.idx.msk [tilespmem:v33+s11+$0x0], $0xffff;
	(erf) = vpow2.f32 v0;
	v41 =	vadd.f32 v49, v41;
	v49 =	vadd.s32 $0x2, v43  }
0x41e: {  	v10 =	vadd.f32 v10, v35;
	v36 =	vmul.f32 v28, v52;
	v52 =	vld.idx.msk [tilespmem:v53+s2+$0x0], $0xffff;
	v53 =	vadd.s32 $0x3, v43  }
0x41f: {  	v12 =	vadd.f32 v12, v51;
	v6 =	vmul.f32 v28, v6;
	v3 =	vadd.f32 v3, v48;
	v48 =	vld.idx.msk [tilespmem:v42+s14+$0x0], $0xffff  }
0x420: {  	v39 =	vld.idx.msk [tilespmem:v39+s2+$0x0], $0xffff;
	v9 =	vmul.f32 v28, v9;
	v43 =	vadd.s32 $0x4, v43;
	v5 =	vadd.f32 v36, v5  }
0x421: {  	v47 =	vadd.f32 v41, v47;
	v1 =	vadd.f32 v1, v11;
	v36 =	vld [tilespmem:s30+$0xFFFFFFF0];
	v7 =	vcvt.s32.f32 v7  }
0x422: {  	v9 =	vadd.f32 v9, v12;
	v49 =	vld.idx.msk [tilespmem:v49+s8+$0x0], $0xffff;
	v4 =	vadd.f32 v5, v4;
	v5 =	vadd.s32 $0x3, v38  }
0x423: {  	v47 =	vmul.f32 v47, v46;
	v1 =	vadd.f32 v6, v1;
	v34 =	vsub.f32 v7, v50;
	v50 =	vld.idx.msk [tilespmem:v53+s8+$0x0], $0xffff  }
0x424: {  	v6 =	vmul.f32 v28, v45;
	v7 =	vadd.s32 $0x4, v38;
	v12 =	vmul.f32 v48, v28;
	v28 =	vld.idx.msk [tilespmem:v29+s7+$0x0], $0xffff  }
0x425: {  	v8 =	vmul.f32 v10, v8;
	v51 =	vadd.s32 $0x2, v37;
	v4 =	vmul.f32 v4, v52;
	v48 =	vld.idx.msk [tilespmem:v43+s8+$0x0], $0xffff  }
0x426: {  	v6 =	vadd.f32 v6, v44;
	v29 =	vadd.f32 $0.0e+00, v47;
	v47 =	vld.idx.msk [tilespmem:v21+s14+$0x0], $0xffff;
	v21 =	vpop (erf);
	v46 =	vand.u32 $0x7FFFFFFF, v34  }
0x427: {  	v45 =	vmul.f32 v21, v2;
	v5 =	vld.idx.msk [tilespmem:v5+s2+$0x0], $0xffff;
	v1 =	vadd.f32 v1, v49;
	v52 =	vand.u32 $0x7FFFFF, v46  }
0x428: {  	v3 =	vadd.f32 v12, v3;
	v4 =	vadd.f32 v29, v4;
	v29 =	vld [tilespmem:s17+$0xFFFFFFF0];
	v53 =	vor.u32 $0x3F800000, v52  }
0x429: {  	vm10 =	vgt.s32 v36, $0x4DF;
	v1 =	vmul.f32 v1, v39;
	v12 =	vmul.f32 $5.000000000e-01, v53;
	v7 =	vld.idx.msk [tilespmem:v7+s2+$0x0], $0xffff  }
0x42a: {  	v49 =	vld.idx.msk [tilespmem:v36+s11+$0x0], $0xffff;
	v9 =	vadd.f32 v9, v50;
	vm9 =	vgt.f32 v53, $1.414213540e+00;
	v3 =	vadd.f32 v3, v48  }
0x42b: {  	v2 =	vadd.f32 v6, v28;
	v1 =	vadd.f32 v4, v1;
	v4 =	vsel vm10, $0x4, v59  }
0x42c: {  	v60 =	vld.idx.msk [tilespmem:v17+s10+$0x0], $0xffff;
	v5 =	vmul.f32 v9, v5;
	v9 =	vmul.u32 $0x5, v36;
	v4 =	vadd.s32 v36, v4  }
0x42d: {  	v31 =	vld [tilespmem:s20+$0xFFFFFFF0];
	v12 =	vsel vm9, v12, v53;
	v6 =	vcvt.s32.f32 v29;
	v4 =	vmul.u32 $0x5, v4  }
0x42e: {  	v51 =	vld.idx.msk [tilespmem:v51+s8+$0x0], $0xffff;
	v50 =	vadd.f32 $1.000000000e+00, v12;
	v1 =	vadd.f32 v1, v5;
	v3 =	vmul.f32 v3, v7  }
0x42f: {  	v44 =	vld.idx.msk [tilespmem:v22+s14+$0x0], $0xffff;
	v2 =	vadd.f32 $4.000000000e+00, v2;
	v6 =	vsub.f32 v6, v49;
	v7 =	vadd.s32 $0x1, v9  }
0x430: {  	v43 =	vld.idx.msk [tilespmem:v17+s9+$0x0], $0xffff;
	(erf) = vrcp.f32 v50;
	v1 =	vadd.f32 v3, v1;
	v3 =	vadd.s32 $0x1, v4  }
0x431: {  	v39 =	vld.idx.msk [tilespmem:v17+s12+$0x0], $0xffff;
	v2 =	vadd.f32 v2, v8;
	v8 =	vadd.s32 $0x2, v9  }
0x432: {  	v10 =	vmul.f32 v45, v20;
	v22 =	vadd.s32 $0x2, v4;
	v20 =	vand.u32 $0x7FFFFFFF, v6;
	v17 =	vld.idx.msk [tilespmem:v9+s13+$0x0], $0xffff  }
0x433: {  	v0 =	vadd.s32 $0x1, v37;
	v28 =	vand.u32 $0x7FFFFF, v20;
	v21 =	vld.idx.msk [tilespmem:v4+s18+$0x0], $0xffff  }
0x434: {  	v40 =	vmul.u32 $0x5, v31;
	v35 =	vadd.f32 v1, v2;
	v2 =	vor.u32 $0x3F800000, v28;
	v28 =	vld.idx.msk [tilespmem:v7+s13+$0x0], $0xffff  }
0x435: {  	v3 =	vld.idx.msk [tilespmem:v3+s18+$0x0], $0xffff  }
0x436: {  	v11 =	vadd.s32 $0x1, v40;
	v49 =	vld.idx.msk [tilespmem:v8+s13+$0x0], $0xffff  }
0x437: {  	v10 =	vadd.f32 v10, v30;
	v12 =	vadd.f32 $-1.000000000e+00, v12;
	v29 =	vand.u32 $0x80000000, v6;
	v22 =	vld.idx.msk [tilespmem:v22+s18+$0x0], $0xffff  }
0x438: {  	v0 =	vld.idx.msk [tilespmem:v0+s8+$0x0], $0xffff;
	vm11 =	vlt.f32 v6, $0.0e+00;
	vm12 =	vgt.f32 v6, $0.0e+00;
	v30 =	vmul.f32 $5.000000000e-01, v2  }
0x439: {  	v5 =	vld.idx.msk [tilespmem:v37+s8+$0x0], $0xffff;
	v53 =	vor.u32 v29, v55;
	v1 =	vadd.s32 $0x3, v9;
	vm3 =	vgt.f32 v2, $1.414213540e+00;
	v52 =	vpop (erf)  }
0x43a: {  	v38 =	vld.idx.msk [tilespmem:v40+s2+$0x0], $0xffff;
	v2 =	vsel vm3, v30, v2;
	v12 =	vmul.f32 v52, v12;
	v3 =	vadd.f32 v3, v28  }
0x43b: {  	v11 =	vld.idx.msk [tilespmem:v11+s2+$0x0], $0xffff;
	vm1 =	vmor vm12, vm11;
	v29 =	vadd.f32 v21, v17;
	v17 =	vadd.f32 $1.000000000e+00, v2  }
0x43c: {  	v30 =	vsel vm1, v53, v6;
	v21 =	vld [tilespmem:s29+$0xFFFFFFF0];
	v22 =	vadd.f32 v22, v49;
	v6 =	vmul.f32 v12, v12;
	[tilespmem:$0x1FEA0] =	vst v3  }
0x43d: {  	v48 =	vadd.s32 $0x3, v4;
	(erf) = vrcp.f32 v17;
	v17 =	vld.idx.msk [tilespmem:v36+s10+$0x0], $0xffff  }
0x43e: {  	v3 =	vadd.f32 v10, v5;
	v5 =	vmul.f32 $2.222222240e-01, v6;
	v52 =	vld.idx.msk [tilespmem:v1+s13+$0x0], $0xffff;
	[tilespmem:$0x1FEB0] =	vst v22  }
0x43f: {  	v7 =	vld.idx.msk [tilespmem:v7+s14+$0x0], $0xffff  }
0x440: {  	v5 =	vadd.f32 $2.857142980e-01, v5  }
0x441: {  	v41 =	vadd.s32 $0x2, v40  }
0x442: {  	s31 =	simm.s32 $0x10;
	v42 =	vadd.s32 $0x3, v37;
	v4 =	vadd.s32 $0x4, v4;
	v48 =	vld.idx.msk [tilespmem:v48+s18+$0x0], $0xffff;
	v5 =	vmul.f32 v5, v6  }
0x443: {  	v56 =	vmul.f32 v45, v56;
	v50 =	vmov s31;
	v53 =	vadd.s32 $0x4, v37  }
0x444: {  	v49 =	vmul.u32 $0x3C, v31;
	v28 =	vld.idx.msk [tilespmem:v9+s14+$0x0], $0xffff;
	v5 =	vadd.f32 $4.000000060e-01, v5;
	[tilespmem:$0x1FEC0] =	vst v7;
	v7 =	vmul.f32 v45, v54  }
0x445: {  	v10 =	vshrl.u32 v20, $0x17;
	v20 =	vadd.f32 v56, v25;
	v25 =	vsel vm3, $0x1, v59  }
0x446: {  	v10 =	vadd.s32 v25, v10;
	v5 =	vmul.f32 v5, v6;
	v7 =	vadd.f32 v7, v24;
	v24 =	vld.idx.msk [tilespmem:v1+s14+$0x0], $0xffff  }
0x447: {  	v22 =	vmul.u32 $0x5, v50;
	v1 =	vadd.f32 $-1.000000000e+00, v2;
	v2 =	vld.idx.msk [tilespmem:v4+s18+$0x0], $0xffff;
	v4 =	vadd.f32 v48, v52  }
0x448: {  	v50 =	vadd.s32 $0x3, v40;
	v0 =	vadd.f32 v20, v0;
	v5 =	vadd.f32 $6.666666860e-01, v5  }
0x449: {  	v25 =	vld.idx.msk [tilespmem:v8+s14+$0x0], $0xffff;
	[tilespmem:$0x1FED0] =	vst v4;
	v4 =	vadd.s32 v21, v49;
	v21 =	vshrl.u32 v46, $0x17;
	v49 =	vsel vm9, $0x1, v59  }
0x44a: {  	v20 =	vld [tilespmem:$0x1FF20];
	v54 =	vadd.s32 $0x4, v40;
	v40 =	vadd.s32 v49, v21;
	v5 =	vmul.f32 v5, v6  }
0x44b: {  	v0 =	vmul.f32 v0, v11;
	v8 =	vpop (erf);
	v41 =	vld.idx.msk [tilespmem:v41+s2+$0x0], $0xffff;
	v11 =	vadd.s32 $0xFFFFFF81, v40  }
0x44c: {  	v8 =	vmul.f32 v8, v1;
	v1 =	vld.idx.msk [tilespmem:v42+s8+$0x0], $0xffff;
	v11 =	vcvt.s32.f32 v11;
	v5 =	vadd.f32 $2.000000000e+00, v5  }
0x44d: {  	v3 =	vmul.f32 v3, v38;
	v21 =	vld.idx.msk [tilespmem:v36+s9+$0x0], $0xffff  }
0x44e: {  	v46 =	vld.idx.msk [tilespmem:v50+s2+$0x0], $0xffff;
	v5 =	vmul.f32 v5, v12;
	v11 =	vmul.f32 $6.931471820e-01, v11  }
0x44f: {  	v9 =	vadd.s32 $0x4, v9;
	v52 =	vmul.f32 v45, v47;
	v47 =	vld.idx.msk [tilespmem:v53+s8+$0x0], $0xffff;
	v6 =	vmul.f32 v8, v8  }
0x450: {  	s21 =	simm.s32 $0x1B230;
	v3 =	vadd.f32 $0.0e+00, v3;
	v5 =	vadd.f32 v5, v11;
	v11 =	vld.idx.msk [tilespmem:v36+s12+$0x0], $0xffff  }
0x451: {  	v50 =	vld [tilespmem:s21+$0x0];
	v56 =	vmul.f32 $2.222222240e-01, v6  }
0x452: {  	s20 =	simm.s32 $0x1BE30;
	v0 =	vadd.f32 v3, v0;
	v49 =	vld.idx.msk [tilespmem:v26+s7+$0x0], $0xffff  }
0x453: {  	v7 =	vadd.f32 v7, v51;
	v3 =	vld [tilespmem:s20+$0x0];
	v51 =	vadd.f32 $2.857142980e-01, v56  }
0x454: {  	v42 =	vadd.f32 v52, v27;
	v12 =	vld.idx.msk [tilespmem:v9+s13+$0x0], $0xffff  }
0x455: {  	v27 =	vld.idx.msk [tilespmem:v9+s14+$0x0], $0xffff;
	v7 =	vmul.f32 v7, v41;
	v9 =	vmul.f32 v51, v6;
	[tilespmem:$0x1FEE0] =	vst v11  }
0x456: {  	v60 =	vmul.f32 v45, v60;
	v41 =	vmul.u32 $0x5, v50;
	v53 =	vld.idx.msk [tilespmem:v26+s6+$0x0], $0xffff  }
0x457: {  	v0 =	vadd.f32 v0, v7;
	v5 =	vmul.f32 $4.000000060e-01, v5;
	v7 =	vadd.f32 $4.000000060e-01, v9;
	v9 =	vld.idx.msk [tilespmem:v31+s4+$0x0], $0xffff  }
0x458: {  	vm13 =	vgt.s32 v33, $0x4DF;
	v52 =	vadd.f32 v60, v43;
	v42 =	vadd.f32 v42, v1;
	v4 =	vld.idx.msk [tilespmem:v4+s5+$0x0], $0xffff  }
0x459: {  	s22 =	simm.s32 $0x1B630;
	v60 =	vmul.u32 $0x5, v3;
	v1 =	vadd.f32 v2, v12;
	v5 =	vmul.f32 $1.442695020e+00, v5;
	v31 =	vld.idx.msk [tilespmem:v54+s2+$0x0], $0xffff  }
0x45a: {  	v11 =	vmul.f32 v44, v45;
	v7 =	vmul.f32 v7, v6;
	v26 =	vsel vm13, $0x4, v59;
	v44 =	vld [tilespmem:s22+$0x0]  }
0x45b: {  	v59 =	vmul.u32 $0x5, v33;
	(erf) = vpow2.f32 v5;
	[tilespmem:$0x1FEF0] =	vst v1;
	v5 =	vmul.f32 v42, v46;
	v1 =	vld [tilespmem:$0x1FF10]  }
0x45c: {  	v11 =	vadd.f32 v11, v32;
	v26 =	vadd.s32 v33, v26;
	v7 =	vadd.f32 $6.666666860e-01, v7;
	v12 =	vld.idx.msk [tilespmem:v33+s12+$0x0], $0xffff  }
0x45d: {  	v10 =	vadd.s32 $0xFFFFFF81, v10;
	v45 =	vmul.u32 $0x5, v26;
	v0 =	vadd.f32 v0, v5;
	v5 =	vld.idx.msk [tilespmem:v41+s2+$0x0], $0xffff  }
0x45e: {  	v10 =	vcvt.s32.f32 v10;
	v11 =	vadd.f32 v11, v47;
	v6 =	vmul.f32 v7, v6;
	v7 =	vld [tilespmem:$0x1FF30]  }
0x45f: {  	v54 =	vadd.s32 $0x4, v59;
	v51 =	vadd.f32 v53, v39;
	v39 =	vld.idx.msk [tilespmem:v3+s6+$0x0], $0xffff;
	v4 =	vadd.f32 v4, v9  }
0x460: {  	v9 =	vmul.f32 v11, v31;
	v11 =	vld.idx.msk [tilespmem:v60+s8+$0x0], $0xffff;
	v6 =	vadd.f32 $2.000000000e+00, v6;
	v31 =	vadd.s32 $0x1, v59  }
0x461: {  	v2 =	vadd.f32 v52, v49;
	v52 =	vadd.s32 $0x1, v45;
	v36 =	vld.idx.msk [tilespmem:v59+s13+$0x0], $0xffff  }
0x462: {  	v10 =	vmul.f32 $6.931471820e-01, v10;
	v46 =	vadd.s32 $0x2, v59;
	v32 =	vld.idx.msk [tilespmem:v59+s14+$0x0], $0xffff;
	v6 =	vmul.f32 v6, v8  }
0x463: {  	vm14 =	vlt.f32 v34, $0.0e+00;
	v42 =	vadd.s32 $0x3, v59;
	v53 =	vld.idx.msk [tilespmem:v45+s18+$0x0], $0xffff  }
0x464: {  	vm15 =	vgt.f32 v34, $0.0e+00;
	v2 =	vadd.f32 $4.000000000e+00, v2;
	v6 =	vadd.f32 v6, v10;
	v10 =	vld.idx.msk [tilespmem:v54+s13+$0x0], $0xffff;
	[tilespmem:$0x1FF00] =	vst v55  }
0x465: {  	v59 =	vand.u32 $0x80000000, v34;
	v4 =	vmul.f32 v4, v51;
	v0 =	vadd.f32 v9, v0;
	v9 =	vld.idx.msk [tilespmem:v31+s13+$0x0], $0xffff  }
0x466: {  	vm0 =	vmor vm15, vm14;
	v8 =	vadd.s32 $0x2, v45;
	v49 =	vor.u32 v59, v55;
	v43 =	vld.idx.msk [tilespmem:v52+s18+$0x0], $0xffff  }
0x467: {  	v34 =	vsel vm0, v49, v34;
	v40 =	vpop (erf);
	v2 =	vadd.f32 v2, v4;
	v4 =	vld.idx.msk [tilespmem:v46+s13+$0x0], $0xffff;
	v52 =	vadd.s32 $0x4, v45  }
0x468: {  	v18 =	vadd.s32 $0x1, v14;
	v59 =	vmul.f32 v40, v34;
	v45 =	vadd.s32 $0x3, v45;
	v34 =	vld.idx.msk [tilespmem:v42+s13+$0x0], $0xffff  }
0x469: {  	v38 =	vbroadcast v22, $0x0;
	v31 =	vld.idx.msk [tilespmem:v31+s14+$0x0], $0xffff;
	v0 =	vadd.f32 v0, v2;
	v2 =	vadd.s32 $0x1, v60  }
0x46a: {  	v15 =	vadd.s32 $0x2, v14;
	v16 =	vadd.s32 $0x3, v14;
	v13 =	vadd.s32 $0x4, v14;
	v49 =	vld.idx.msk [tilespmem:v46+s14+$0x0], $0xffff  }
0x46b: {  	v37 =	vadd.s32 v14, v38;
	v8 =	vld.idx.msk [tilespmem:v8+s18+$0x0], $0xffff;
	v32 =	vmul.f32 v59, v32;
	v36 =	vadd.f32 v53, v36  }
0x46c: {  	v22 =	vadd.s32 v13, v38;
	v48 =	vmul.f32 v35, v61;
	v46 =	vadd.f32 v39, v12;
	v39 =	vld.idx.msk [tilespmem:v52+s18+$0x0], $0xffff  }
0x46d: {  	v12 =	vmul.f32 v35, v20;
	v6 =	vmul.f32 $4.000000060e-01, v6;
	v32 =	vadd.f32 v32, v36;
	v36 =	vld.idx.msk [tilespmem:v45+s18+$0x0], $0xffff  }
0x46e: {  	v48 =	vadd.f32 v48, v23;
	v56 =	vadd.s32 v18, v38;
	v51 =	vmul.u32 $0x3C, v50;
	v45 =	vld.idx.msk [tilespmem:v2+s8+$0x0], $0xffff;
	[tilespmem:$0x1FF40] =	vst v57  }
0x46f: {  	v12 =	vadd.f32 v12, v57;
	v6 =	vmul.f32 $1.442695020e+00, v6;
	v57 =	vmul.f32 v59, v31;
	v31 =	vld [tilespmem:s20+$0xFFFFFFF0];
	[tilespmem:$0x1FF50] =	vst v58  }
0x470: {  	v44 =	vadd.s32 v44, v51;
	v55 =	vmov s3;
	v53 =	vmul.f32 v35, v1;
	[tilespmem:$0x1FF60] =	vst v63  }
0x471: {  	(erf) = vpow2.f32 v6;
	v6 =	vadd.s32 v15, v38;
	v11 =	vadd.f32 v32, v11;
	v32 =	vld [tilespmem:s21+$0xFFFFFFF0]  }
0x472: {  	s19 =	simm.s32 $0x1DE80;
	v9 =	vadd.f32 v43, v9;
	v43 =	vadd.s32 v16, v38;
	v52 =	vadd.f32 v53, v19;
	v47 =	vld.idx.msk [tilespmem:v3+s7+$0x0], $0xffff  }
0x473: {  	v38 =	vmul.f32 v59, v49;
	v2 =	vmul.u32 $0x5, v55;
	[tilespmem:v37+s19+$0x0] =	vst.idx.msk $0xffff, v48;
	v51 =	vld.idx.msk [tilespmem:v50+s4+$0x0], $0xffff  }
0x474: {  	v4 =	vadd.f32 v8, v4;
	v8 =	vmul.f32 v35, v7;
	v55 =	vld.idx.msk [tilespmem:v33+s9+$0x0], $0xffff;
	[tilespmem:$0x1FF70] =	vst v14  }
0x475: {  	v35 =	vmul.f32 v35, v62;
	v37 =	vbroadcast v2, $0x0;
	v3 =	vadd.f32 v57, v9;
	[tilespmem:$0x1FF80] =	vst v18  }
0x476: {  	v9 =	vadd.s32 $0x1, v41;
	v50 =	vmul.f32 v0, v1;
	v40 =	vadd.f32 v8, v58;
	v57 =	vld.idx.msk [tilespmem:v33+s10+$0x0], $0xffff  }
0x477: {  	v26 =	vadd.f32 v35, v63;
	v63 =	vadd.f32 v39, v10;
	v39 =	vld.idx.msk [tilespmem:v42+s14+$0x0], $0xffff;
	[tilespmem:$0x1FF90] =	vst v15  }
0x478: {  	v5 =	vmul.f32 v11, v5;
	v2 =	vadd.f32 v36, v34;
	v53 =	vadd.s32 v14, v37;
	[tilespmem:$0x1FFA0] =	vst v16  }
0x479: {  	v11 =	vadd.s32 $0x2, v60;
	v48 =	vadd.s32 v18, v37;
	v10 =	vadd.f32 v38, v4;
	v58 =	vld.idx.msk [tilespmem:v44+s5+$0x0], $0xffff;
	[tilespmem:$0x1FFB0] =	vst v13  }
0x47a: {  	v35 =	vadd.s32 v15, v37;
	v33 =	vadd.s32 v16, v37;
	v4 =	vadd.s32 $0x2, v41;
	[tilespmem:$0x1FFC0] =	vst v61  }
0x47b: {  	v49 =	vadd.s32 $0x3, v60;
	v34 =	vadd.s32 v13, v37;
	v42 =	vmul.f32 v0, v61;
	v61 =	vld.idx.msk [tilespmem:v9+s2+$0x0], $0xffff;
	[tilespmem:$0x1FFD0] =	vst v62  }
0x47c: {  	v1 =	vadd.s32 $0x3, v41;
	v38 =	vmul.f32 v0, v20;
	v37 =	vmul.f32 v0, v7;
	[tilespmem:v56+s19+$0x0] =	vst.idx.msk $0xffff, v52  }
0x47d: {  	v36 =	vmul.f32 v0, v62;
	v7 =	vadd.s32 $0x4, v60;
	v8 =	vadd.f32 v3, v45;
	v3 =	vld.idx.msk [tilespmem:v54+s14+$0x0], $0xffff;
	[tilespmem:$0x1FFE0] =	vst v23  }
0x47e: {  	v60 =	vadd.f32 v50, v19;
	v52 =	vmul.u32 $0x5, v31;
	v54 =	vmul.u32 $0x5, v32;
	v9 =	vld.idx.msk [tilespmem:v11+s8+$0x0], $0xffff;
	[tilespmem:$0x1FFF0] =	vst v19  }
0x47f: {  	v0 =	vadd.s32 $0x4, v41;
	v62 =	vadd.f32 v42, v23;
	v11 =	vmul.f32 v59, v39;
	v4 =	vld.idx.msk [tilespmem:v4+s2+$0x0], $0xffff  }
0x480: {  	v56 =	vadd.s32 $0x1, v52;
	v50 =	vadd.s32 $0x1, v54;
	v41 =	vadd.s32 $0x3, v52;
	[tilespmem:v6+s19+$0x0] =	vst.idx.msk $0xffff, v12;
	v6 =	vld.idx.msk [tilespmem:v49+s8+$0x0], $0xffff  }
0x481: {  	v45 =	vadd.s32 $0x3, v54;
	v44 =	vadd.s32 $0x4, v52;
	v39 =	vadd.s32 $0x4, v54;
	v1 =	vld.idx.msk [tilespmem:v1+s2+$0x0], $0xffff;
	[tilespmem:v43+s19+$0x0] =	vst.idx.msk $0xffff, v40  }
0x482: {  	s15 =	sadd.s32 s15, s16;
	s16 =	simm.s32 $0x2;
	s23 =	simm.s32 $0x1AE50;
	v49 =	vadd.s32 $0x2, v52;
	v7 =	vld.idx.msk [tilespmem:v7+s8+$0x0], $0xffff;
	v12 =	vpop (erf);
	v43 =	vadd.s32 $0x2, v54;
	v40 =	vmul.u32 $0x3C, v32;
	[tilespmem:v22+s19+$0x0] =	vst.idx.msk $0xffff, v26  }
.LBB2_27:
0x483: {  	_ = 	snop  }
0x484: {  	v2 =	vadd.f32 v11, v2  }
0x485: {  	v5 =	vadd.f32 $0.0e+00, v5;
	v8 =	vmul.f32 v8, v61;
	v9 =	vadd.f32 v10, v9  }
0x486: {  	v13 =	vmul.f32 v59, v57;
	v3 =	vmul.f32 v3, v59;
	v59 =	vld [tilespmem:s23+$0xFFFFFFF0]  }
0x487: {  	v5 =	vadd.f32 v5, v8;
	v2 =	vadd.f32 v2, v6;
	v4 =	vmul.f32 v9, v4;
	_ =	sdelay $0x1  }
0x488: {  	v1 =	vmul.f32 v2, v1;
	v4 =	vadd.f32 v5, v4;
	_ =	sdelay $0x1  }
0x489: {  	v0 =	vld.idx.msk [tilespmem:v0+s2+$0x0], $0xffff;
	v1 =	vadd.f32 v4, v1;
	v4 =	vmul.u32 $0x5, v59  }
0x48a: {  	v54 =	vld.idx.msk [tilespmem:v54+s2+$0x0], $0xffff  }
0x48b: {  	v10 =	vadd.f32 v13, v55;
	v55 =	vld.idx.msk [tilespmem:v52+s8+$0x0], $0xffff  }
0x48c: {  	v52 =	vld.idx.msk [tilespmem:v56+s8+$0x0], $0xffff  }
0x48d: {  	v3 =	vadd.f32 v3, v63;
	v9 =	vadd.f32 v58, v51;
	v51 =	vld [tilespmem:s22+$0xFFFFFFF0];
	[tilespmem:v53+s19+$0x0] =	vst.idx.msk $0xffff, v62  }
0x48e: {  	v42 =	vld [tilespmem:s23+$0x0];
	[tilespmem:v48+s19+$0x0] =	vst.idx.msk $0xffff, v60  }
0x48f: {  	v8 =	vadd.f32 v10, v47;
	v2 =	vadd.f32 v3, v7;
	v14 =	vld.idx.msk [tilespmem:v4+s14+$0x0], $0xffff  }
0x490: {  	v57 =	vmul.f32 v12, v30  }
0x491: {  	v5 =	vmul.f32 v9, v46;
	v0 =	vmul.f32 v2, v0;
	v2 =	vadd.f32 $4.000000000e+00, v8  }
0x492: {  	v26 =	vld [tilespmem:$0x1FFC0]  }
0x493: {  	v6 =	vmul.f32 v57, v28;
	v0 =	vadd.f32 v0, v1;
	v1 =	vadd.f32 v2, v5  }
0x494: {  	s17 =	sadd.s32 $0x20, s17;
	[tilespmem:$0x1FE50] =	vst v14;
	v14 =	vld [tilespmem:$0x1FFE0]  }
0x495: {  	v56 =	vadd.f32 v6, v29;
	v6 =	vld [tilespmem:s17+$0x0];
	v0 =	vadd.f32 v0, v1;
	_ =	sdelay $0x1  }
0x496: {  	v7 =	vld.idx.msk [tilespmem:v42+s11+$0x0], $0xffff;
	v29 =	vmul.f32 v0, v26;
	_ =	sdelay $0x1  }
0x497: {  	v29 =	vadd.f32 v29, v14;
	v14 =	vld [tilespmem:$0x1FF20]  }
0x498: {  	v6 =	vcvt.s32.f32 v6;
	_ =	sdelay $0x1  }
0x499: {  	s3 =	sadd.s32 $0x20, s3;
	v46 =	vsub.f32 v6, v7;
	v6 =	vld [tilespmem:$0x1FF10]  }
0x49a: {  	v18 =	vld [tilespmem:$0x1FF70];
	s24 =	sadd.s32 $0x10, s3  }
0x49b: {  	v3 =	vmov s24;
	v53 =	vmul.f32 v0, v14;
	v14 =	vld [tilespmem:$0x1FFF0]  }
0x49c: {  	v20 =	vld [tilespmem:$0x1FF80];
	v3 =	vmul.u32 $0x5, v3;
	_ =	sdelay $0x1  }
0x49d: {  	v23 =	vld [tilespmem:$0x1FF90];
	v3 =	vbroadcast v3, $0x0;
	v6 =	vmul.f32 v0, v6  }
0x49e: {  	v19 =	vld [tilespmem:$0x1FFA0]  }
0x49f: {  	v13 =	vadd.s32 v18, v3;
	v6 =	vadd.f32 v6, v14;
	v14 =	vld [tilespmem:$0x1FF30]  }
0x4a0: {  	v22 =	vld [tilespmem:$0x1FFB0];
	v63 =	vmovc v33;
	v33 =	vmovc v34;
	v34 =	vimm.s32 $0x0;
	vm0 =	vgt.s32 v59, $0x4DF;
	v30 =	vadd.s32 v20, v3  }
0x4a1: {  	v15 =	vld [tilespmem:$0x1FF50];
	v9 =	vsel vm0, $0x4, v34  }
0x4a2: {  	v28 =	vld [tilespmem:$0x1FFD0];
	v5 =	vadd.s32 v59, v9  }
0x4a3: {  	v8 =	vld [tilespmem:s17+$0xFFFFFFF0];
	v5 =	vmul.u32 $0x5, v5  }
0x4a4: {  	[tilespmem:v13+s19+$0x0] =	vst.idx.msk $0xffff, v29;
	v60 =	vmul.f32 v0, v14;
	v14 =	vld [tilespmem:$0x1FF40]  }
0x4a5: {  	v16 =	vld [tilespmem:$0x1FF60];
	[tilespmem:v30+s19+$0x0] =	vst.idx.msk $0xffff, v6;
	v30 =	vadd.s32 $0x1, v5  }
0x4a6: {  	v48 =	vadd.s32 v23, v3;
	v2 =	vld.idx.msk [tilespmem:v59+s11+$0x0], $0xffff  }
0x4a7: {  	v10 =	vadd.s32 $0x2, v4;
	v7 =	vadd.s32 v19, v3  }
0x4a8: {  	v11 =	vld.idx.msk [tilespmem:v50+s2+$0x0], $0xffff;
	v8 =	vcvt.s32.f32 v8;
	v3 =	vadd.s32 v22, v3;
	v47 =	vand.u32 $0x7FFFFFFF, v46  }
0x4a9: {  	v50 =	vld.idx.msk [tilespmem:v4+s13+$0x0], $0xffff;
	v61 =	vand.u32 $0x7FFFFF, v47;
	v0 =	vmul.f32 v0, v28;
	v13 =	vadd.f32 v53, v14  }
0x4aa: {  	v6 =	vadd.f32 v60, v15;
	v53 =	vor.u32 $0x3F800000, v61;
	v61 =	vld.idx.msk [tilespmem:v30+s18+$0x0], $0xffff  }
0x4ab: {  	v9 =	vadd.s32 $0x1, v4;
	v2 =	vsub.f32 v8, v2;
	v0 =	vadd.f32 v0, v16;
	v30 =	vld [tilespmem:$0x1FF00];
	[tilespmem:v48+s19+$0x0] =	vst.idx.msk $0xffff, v13  }
0x4ac: {  	v8 =	vld.idx.msk [tilespmem:v10+s13+$0x0], $0xffff;
	v60 =	vmul.f32 $5.000000000e-01, v53;
	[tilespmem:v7+s19+$0x0] =	vst.idx.msk $0xffff, v6  }
0x4ad: {  	vm1 =	vlt.f32 v2, $0.0e+00;
	v29 =	vld.idx.msk [tilespmem:v5+s18+$0x0], $0xffff;
	vm12 =	vgt.f32 v53, $1.414213540e+00;
	[tilespmem:v3+s19+$0x0] =	vst.idx.msk $0xffff, v0;
	v3 =	vand.u32 $0x7FFFFFFF, v2  }
0x4ae: {  	v6 =	vld.idx.msk [tilespmem:v10+s14+$0x0], $0xffff;
	v10 =	vsel vm12, v60, v53;
	v60 =	vshrl.u32 v3, $0x17;
	v3 =	vand.u32 $0x7FFFFF, v3  }
0x4af: {  	vm2 =	vgt.f32 v2, $0.0e+00;
	v0 =	vand.u32 $0x80000000, v2;
	v3 =	vor.u32 $0x3F800000, v3  }
0x4b0: {  	v58 =	vld.idx.msk [tilespmem:v9+s13+$0x0], $0xffff;
	vm1 =	vmor vm2, vm1;
	v0 =	vor.u32 v0, v30;
	vm3 =	vgt.f32 v3, $1.414213540e+00  }
0x4b1: {  	v12 =	vld.idx.msk [tilespmem:v49+s8+$0x0], $0xffff;
	v48 =	vadd.f32 $1.000000000e+00, v10;
	v0 =	vsel vm1, v0, v2;
	v62 =	vsel vm3, $0x1, v34  }
0x4b2: {  	v43 =	vld.idx.msk [tilespmem:v43+s2+$0x0], $0xffff;
	v29 =	vadd.f32 v29, v50;
	v13 =	vadd.s32 $0x2, v5;
	[tilespmem:$0x1FE40] =	vst v0;
	v0 =	vadd.s32 v62, v60  }
0x4b3: {  	v41 =	vld.idx.msk [tilespmem:v41+s8+$0x0], $0xffff;
	v7 =	vadd.s32 $0x3, v5;
	(erf) = vrcp.f32 v48;
	v0 =	vadd.s32 $0xFFFFFF81, v0  }
0x4b4: {  	[tilespmem:$0x1FE60] =	vst v29;
	v29 =	vld [tilespmem:$0x1FEC0];
	v5 =	vadd.s32 $0x4, v5;
	v48 =	vmul.f32 $5.000000000e-01, v3;
	v0 =	vcvt.s32.f32 v0  }
0x4b5: {  	v9 =	vld.idx.msk [tilespmem:v9+s14+$0x0], $0xffff;
	v58 =	vadd.f32 v61, v58  }
0x4b6: {  	v1 =	vadd.s32 $0x3, v4;
	v2 =	vsel vm3, v48, v3;
	v48 =	vmul.f32 $6.931471820e-01, v0;
	v0 =	vld [tilespmem:$0x1FEA0]  }
0x4b7: {  	v61 =	vmul.f32 v57, v25;
	v13 =	vld.idx.msk [tilespmem:v13+s18+$0x0], $0xffff;
	v25 =	vmov v58  }
0x4b8: {  	v4 =	vadd.s32 $0x4, v4;
	[tilespmem:$0x1FEA0] =	vst v25;
	v25 =	vld [tilespmem:$0x1FEB0]  }
0x4b9: {  	v3 =	vld.idx.msk [tilespmem:v5+s18+$0x0], $0xffff;
	v60 =	vmul.f32 v57, v29;
	v5 =	vadd.f32 $-1.000000000e+00, v2;
	v2 =	vadd.f32 $1.000000000e+00, v2  }
0x4ba: {  	v45 =	vld.idx.msk [tilespmem:v45+s2+$0x0], $0xffff  }
0x4bb: {  	v53 =	vld.idx.msk [tilespmem:v1+s13+$0x0], $0xffff;
	v29 =	vmovc v9;
	(erf) = vrcp.f32 v2;
	v2 =	vadd.f32 v56, v55;
	v0 =	vadd.f32 v60, v0  }
0x4bc: {  	v1 =	vld.idx.msk [tilespmem:v1+s14+$0x0], $0xffff  }
0x4bd: {  	v58 =	vld.idx.msk [tilespmem:v4+s13+$0x0], $0xffff;
	v2 =	vmul.f32 v2, v54;
	v25 =	vadd.f32 v61, v25;
	v0 =	vadd.f32 v0, v52  }
0x4be: {  	v4 =	vld.idx.msk [tilespmem:v4+s14+$0x0], $0xffff;
	[tilespmem:$0x1FEC0] =	vst v29;
	v29 =	vmov v6;
	v6 =	vadd.f32 v13, v8;
	v8 =	vadd.f32 $-1.000000000e+00, v10  }
0x4bf: {  	v7 =	vld.idx.msk [tilespmem:v7+s18+$0x0], $0xffff;
	v2 =	vadd.f32 $0.0e+00, v2;
	v0 =	vmul.f32 v0, v11;
	v11 =	vadd.f32 v25, v12  }
0x4c0: {  	v9 =	vld.idx.msk [tilespmem:v59+s9+$0x0], $0xffff;
	v13 =	vpop (erf)  }
0x4c1: {  	v62 =	vld.idx.msk [tilespmem:v31+s7+$0x0], $0xffff;
	v8 =	vmul.f32 v13, v8;
	v0 =	vadd.f32 v2, v0;
	v2 =	vmul.f32 v11, v43  }
0x4c2: {  	v56 =	vmul.f32 v57, v24;
	v24 =	vld [tilespmem:$0x1FED0];
	v13 =	vadd.s32 v51, v40;
	v12 =	vmov v1  }
0x4c3: {  	v17 =	vmul.f32 v57, v17;
	[tilespmem:$0x1FE70] =	vst v12;
	v12 =	vmul.f32 v8, v8;
	v0 =	vadd.f32 v0, v2;
	v2 =	vld [tilespmem:$0x1FEF0]  }
0x4c4: {  	v7 =	vadd.f32 v7, v53;
	v3 =	vadd.f32 v3, v58;
	v1 =	vld.idx.msk [tilespmem:v59+s12+$0x0], $0xffff  }
0x4c5: {  	v10 =	vld.idx.msk [tilespmem:v44+s8+$0x0], $0xffff;
	v11 =	vmul.f32 v27, v57;
	v27 =	vadd.f32 v17, v21;
	v25 =	vmul.f32 $2.222222240e-01, v12  }
0x4c6: {  	v32 =	vld.idx.msk [tilespmem:v32+s4+$0x0], $0xffff  }
0x4c7: {  	v13 =	vld.idx.msk [tilespmem:v13+s5+$0x0], $0xffff;
	v21 =	vpop (erf);
	[tilespmem:$0x1FEF0] =	vst v3;
	v3 =	vadd.f32 $2.857142980e-01, v25  }
0x4c8: {  	v5 =	vmul.f32 v21, v5;
	v21 =	vmovc v9;
	v9 =	vadd.f32 v27, v62;
	v2 =	vadd.f32 v11, v2  }
0x4c9: {  	s21 =	sadd.s32 $0x20, s21;
	v24 =	vadd.f32 v56, v24;
	v17 =	vmovc v7;
	v7 =	vmovc v1;
	v27 =	vmov v4;
	v4 =	vld [tilespmem:$0x1FEE0];
	v3 =	vmul.f32 v3, v12  }
0x4ca: {  	[tilespmem:$0x1FEE0] =	vst v7;
	v7 =	vadd.f32 $4.000000000e+00, v9;
	v9 =	vld [tilespmem:s21+$0x0];
	v2 =	vadd.f32 v2, v10;
	v10 =	vmovc v6;
	v6 =	vmul.f32 v5, v5  }
0x4cb: {  	v24 =	vadd.f32 v24, v41;
	v11 =	vld.idx.msk [tilespmem:v39+s2+$0x0], $0xffff;
	v3 =	vadd.f32 $4.000000060e-01, v3  }
0x4cc: {  	v38 =	vadd.f32 v38, v14;
	v60 =	vld.idx.msk [tilespmem:v31+s6+$0x0], $0xffff;
	v1 =	vmul.f32 $2.222222240e-01, v6  }
0x4cd: {  	s20 =	sadd.s32 $0x20, s20;
	v49 =	vld.idx.msk [tilespmem:v59+s10+$0x0], $0xffff;
	v31 =	vmov s3;
	v61 =	vmul.f32 v24, v45;
	v3 =	vmul.f32 v3, v12  }
0x4ce: {  	v62 =	vmul.u32 $0x5, v31;
	v31 =	vld [tilespmem:s20+$0xFFFFFFF0];
	v13 =	vadd.f32 v13, v32;
	v1 =	vadd.f32 $2.857142980e-01, v1  }
0x4cf: {  	s22 =	sadd.s32 $0x20, s22;
	v50 =	vshrl.u32 v47, $0x17;
	v32 =	vld [tilespmem:s21+$0xFFFFFFF0];
	v0 =	vadd.f32 v0, v61;
	[tilespmem:v35+s19+$0x0] =	vst.idx.msk $0xffff, v38;
	v3 =	vadd.f32 $6.666666860e-01, v3  }
0x4d0: {  	v43 =	vld [tilespmem:s22+$0x0];
	v2 =	vmul.f32 v2, v11;
	v11 =	vadd.f32 v37, v15;
	v1 =	vmul.f32 v1, v6  }
0x4d1: {  	v51 =	vsel vm12, $0x1, v34;
	v4 =	vadd.f32 v60, v4;
	[tilespmem:$0x1FEB0] =	vst v10;
	v10 =	vld [tilespmem:s20+$0x0];
	v3 =	vmul.f32 v3, v12  }
0x4d2: {  	v0 =	vadd.f32 v2, v0;
	[tilespmem:v63+s19+$0x0] =	vst.idx.msk $0xffff, v11;
	v2 =	vadd.s32 v51, v50;
	v11 =	vadd.f32 $4.000000060e-01, v1  }
0x4d3: {  	v63 =	vmul.u32 $0x5, v9;
	v51 =	vld.idx.msk [tilespmem:v9+s4+$0x0], $0xffff;
	v9 =	vmul.u32 $0x3C, v9;
	v2 =	vadd.s32 $0xFFFFFF81, v2  }
0x4d4: {  	v3 =	vadd.f32 $2.000000000e+00, v3;
	v2 =	vcvt.s32.f32 v2;
	v11 =	vmul.f32 v11, v6  }
0x4d5: {  	v4 =	vmul.f32 v13, v4;
	v13 =	vadd.f32 v36, v16;
	v9 =	vadd.s32 v43, v9  }
0x4d6: {  	v55 =	vld.idx.msk [tilespmem:v42+s9+$0x0], $0xffff;
	v3 =	vmul.f32 v3, v8;
	v2 =	vmul.f32 $6.931471820e-01, v2;
	v8 =	vadd.f32 $6.666666860e-01, v11  }
0x4d7: {  	v57 =	vld.idx.msk [tilespmem:v42+s10+$0x0], $0xffff;
	[tilespmem:v33+s19+$0x0] =	vst.idx.msk $0xffff, v13;
	v13 =	vmul.u32 $0x5, v42  }
0x4d8: {  	v1 =	vld.idx.msk [tilespmem:v42+s12+$0x0], $0xffff;
	v2 =	vadd.f32 v3, v2;
	v3 =	vadd.s32 $0x1, v63;
	v6 =	vmul.f32 v8, v6  }
0x4d9: {  	v47 =	vld.idx.msk [tilespmem:v10+s7+$0x0], $0xffff  }
0x4da: {  	vm13 =	vgt.s32 v42, $0x4DF;
	v12 =	vmul.u32 $0x5, v10;
	v10 =	vld.idx.msk [tilespmem:v10+s6+$0x0], $0xffff;
	v6 =	vadd.f32 $2.000000000e+00, v6  }
0x4db: {  	v58 =	vld.idx.msk [tilespmem:v9+s5+$0x0], $0xffff;
	v9 =	vsel vm13, $0x4, v34;
	v34 =	vadd.s32 $0x2, v13  }
0x4dc: {  	v14 =	vld.idx.msk [tilespmem:v63+s2+$0x0], $0xffff;
	v5 =	vmul.f32 v6, v5;
	v6 =	vadd.s32 v42, v9  }
0x4dd: {  	v61 =	vld.idx.msk [tilespmem:v3+s2+$0x0], $0xffff;
	v3 =	vmul.u32 $0x5, v6  }
0x4de: {  	v60 =	vld.idx.msk [tilespmem:v13+s13+$0x0], $0xffff  }
0x4df: {  	v59 =	vbroadcast v62, $0x0;
	v62 =	vld.idx.msk [tilespmem:v13+s14+$0x0], $0xffff  }
0x4e0: {  	v4 =	vadd.f32 v7, v4;
	v53 =	vadd.s32 $0x3, v13;
	v15 =	vld.idx.msk [tilespmem:v34+s13+$0x0], $0xffff  }
0x4e1: {  	v11 =	vadd.s32 $0x4, v13;
	v16 =	vld.idx.msk [tilespmem:v34+s14+$0x0], $0xffff;
	v34 =	vadd.s32 v22, v59;
	v22 =	vand.u32 $0x80000000, v46  }
0x4e2: {  	[tilespmem:$0x1FE80] =	vst v21;
	v2 =	vmul.f32 $4.000000060e-01, v2;
	v21 =	vor.u32 v22, v30;
	v22 =	vld [tilespmem:$0x1FF20];
	v7 =	vadd.s32 $0x1, v3  }
0x4e3: {  	[tilespmem:$0x1FED0] =	vst v17;
	v9 =	vadd.s32 $0x2, v3;
	v36 =	vadd.s32 $0x4, v3;
	v17 =	vld.idx.msk [tilespmem:v3+s18+$0x0], $0xffff;
	v3 =	vadd.s32 $0x3, v3  }
0x4e4: {  	v8 =	vld.idx.msk [tilespmem:v12+s8+$0x0], $0xffff  }
0x4e5: {  	v2 =	vmul.f32 $1.442695020e+00, v2;
	v42 =	vld.idx.msk [tilespmem:v53+s14+$0x0], $0xffff  }
0x4e6: {  	v0 =	vadd.f32 v0, v4;
	v30 =	vld [tilespmem:$0x1FE40];
	v6 =	vadd.s32 $0x1, v13  }
0x4e7: {  	(erf) = vpow2.f32 v2;
	v13 =	vld.idx.msk [tilespmem:v11+s13+$0x0], $0xffff;
	v2 =	vadd.f32 v5, v48  }
0x4e8: {  	v38 =	vmul.f32 v0, v22;
	v22 =	vld.idx.msk [tilespmem:v3+s18+$0x0], $0xffff  }
0x4e9: {  	v2 =	vmul.f32 $4.000000060e-01, v2;
	v3 =	vld [tilespmem:$0x1FF30]  }
0x4ea: {  	v5 =	vld.idx.msk [tilespmem:v53+s13+$0x0], $0xffff  }
0x4eb: {  	vm14 =	vlt.f32 v46, $0.0e+00;
	vm15 =	vgt.f32 v46, $0.0e+00;
	v2 =	vmul.f32 $1.442695020e+00, v2;
	v4 =	vld.idx.msk [tilespmem:v6+s13+$0x0], $0xffff  }
0x4ec: {  	vm0 =	vmor vm15, vm14;
	v53 =	vadd.s32 v18, v59;
	v6 =	vld.idx.msk [tilespmem:v6+s14+$0x0], $0xffff  }
0x4ed: {  	v18 =	vadd.s32 $0x1, v12;
	(erf) = vpow2.f32 v2;
	v2 =	vsel vm0, v21, v46;
	v21 =	vld [tilespmem:$0x1FF10]  }
0x4ee: {  	v37 =	vmul.f32 v0, v3;
	v3 =	vld.idx.msk [tilespmem:v11+s14+$0x0], $0xffff  }
0x4ef: {  	v11 =	vld [tilespmem:$0x1FFE0]  }
0x4f0: {  	v35 =	vadd.s32 v23, v59;
	v7 =	vld.idx.msk [tilespmem:v7+s18+$0x0], $0xffff  }
0x4f1: {  	v33 =	vadd.s32 v19, v59;
	v48 =	vadd.s32 v20, v59;
	v20 =	vld.idx.msk [tilespmem:v9+s18+$0x0], $0xffff;
	v9 =	vadd.s32 $0x2, v12;
	v59 =	vpop (erf)  }
0x4f2: {  	v19 =	vmul.f32 v0, v26;
	v18 =	vld.idx.msk [tilespmem:v18+s8+$0x0], $0xffff;
	v59 =	vmul.f32 v59, v2;
	v2 =	vadd.s32 $0x2, v63  }
0x4f3: {  	v23 =	vadd.s32 $0x3, v12;
	v46 =	vmul.f32 v0, v21;
	v21 =	vld.idx.msk [tilespmem:v36+s18+$0x0], $0xffff  }
0x4f4: {  	v52 =	vmul.u32 $0x5, v31;
	v26 =	vmul.f32 v59, v62;
	v62 =	vadd.f32 v19, v11;
	v11 =	vld [tilespmem:$0x1FFF0]  }
0x4f5: {  	v54 =	vmul.u32 $0x5, v32;
	v24 =	vadd.s32 $0x3, v63;
	v36 =	vmul.f32 v0, v28;
	v28 =	vld [tilespmem:$0x1FE50]  }
0x4f6: {  	v40 =	vmul.u32 $0x3C, v32;
	v6 =	vmul.f32 v59, v6;
	v7 =	vadd.f32 v7, v4;
	v9 =	vld.idx.msk [tilespmem:v9+s8+$0x0], $0xffff  }
0x4f7: {  	[tilespmem:$0x1FE90] =	vst v29;
	v29 =	vmovc v49;
	v56 =	vadd.s32 $0x1, v52;
	v49 =	vadd.s32 $0x2, v52;
	v4 =	vld.idx.msk [tilespmem:v2+s2+$0x0], $0xffff;
	v0 =	vadd.f32 v17, v60  }
0x4f8: {  	s16 =	sadd.s32 $0x2, s16;
	v41 =	vadd.s32 $0x3, v52;
	v25 =	vadd.s32 $0x4, v12;
	v7 =	vadd.f32 v6, v7;
	v6 =	vld.idx.msk [tilespmem:v23+s8+$0x0], $0xffff  }
0x4f9: {  	p0 =	slt.u32 s16, $0x3E;
	v45 =	vadd.s32 $0x3, v54;
	v17 =	vmovc v29;
	v29 =	vld [tilespmem:$0x1FE60];
	v60 =	vadd.f32 v46, v11;
	v11 =	vadd.f32 v26, v0  }
.Ltmp13:
0x4fa: {  	v44 =	vadd.s32 $0x4, v52;
	v39 =	vadd.s32 $0x4, v54;
	v46 =	vadd.f32 v10, v1;
	v1 =	vld.idx.msk [tilespmem:v24+s2+$0x0], $0xffff;
	(pc) =	sbr.rel @p0 .LBB2_27-.Ltmp13, $4  }
0x4fb: {  	v50 =	vadd.s32 $0x1, v54;
	v10 =	vadd.f32 v20, v15;
	v24 =	vld [tilespmem:$0x1FE70];
	v8 =	vadd.f32 v11, v8  }
0x4fc: {  	v0 =	vadd.s32 $0x4, v63;
	v15 =	vmul.f32 v59, v16;
	v63 =	vadd.f32 v21, v13;
	v21 =	vld [tilespmem:$0x1FE80]  }
0x4fd: {  	v2 =	vadd.f32 v22, v5;
	v5 =	vmul.f32 v8, v14;
	v8 =	vadd.f32 v7, v18;
	v7 =	vld.idx.msk [tilespmem:v25+s8+$0x0], $0xffff  }
0x4fe: {  	s23 =	sadd.s32 $0x20, s23;
	v43 =	vadd.s32 $0x2, v54;
	v12 =	vpop (erf);
	v11 =	vmul.f32 v59, v42;
	v10 =	vadd.f32 v15, v10;
	v25 =	vld [tilespmem:$0x1FE90]  }
0x4ff: {  	_ =	sdelay $0x3  }
0x500: {  	v0 =	vld.idx.msk [tilespmem:v0+s2+$0x0], $0xffff  }
0x501: {  	v42 =	vmul.f32 v59, v57;
	v57 =	vld.idx.msk [tilespmem:v56+s8+$0x0], $0xffff  }
0x502: {  	v18 =	vld [tilespmem:s22+$0xFFFFFFF0]  }
0x503: {  	v19 =	vld [tilespmem:$0x1FEC0]  }
0x504: {  	v13 =	vld.idx.msk [tilespmem:v50+s2+$0x0], $0xffff  }
0x505: {  	v20 =	vld [tilespmem:$0x1FEA0]  }
0x506: {  	v22 =	vld.idx.msk [tilespmem:v49+s8+$0x0], $0xffff  }
0x507: {  	v3 =	vmul.f32 v3, v59;
	v59 =	vadd.f32 v58, v51;
	v51 =	vld.idx.msk [tilespmem:v44+s8+$0x0], $0xffff  }
0x508: {  	v56 =	vld.idx.msk [tilespmem:v32+s4+$0x0], $0xffff  }
0x509: {  	v2 =	vadd.f32 v11, v2;
	v11 =	vmul.f32 v12, v30;
	v30 =	vld [tilespmem:$0x1FEB0]  }
0x50a: {  	[tilespmem:v53+s19+$0x0] =	vst.idx.msk $0xffff, v62;
	v53 =	vld.idx.msk [tilespmem:v31+s6+$0x0], $0xffff  }
0x50b: {  	v9 =	vadd.f32 v10, v9;
	v10 =	vadd.f32 v42, v55;
	v55 =	vld.idx.msk [tilespmem:v52+s8+$0x0], $0xffff  }
0x50c: {  	v3 =	vadd.f32 v3, v63;
	v63 =	vld.idx.msk [tilespmem:v54+s2+$0x0], $0xffff  }
0x50d: {  	v42 =	vld.idx.msk [tilespmem:v41+s8+$0x0], $0xffff  }
0x50e: {  	v14 =	vld [tilespmem:$0x1FED0]  }
0x50f: {  	v8 =	vmul.f32 v8, v61;
	v5 =	vadd.f32 $0.0e+00, v5;
	[tilespmem:v48+s19+$0x0] =	vst.idx.msk $0xffff, v60;
	v60 =	vld.idx.msk [tilespmem:v39+s2+$0x0], $0xffff  }
0x510: {  	s3 =	sadd.s32 $0x20, s3;
	v61 =	vmul.f32 v11, v28;
	v28 =	vld.idx.msk [tilespmem:v43+s2+$0x0], $0xffff  }
0x511: {  	s9 =	sadd.s32 $0x10, s3;
	v5 =	vadd.f32 v5, v8;
	v4 =	vmul.f32 v9, v4;
	v9 =	vmul.f32 v59, v46;
	v46 =	vld.idx.msk [tilespmem:v45+s2+$0x0], $0xffff  }
0x512: {  	v2 =	vadd.f32 v2, v6;
	v43 =	vmov s9;
	v49 =	vmul.f32 v11, v24;
	v58 =	vld [tilespmem:$0x1FEF0]  }
0x513: {  	v52 =	vmul.f32 v11, v17;
	v62 =	vld [tilespmem:$0x1FF80];
	v16 =	vadd.f32 v3, v7;
	v10 =	vadd.f32 v10, v47  }
0x514: {  	v32 =	vld [tilespmem:$0x1FEE0];
	v4 =	vadd.f32 v5, v4;
	v1 =	vmul.f32 v2, v1;
	v7 =	vmul.f32 v11, v19  }
0x515: {  	v25 =	vmul.f32 v11, v25;
	v47 =	vld.idx.msk [tilespmem:v31+s7+$0x0], $0xffff;
	v5 =	vadd.f32 v61, v29;
	v23 =	vadd.f32 $4.000000000e+00, v10  }
0x516: {  	v3 =	vadd.s32 v18, v40;
	v19 =	vld [tilespmem:$0x1FFC0];
	v1 =	vadd.f32 v4, v1;
	v2 =	vadd.f32 v7, v20  }
0x517: {  	v18 =	vld [tilespmem:$0x1FF10];
	v0 =	vmul.f32 v16, v0;
	v5 =	vadd.f32 v5, v55;
	v7 =	vadd.f32 v25, v30  }
0x518: {  	v54 =	vmul.f32 v27, v11;
	v12 =	vadd.f32 v49, v14;
	v29 =	vadd.f32 v23, v9;
	v23 =	vld [tilespmem:$0x1FF70]  }
0x519: {  	v50 =	vmul.u32 $0x5, v43;
	v55 =	vadd.f32 v52, v21;
	v30 =	vld [tilespmem:$0x1FF90];
	v0 =	vadd.f32 v0, v1  }
0x51a: {  	v26 =	vadd.f32 v2, v57;
	v5 =	vmul.f32 v5, v63;
	v8 =	vadd.f32 v12, v42;
	v42 =	vld [tilespmem:$0x1FFE0]  }
0x51b: {  	v6 =	vbroadcast v50, $0x0;
	v4 =	vadd.f32 v7, v22;
	v7 =	vadd.f32 v55, v47;
	v22 =	vld [tilespmem:$0x1FFF0]  }
0x51c: {  	v57 =	vld.idx.msk [tilespmem:v3+s5+$0x0], $0xffff;
	v1 =	vmul.f32 v26, v13;
	v5 =	vadd.f32 $0.0e+00, v5;
	v0 =	vadd.f32 v0, v29  }
0x51d: {  	v43 =	vld [tilespmem:$0x1FF20];
	v63 =	vadd.s32 v62, v6;
	v3 =	vadd.f32 v54, v58;
	v59 =	vadd.s32 v23, v6  }
0x51e: {  	v15 =	vld [tilespmem:$0x1FF30];
	v2 =	vmul.f32 v4, v28;
	v1 =	vadd.f32 v5, v1;
	v61 =	vmul.f32 v0, v19  }
0x51f: {  	v20 =	vld [tilespmem:$0x1FF40];
	v4 =	vadd.f32 v53, v32;
	v3 =	vadd.f32 v3, v51;
	v39 =	vmul.f32 v0, v18  }
0x520: {  	v40 =	vld [tilespmem:$0x1FFA0];
	v8 =	vmul.f32 v8, v46;
	v1 =	vadd.f32 v1, v2;
	v11 =	vadd.f32 v61, v42  }
0x521: {  	v16 =	vld [tilespmem:$0x1FFD0];
	v31 =	vadd.s32 v30, v6;
	v2 =	vadd.f32 v57, v56;
	v14 =	vadd.f32 v39, v22  }
0x522: {  	v26 =	vld [tilespmem:$0x1FFB0];
	v46 =	vmov s3;
	v44 =	vmul.f32 v0, v43;
	v3 =	vmul.f32 v3, v60;
	[tilespmem:v59+s19+$0x0] =	vst.idx.msk $0xffff, v11  }
0x523: {  	v47 =	vadd.f32 $4.000000000e+00, v7;
	v1 =	vadd.f32 v1, v8;
	v2 =	vmul.f32 v2, v4;
	[tilespmem:v63+s19+$0x0] =	vst.idx.msk $0xffff, v14  }
0x524: {  	v13 =	vadd.f32 v44, v20;
	v4 =	vmul.u32 $0x5, v46;
	v10 =	vld [tilespmem:$0x1FF50]  }
0x525: {  	v1 =	vadd.f32 v3, v1;
	v2 =	vadd.f32 v47, v2  }
0x526: {  	v41 =	vadd.s32 v40, v6;
	v50 =	vadd.f32 v38, v20;
	v49 =	vbroadcast v4, $0x0;
	[tilespmem:v31+s19+$0x0] =	vst.idx.msk $0xffff, v13  }
0x527: {  	v45 =	vmul.f32 v0, v15;
	v0 =	vmul.f32 v0, v16;
	v11 =	vld [tilespmem:$0x1FF60];
	v51 =	vadd.f32 v1, v2  }
0x528: {  	v6 =	vadd.s32 v26, v6;
	[tilespmem:v35+s19+$0x0] =	vst.idx.msk $0xffff, v50;
	v54 =	vadd.s32 v23, v49  }
0x529: {  	v55 =	vadd.s32 v62, v49;
	v56 =	vmul.f32 v51, v19;
	v48 =	vadd.f32 v45, v10  }
0x52a: {  	v57 =	vadd.s32 v30, v49;
	v59 =	vadd.s32 v40, v49;
	v52 =	vadd.f32 v37, v10  }
0x52b: {  	v3 =	vadd.s32 v26, v49;
	v5 =	vadd.f32 v56, v42;
	[tilespmem:v41+s19+$0x0] =	vst.idx.msk $0xffff, v48  }
0x52c: {  	v58 =	vmul.f32 v51, v18;
	v0 =	vadd.f32 v0, v11;
	[tilespmem:v33+s19+$0x0] =	vst.idx.msk $0xffff, v52  }
0x52d: {  	v60 =	vmul.f32 v51, v43;
	v53 =	vadd.f32 v36, v11;
	[tilespmem:v54+s19+$0x0] =	vst.idx.msk $0xffff, v5  }
0x52e: {  	v61 =	vmul.f32 v51, v15;
	[tilespmem:v6+s19+$0x0] =	vst.idx.msk $0xffff, v0;
	v6 =	vadd.f32 v58, v22  }
0x52f: {  	v62 =	vadd.f32 v60, v20;
	[tilespmem:v34+s19+$0x0] =	vst.idx.msk $0xffff, v53;
	v0 =	vmul.f32 v51, v16  }
0x530: {  	v63 =	vadd.f32 v61, v10;
	[tilespmem:v55+s19+$0x0] =	vst.idx.msk $0xffff, v6  }
0x531: {  	v0 =	vadd.f32 v0, v11;
	[tilespmem:v57+s19+$0x0] =	vst.idx.msk $0xffff, v62  }
0x532: {  	[tilespmem:v59+s19+$0x0] =	vst.idx.msk $0xffff, v63  }
0x533: {  	s29 =	simm.s32 $0x0;
	s30 =	simm.s32 $0x1DE80;
	s31 =	simm.s32 $0x3;
	[tilespmem:v3+s19+$0x0] =	vst.idx.msk $0xffff, v0  }
0x534: {  	[hbm4b:s15+s29] =	stream.linear.scatter [tilespmem:s30], [sflag:$0x3], $0x1400, $0x38;
	[tilespmem:$0x1F428] =	vst v63  }
0x535: {  	_ =	swait.ge [sflag:s31], $0x1400  }
0x536: {  	[sflag:s31] =	ssyncset.done $0x0  }
0x537: {  	[sflag:s31] =	ssyncadd.s32 $0xFFFFEC00  }
0x538: {  	_ =	sfence.sel $0x180000  }
0x539: {  	[bflag:$0x0] =	sbarrier.arrive $0xFFFF  }
0x53a: {  	p0 =	sne.s32 s0, $0x0;
	_ =	strace $0x90000047  }
0x53b: {  	s0 =	sadd.s32 @!p0 $0x100000, s1;
	[bflag:$0x2] =	sbarrier.arrive $0xFFFF  }
0x53c: {  	[sflag:s0] =	ssyncadd.tile.s32 @!p0 $0x1;
	_ =	shalt  }
.Lfunc_end2:
_tile_overlayer_lowered:
.L_overlay_start_2:
0x53d: {  	(tag) =	ssettag $0x2  }
0x53e: {  	s0 =	rddreg [dreg:$0x0];
	s2 =	stileid.u32  }
0x53f: {  	s1 =	rddreg [dreg:$0x1];
	p0 =	sne.s32 s2, $0x0  }
0x540: {  	s3 =	rddreg [dreg:$0x2];
	[bflag:$0x3] =	sbarrier.arrive $0xFFFF;
	s2 =	simm.s32 @!p0 $0x1C03  }
0x541: {  	[timem:s3], [sflag:s2] =	dma.local @!p0 [hbm:s0], s1  }
0x542: {  	s0 =	simm.s32 @!p0 $0x3  }
0x543: {  	_ =	swait.ge @!p0 [sflag:s0], s1  }
0x544: {  	s1 =	ssub.s32 @!p0 $0x0, s1;
	[sflag:s0] =	ssyncset.done @!p0 $0x0  }
0x545: {  	[sflag:s0] =	ssyncadd.s32 @!p0 s1  }
0x546: {  	[bflag:$0x3] =	sbarrier.arrive $0xFFFF  }
0x547: {  	_ =	shalt  }

</sc_bundles>
